<compile_context>
chip_gen: v7x
topology: tpu7x:2x2x1
jax: 0.10.2.dev20260603
libtpu: 0.0.44.dev20260713+nightly
codegen_flags: <defaults>
</compile_context>

<pallas_src>
import functools

import jax
import jax.numpy as jnp
from jax import lax
from jax.experimental import pallas as pl
from jax.experimental.pallas import tpu as pltpu
from jax.experimental.pallas import tpu_sc as plsc

_COLS = (0, 217, 482, 491, 497, 566, 569, 571, 574, 701)
_N_ROWS = 16384
_N_IN = 1000
_K = 10
_G = 128
_TILES = sorted({c // _G for c in _COLS})
_NT = len(_TILES)
_W = _NT * _G

_SC_ROWS = 6144
_TC_ROWS = _N_ROWS - _SC_ROWS

_NC = 2
_NS = 16
_NWORK = _NC * _NS
_RPW = _SC_ROWS // _NWORK
_CH = 64
_NCH = _RPW // _CH
_NBUF = 2

_S = tuple(_TILES.index(c // _G) * _G + c % _G for c in _COLS)

_mesh = plsc.VectorSubcoreMesh(core_axis_name="c", subcore_axis_name="s")


@functools.partial(
    pl.kernel,
    mesh=_mesh,
    out_type=jax.ShapeDtypeStruct((_SC_ROWS, _K), jnp.float32),
    scratch_types=[
        pltpu.VMEM((_NBUF, _CH, _W), jnp.float32),
        pltpu.VMEM((_NBUF, _CH, _K), jnp.float32),
        pltpu.SemaphoreType.DMA,
        pltpu.SemaphoreType.DMA,
    ],
    compiler_params=pltpu.CompilerParams(needs_layout_passes=False),
)
def _sc_gather(x_hbm, out_hbm, buf, obuf, sem, osem):
    wid = lax.axis_index("s") * _NC + lax.axis_index("c")
    r0 = _TC_ROWS + wid * _RPW
    iota = lax.iota(jnp.int32, 16)

    def fire(ch, slot):
        rc = r0 + ch * _CH
        for k, t in enumerate(_TILES):
            pltpu.async_copy(
                x_hbm.at[pl.ds(rc, _CH), pl.ds(t * _G, _G)],
                buf.at[slot, :, pl.ds(k * _G, _G)],
                sem,
            )

    for s0 in range(_NBUF):
        fire(s0, s0)

    for ch in range(_NCH):
        slot = ch % _NBUF
        rc = r0 + ch * _CH
        for k, t in enumerate(_TILES):
            pltpu.make_async_copy(
                x_hbm.at[pl.ds(rc, _CH), pl.ds(t * _G, _G)],
                buf.at[slot, :, pl.ds(k * _G, _G)],
                sem,
            ).wait()
        if ch >= _NBUF:
            pltpu.make_async_copy(
                obuf.at[(ch - _NBUF) % _NBUF],
                out_hbm.at[pl.ds(r0 - _TC_ROWS + (ch - _NBUF) * _CH, _CH), :],
                osem,
            ).wait()

        def body(g, carry):
            rows = g * 16 + iota
            for j, s in enumerate(_S):
                v = plsc.load_gather(
                    buf.at[slot], [rows, jnp.full((16,), s, jnp.int32)]
                )
                plsc.store_scatter(
                    obuf.at[slot], [rows, jnp.full((16,), j, jnp.int32)], v
                )
            return carry

        lax.fori_loop(0, _CH // 16, body, 0)
        pltpu.async_copy(
            obuf.at[slot],
            out_hbm.at[pl.ds(r0 - _TC_ROWS + ch * _CH, _CH), :],
            osem,
        )
        if ch + _NBUF < _NCH:
            fire(ch + _NBUF, slot)

    for ch in range(_NCH - _NBUF, _NCH):
        pltpu.make_async_copy(
            obuf.at[ch % _NBUF],
            out_hbm.at[pl.ds(r0 - _TC_ROWS + ch * _CH, _CH), :],
            osem,
        ).wait()


_TCH = 512
_TNCH = _TC_ROWS // _TCH
_TNBUF = 4

def _tc_body(x_hbm, out_hbm, buf, obuf, in_sems, out_sems):
    def in_copy(i, slot, t):
        return pltpu.make_async_copy(
            x_hbm.at[pl.ds(i * _TCH, _TCH), pl.ds(_TILES[t] * _G, _G)],
            buf.at[slot, :, pl.ds(t * _G, _G)],
            in_sems.at[slot, t],
        )

    def out_copy(i, slot):
        return pltpu.make_async_copy(
            obuf.at[slot],
            out_hbm.at[pl.ds(i * _TCH, _TCH), :],
            out_sems.at[slot],
        )

    def fire(i):
        slot = lax.rem(i, _TNBUF)
        for t in range(_NT):
            in_copy(i, slot, t).start()

    for i in range(_TNBUF):
        fire(i)

    def step(i, carry):
        slot = lax.rem(i, _TNBUF)
        for t in range(_NT):
            in_copy(i, slot, t).wait()

        @pl.when(i >= _TNBUF)
        def _():
            out_copy(i - _TNBUF, slot).wait()

        xb = buf[slot]
        obuf[slot] = jnp.concatenate(
            [xb[:, s : s + 1] for s in _S], axis=1
        )
        out_copy(i, slot).start()

        @pl.when(i + _TNBUF < _TNCH)
        def _():
            fire(i + _TNBUF)

        return carry

    lax.fori_loop(0, _TNCH, step, 0)

    def drain(k, carry):
        i = _TNCH - _TNBUF + k
        out_copy(i, lax.rem(i, _TNBUF)).wait()
        return carry

    lax.fori_loop(0, _TNBUF, drain, 0)


def _tc_gather(x):
    return pl.pallas_call(
        _tc_body,
        in_specs=[pl.BlockSpec(memory_space=pltpu.HBM)],
        out_specs=pl.BlockSpec(memory_space=pltpu.HBM),
        out_shape=jax.ShapeDtypeStruct((_TC_ROWS, _K), jnp.float32),
        scratch_shapes=[
            pltpu.VMEM((_TNBUF, _TCH, _W), jnp.float32),
            pltpu.VMEM((_TNBUF, _TCH, _K), jnp.float32),
            pltpu.SemaphoreType.DMA((_TNBUF, _NT)),
            pltpu.SemaphoreType.DMA((_TNBUF,)),
        ],
    )(x)


@jax.jit
def kernel(x):
    y_sc = _sc_gather(x)
    y_tc = _tc_gather(x)
    return jnp.concatenate([y_tc, y_sc], axis=0)

# --- scband reference (transcript-rebuilt; emitter-appended) ---
"""Pipeline reference for scband-imagenette-wrapper-49563922596060 (READ-ONLY COPY).

The authoritative reference and input builder live on the scoring server;
editing this copy changes nothing except your own understanding.
"""

import jax, jax.numpy as jnp
import numpy as np

IMAGENETTE_INDICES = jnp.array([0, 217, 482, 491, 497, 566, 569, 571, 574, 701], dtype=jnp.int32)

def setup_inputs(seed: int = 0) -> dict:
    key = jax.random.key(seed)
    x = jax.random.normal(key, (16384, 1000), dtype=jnp.float32)
    return {"x": x}

def reference(x):
    # Faithful translation: column gather on a fixed index list
    return jnp.take(x, IMAGENETTE_INDICES, axis=1)

if __name__ == "__main__":
    import jax
    _d = setup_inputs()
    print(jax.jit(kernel)(*tuple(_d.values())))

</pallas_src>

<mosaic_0001>
#map = affine_map<(d0, d1) -> (0, 0)>
module attributes {stable_mosaic.version = 14 : i64} {
  func.func @_sc_gather(%arg0: i32, %arg1: i32, %arg2: memref<16384x1000xf32, #tpu.memory_space<hbm>>, %arg3: memref<6144x10xf32, #tpu.memory_space<hbm>>, %arg4: memref<2x64x640xf32, #tpu.memory_space<vmem>>, %arg5: memref<2x64x10xf32, #tpu.memory_space<vmem>>, %arg6: memref<!tpu.dma_semaphore, #tpu.memory_space<semaphore_mem>>, %arg7: memref<!tpu.dma_semaphore, #tpu.memory_space<semaphore_mem>>) attributes {dimension_semantics = [#tpu.dimension_semantics<core_parallel>, #tpu.dimension_semantics<subcore_parallel>], iteration_bounds = array<i64: 2, 16>, scalar_prefetch = 0 : i64, scratch_operands = 4 : i64, tpu.core_type = #tpu.core_type<sc_vector_subcore>, window_params = [{transform_indices = #map}, {transform_indices = #map}]} {
    %mul3A = arith.constant 2 : i32
    %mul3A_0 = arith.muli %arg1, %mul3A : i32
    %add3A = arith.addi %mul3A_0, %arg0 : i32
    %mul3A_1 = arith.constant 192 : i32
    %mul3A_2 = arith.muli %add3A, %mul3A_1 : i32
    %add3A_3 = arith.constant 10240 : i32
    %add3A_4 = arith.addi %add3A_3, %mul3A_2 : i32
    %iota3A = tpu.iota {dimensions = array<i32: 0>} : vector<16xi32>
    %add3A_5 = arith.constant 0 : i32
    %add3A_6 = arith.addi %add3A_4, %add3A_5 : i32
    %dma_start3A = arith.constant 0 : i32
    %dma_start3A_7 = arith.constant 0 : i32
    %dma_start3A_8 = arith.constant 0 : i32
    %dma_start3A_9 = tpu.memref_slice %arg4[%dma_start3A, %dma_start3A_7, %dma_start3A_8] : memref<2x64x640xf32, #tpu.memory_space<vmem>> -> memref<1x64x128xf32, #tpu.memory_space<vmem>>
    %dma_start3A_10 = tpu.memref_squeeze %dma_start3A_9 : memref<1x64x128xf32, #tpu.memory_space<vmem>> -> memref<64x128xf32, #tpu.memory_space<vmem>>
    %dma_start3A_11 = arith.constant 0 : i32
    %dma_start3A_12 = tpu.memref_slice %arg2[%add3A_6, %dma_start3A_11] : memref<16384x1000xf32, #tpu.memory_space<hbm>> -> memref<64x128xf32, #tpu.memory_space<hbm>>
    %dma_start3A_13 = arith.constant 0 : i32
    %dma_start3A_14 = arith.constant 0 : i32
    %dma_start3A_15 = tpu.memref_slice %arg4[%dma_start3A, %dma_start3A_13, %dma_start3A_14] : memref<2x64x640xf32, #tpu.memory_space<vmem>> -> memref<1x64x128xf32, #tpu.memory_space<vmem>>
    %dma_start3A_16 = tpu.memref_squeeze %dma_start3A_15 : memref<1x64x128xf32, #tpu.memory_space<vmem>> -> memref<64x128xf32, #tpu.memory_space<vmem>>
    %dma_start3A_17 = arith.constant 0 : i32
    %dma_start3A_18 = tpu.memref_slice %arg2[%add3A_6, %dma_start3A_17] : memref<16384x1000xf32, #tpu.memory_space<hbm>> -> memref<64x128xf32, #tpu.memory_space<hbm>>
    tpu.enqueue_dma source(%dma_start3A_18 : memref<64x128xf32, #tpu.memory_space<hbm>>) target(%dma_start3A_16 : memref<64x128xf32, #tpu.memory_space<vmem>>) target_semaphore(%arg6 : memref<!tpu.dma_semaphore, #tpu.memory_space<semaphore_mem>>)
    %dma_start3A_19 = arith.constant 0 : i32
    %dma_start3A_20 = arith.constant 0 : i32
    %dma_start3A_21 = arith.constant 128 : i32
    %dma_start3A_22 = tpu.memref_slice %arg4[%dma_start3A_19, %dma_start3A_20, %dma_start3A_21] : memref<2x64x640xf32, #tpu.memory_space<vmem>> -> memref<1x64x128xf32, #tpu.memory_space<vmem>>
    %dma_start3A_23 = tpu.memref_squeeze %dma_start3A_22 : memref<1x64x128xf32, #tpu.memory_space<vmem>> -> memref<64x128xf32, #tpu.memory_space<vmem>>
    %dma_start3A_24 = arith.constant 128 : i32
    %dma_start3A_25 = tpu.memref_slice %arg2[%add3A_6, %dma_start3A_24] : memref<16384x1000xf32, #tpu.memory_space<hbm>> -> memref<64x128xf32, #tpu.memory_space<hbm>>
    %dma_start3A_26 = arith.constant 0 : i32
    %dma_start3A_27 = arith.constant 128 : i32
    %dma_start3A_28 = tpu.memref_slice %arg4[%dma_start3A_19, %dma_start3A_26, %dma_start3A_27] : memref<2x64x640xf32, #tpu.memory_space<vmem>> -> memref<1x64x128xf32, #tpu.memory_space<vmem>>
    %dma_start3A_29 = tpu.memref_squeeze %dma_start3A_28 : memref<1x64x128xf32, #tpu.memory_space<vmem>> -> memref<64x128xf32, #tpu.memory_space<vmem>>
    %dma_start3A_30 = arith.constant 128 : i32
    %dma_start3A_31 = tpu.memref_slice %arg2[%add3A_6, %dma_start3A_30] : memref<16384x1000xf32, #tpu.memory_space<hbm>> -> memref<64x128xf32, #tpu.memory_space<hbm>>
    tpu.enqueue_dma source(%dma_start3A_31 : memref<64x128xf32, #tpu.memory_space<hbm>>) target(%dma_start3A_29 : memref<64x128xf32, #tpu.memory_space<vmem>>) target_semaphore(%arg6 : memref<!tpu.dma_semaphore, #tpu.memory_space<semaphore_mem>>)
    %dma_start3A_32 = arith.constant 0 : i32
    %dma_start3A_33 = arith.constant 0 : i32
    %dma_start3A_34 = arith.constant 256 : i32
    %dma_start3A_35 = tpu.memref_slice %arg4[%dma_start3A_32, %dma_start3A_33, %dma_start3A_34] : memref<2x64x640xf32, #tpu.memory_space<vmem>> -> memref<1x64x128xf32, #tpu.memory_space<vmem>>
    %dma_start3A_36 = tpu.memref_squeeze %dma_start3A_35 : memref<1x64x128xf32, #tpu.memory_space<vmem>> -> memref<64x128xf32, #tpu.memory_space<vmem>>
    %dma_start3A_37 = arith.constant 384 : i32
    %dma_start3A_38 = tpu.memref_slice %arg2[%add3A_6, %dma_start3A_37] : memref<16384x1000xf32, #tpu.memory_space<hbm>> -> memref<64x128xf32, #tpu.memory_space<hbm>>
    %dma_start3A_39 = arith.constant 0 : i32
    %dma_start3A_40 = arith.constant 256 : i32
    %dma_start3A_41 = tpu.memref_slice %arg4[%dma_start3A_32, %dma_start3A_39, %dma_start3A_40] : memref<2x64x640xf32, #tpu.memory_space<vmem>> -> memref<1x64x128xf32, #tpu.memory_space<vmem>>
    %dma_start3A_42 = tpu.memref_squeeze %dma_start3A_41 : memref<1x64x128xf32, #tpu.memory_space<vmem>> -> memref<64x128xf32, #tpu.memory_space<vmem>>
    %dma_start3A_43 = arith.constant 384 : i32
    %dma_start3A_44 = tpu.memref_slice %arg2[%add3A_6, %dma_start3A_43] : memref<16384x1000xf32, #tpu.memory_space<hbm>> -> memref<64x128xf32, #tpu.memory_space<hbm>>
    tpu.enqueue_dma source(%dma_start3A_44 : memref<64x128xf32, #tpu.memory_space<hbm>>) target(%dma_start3A_42 : memref<64x128xf32, #tpu.memory_space<vmem>>) target_semaphore(%arg6 : memref<!tpu.dma_semaphore, #tpu.memory_space<semaphore_mem>>)
    %dma_start3A_45 = arith.constant 0 : i32
    %dma_start3A_46 = arith.constant 0 : i32
    %dma_start3A_47 = arith.constant 384 : i32
    %dma_start3A_48 = tpu.memref_slice %arg4[%dma_start3A_45, %dma_start3A_46, %dma_start3A_47] : memref<2x64x640xf32, #tpu.memory_space<vmem>> -> memref<1x64x128xf32, #tpu.memory_space<vmem>>
    %dma_start3A_49 = tpu.memref_squeeze %dma_start3A_48 : memref<1x64x128xf32, #tpu.memory_space<vmem>> -> memref<64x128xf32, #tpu.memory_space<vmem>>
    %dma_start3A_50 = arith.constant 512 : i32
    %dma_start3A_51 = tpu.memref_slice %arg2[%add3A_6, %dma_start3A_50] : memref<16384x1000xf32, #tpu.memory_space<hbm>> -> memref<64x128xf32, #tpu.memory_space<hbm>>
    %dma_start3A_52 = arith.constant 0 : i32
    %dma_start3A_53 = arith.constant 384 : i32
    %dma_start3A_54 = tpu.memref_slice %arg4[%dma_start3A_45, %dma_start3A_52, %dma_start3A_53] : memref<2x64x640xf32, #tpu.memory_space<vmem>> -> memref<1x64x128xf32, #tpu.memory_space<vmem>>
    %dma_start3A_55 = tpu.memref_squeeze %dma_start3A_54 : memref<1x64x128xf32, #tpu.memory_space<vmem>> -> memref<64x128xf32, #tpu.memory_space<vmem>>
    %dma_start3A_56 = arith.constant 512 : i32
    %dma_start3A_57 = tpu.memref_slice %arg2[%add3A_6, %dma_start3A_56] : memref<16384x1000xf32, #tpu.memory_space<hbm>> -> memref<64x128xf32, #tpu.memory_space<hbm>>
    tpu.enqueue_dma source(%dma_start3A_57 : memref<64x128xf32, #tpu.memory_space<hbm>>) target(%dma_start3A_55 : memref<64x128xf32, #tpu.memory_space<vmem>>) target_semaphore(%arg6 : memref<!tpu.dma_semaphore, #tpu.memory_space<semaphore_mem>>)
    %dma_start3A_58 = arith.constant 0 : i32
    %dma_start3A_59 = arith.constant 0 : i32
    %dma_start3A_60 = arith.constant 512 : i32
    %dma_start3A_61 = tpu.memref_slice %arg4[%dma_start3A_58, %dma_start3A_59, %dma_start3A_60] : memref<2x64x640xf32, #tpu.memory_space<vmem>> -> memref<1x64x128xf32, #tpu.memory_space<vmem>>
    %dma_start3A_62 = tpu.memref_squeeze %dma_start3A_61 : memref<1x64x128xf32, #tpu.memory_space<vmem>> -> memref<64x128xf32, #tpu.memory_space<vmem>>
    %dma_start3A_63 = arith.constant 640 : i32
    %dma_start3A_64 = tpu.memref_slice %arg2[%add3A_6, %dma_start3A_63] : memref<16384x1000xf32, #tpu.memory_space<hbm>> -> memref<64x128xf32, #tpu.memory_space<hbm>>
    %dma_start3A_65 = arith.constant 0 : i32
    %dma_start3A_66 = arith.constant 512 : i32
    %dma_start3A_67 = tpu.memref_slice %arg4[%dma_start3A_58, %dma_start3A_65, %dma_start3A_66] : memref<2x64x640xf32, #tpu.memory_space<vmem>> -> memref<1x64x128xf32, #tpu.memory_space<vmem>>
    %dma_start3A_68 = tpu.memref_squeeze %dma_start3A_67 : memref<1x64x128xf32, #tpu.memory_space<vmem>> -> memref<64x128xf32, #tpu.memory_space<vmem>>
    %dma_start3A_69 = arith.constant 640 : i32
    %dma_start3A_70 = tpu.memref_slice %arg2[%add3A_6, %dma_start3A_69] : memref<16384x1000xf32, #tpu.memory_space<hbm>> -> memref<64x128xf32, #tpu.memory_space<hbm>>
    tpu.enqueue_dma source(%dma_start3A_70 : memref<64x128xf32, #tpu.memory_space<hbm>>) target(%dma_start3A_68 : memref<64x128xf32, #tpu.memory_space<vmem>>) target_semaphore(%arg6 : memref<!tpu.dma_semaphore, #tpu.memory_space<semaphore_mem>>)
    %add3A_71 = arith.constant 64 : i32
    %add3A_72 = arith.addi %add3A_4, %add3A_71 : i32
    %dma_start3A_73 = arith.constant 1 : i32
    %dma_start3A_74 = arith.constant 0 : i32
    %dma_start3A_75 = arith.constant 0 : i32
    %dma_start3A_76 = tpu.memref_slice %arg4[%dma_start3A_73, %dma_start3A_74, %dma_start3A_75] : memref<2x64x640xf32, #tpu.memory_space<vmem>> -> memref<1x64x128xf32, #tpu.memory_space<vmem>>
    %dma_start3A_77 = tpu.memref_squeeze %dma_start3A_76 : memref<1x64x128xf32, #tpu.memory_space<vmem>> -> memref<64x128xf32, #tpu.memory_space<vmem>>
    %dma_start3A_78 = arith.constant 0 : i32
    %dma_start3A_79 = tpu.memref_slice %arg2[%add3A_72, %dma_start3A_78] : memref<16384x1000xf32, #tpu.memory_space<hbm>> -> memref<64x128xf32, #tpu.memory_space<hbm>>
    %dma_start3A_80 = arith.constant 0 : i32
    %dma_start3A_81 = arith.constant 0 : i32
    %dma_start3A_82 = tpu.memref_slice %arg4[%dma_start3A_73, %dma_start3A_80, %dma_start3A_81] : memref<2x64x640xf32, #tpu.memory_space<vmem>> -> memref<1x64x128xf32, #tpu.memory_space<vmem>>
    %dma_start3A_83 = tpu.memref_squeeze %dma_start3A_82 : memref<1x64x128xf32, #tpu.memory_space<vmem>> -> memref<64x128xf32, #tpu.memory_space<vmem>>
    %dma_start3A_84 = arith.constant 0 : i32
    %dma_start3A_85 = tpu.memref_slice %arg2[%add3A_72, %dma_start3A_84] : memref<16384x1000xf32, #tpu.memory_space<hbm>> -> memref<64x128xf32, #tpu.memory_space<hbm>>
    tpu.enqueue_dma source(%dma_start3A_85 : memref<64x128xf32, #tpu.memory_space<hbm>>) target(%dma_start3A_83 : memref<64x128xf32, #tpu.memory_space<vmem>>) target_semaphore(%arg6 : memref<!tpu.dma_semaphore, #tpu.memory_space<semaphore_mem>>)
    %dma_start3A_86 = arith.constant 1 : i32
    %dma_start3A_87 = arith.constant 0 : i32
    %dma_start3A_88 = arith.constant 128 : i32
    %dma_start3A_89 = tpu.memref_slice %arg4[%dma_start3A_86, %dma_start3A_87, %dma_start3A_88] : memref<2x64x640xf32, #tpu.memory_space<vmem>> -> memref<1x64x128xf32, #tpu.memory_space<vmem>>
    %dma_start3A_90 = tpu.memref_squeeze %dma_start3A_89 : memref<1x64x128xf32, #tpu.memory_space<vmem>> -> memref<64x128xf32, #tpu.memory_space<vmem>>
    %dma_start3A_91 = arith.constant 128 : i32
    %dma_start3A_92 = tpu.memref_slice %arg2[%add3A_72, %dma_start3A_91] : memref<16384x1000xf32, #tpu.memory_space<hbm>> -> memref<64x128xf32, #tpu.memory_space<hbm>>
    %dma_start3A_93 = arith.constant 0 : i32
    %dma_start3A_94 = arith.constant 128 : i32
    %dma_start3A_95 = tpu.memref_slice %arg4[%dma_start3A_86, %dma_start3A_93, %dma_start3A_94] : memref<2x64x640xf32, #tpu.memory_space<vmem>> -> memref<1x64x128xf32, #tpu.memory_space<vmem>>
    %dma_start3A_96 = tpu.memref_squeeze %dma_start3A_95 : memref<1x64x128xf32, #tpu.memory_space<vmem>> -> memref<64x128xf32, #tpu.memory_space<vmem>>
    %dma_start3A_97 = arith.constant 128 : i32
    %dma_start3A_98 = tpu.memref_slice %arg2[%add3A_72, %dma_start3A_97] : memref<16384x1000xf32, #tpu.memory_space<hbm>> -> memref<64x128xf32, #tpu.memory_space<hbm>>
    tpu.enqueue_dma source(%dma_start3A_98 : memref<64x128xf32, #tpu.memory_space<hbm>>) target(%dma_start3A_96 : memref<64x128xf32, #tpu.memory_space<vmem>>) target_semaphore(%arg6 : memref<!tpu.dma_semaphore, #tpu.memory_space<semaphore_mem>>)
    %dma_start3A_99 = arith.constant 1 : i32
    %dma_start3A_100 = arith.constant 0 : i32
    %dma_start3A_101 = arith.constant 256 : i32
    %dma_start3A_102 = tpu.memref_slice %arg4[%dma_start3A_99, %dma_start3A_100, %dma_start3A_101] : memref<2x64x640xf32, #tpu.memory_space<vmem>> -> memref<1x64x128xf32, #tpu.memory_space<vmem>>
    %dma_start3A_103 = tpu.memref_squeeze %dma_start3A_102 : memref<1x64x128xf32, #tpu.memory_space<vmem>> -> memref<64x128xf32, #tpu.memory_space<vmem>>
    %dma_start3A_104 = arith.constant 384 : i32
    %dma_start3A_105 = tpu.memref_slice %arg2[%add3A_72, %dma_start3A_104] : memref<16384x1000xf32, #tpu.memory_space<hbm>> -> memref<64x128xf32, #tpu.memory_space<hbm>>
    %dma_start3A_106 = arith.constant 0 : i32
    %dma_start3A_107 = arith.constant 256 : i32
    %dma_start3A_108 = tpu.memref_slice %arg4[%dma_start3A_99, %dma_start3A_106, %dma_start3A_107] : memref<2x64x640xf32, #tpu.memory_space<vmem>> -> memref<1x64x128xf32, #tpu.memory_space<vmem>>
    %dma_start3A_109 = tpu.memref_squeeze %dma_start3A_108 : memref<1x64x128xf32, #tpu.memory_space<vmem>> -> memref<64x128xf32, #tpu.memory_space<vmem>>
    %dma_start3A_110 = arith.constant 384 : i32
    %dma_start3A_111 = tpu.memref_slice %arg2[%add3A_72, %dma_start3A_110] : memref<16384x1000xf32, #tpu.memory_space<hbm>> -> memref<64x128xf32, #tpu.memory_space<hbm>>
    tpu.enqueue_dma source(%dma_start3A_111 : memref<64x128xf32, #tpu.memory_space<hbm>>) target(%dma_start3A_109 : memref<64x128xf32, #tpu.memory_space<vmem>>) target_semaphore(%arg6 : memref<!tpu.dma_semaphore, #tpu.memory_space<semaphore_mem>>)
    %dma_start3A_112 = arith.constant 1 : i32
    %dma_start3A_113 = arith.constant 0 : i32
    %dma_start3A_114 = arith.constant 384 : i32
    %dma_start3A_115 = tpu.memref_slice %arg4[%dma_start3A_112, %dma_start3A_113, %dma_start3A_114] : memref<2x64x640xf32, #tpu.memory_space<vmem>> -> memref<1x64x128xf32, #tpu.memory_space<vmem>>
    %dma_start3A_116 = tpu.memref_squeeze %dma_start3A_115 : memref<1x64x128xf32, #tpu.memory_space<vmem>> -> memref<64x128xf32, #tpu.memory_space<vmem>>
    %dma_start3A_117 = arith.constant 512 : i32
    %dma_start3A_118 = tpu.memref_slice %arg2[%add3A_72, %dma_start3A_117] : memref<16384x1000xf32, #tpu.memory_space<hbm>> -> memref<64x128xf32, #tpu.memory_space<hbm>>
    %dma_start3A_119 = arith.constant 0 : i32
    %dma_start3A_120 = arith.constant 384 : i32
    %dma_start3A_121 = tpu.memref_slice %arg4[%dma_start3A_112, %dma_start3A_119, %dma_start3A_120] : memref<2x64x640xf32, #tpu.memory_space<vmem>> -> memref<1x64x128xf32, #tpu.memory_space<vmem>>
    %dma_start3A_122 = tpu.memref_squeeze %dma_start3A_121 : memref<1x64x128xf32, #tpu.memory_space<vmem>> -> memref<64x128xf32, #tpu.memory_space<vmem>>
    %dma_start3A_123 = arith.constant 512 : i32
    %dma_start3A_124 = tpu.memref_slice %arg2[%add3A_72, %dma_start3A_123] : memref<16384x1000xf32, #tpu.memory_space<hbm>> -> memref<64x128xf32, #tpu.memory_space<hbm>>
    tpu.enqueue_dma source(%dma_start3A_124 : memref<64x128xf32, #tpu.memory_space<hbm>>) target(%dma_start3A_122 : memref<64x128xf32, #tpu.memory_space<vmem>>) target_semaphore(%arg6 : memref<!tpu.dma_semaphore, #tpu.memory_space<semaphore_mem>>)
    %dma_start3A_125 = arith.constant 1 : i32
    %dma_start3A_126 = arith.constant 0 : i32
    %dma_start3A_127 = arith.constant 512 : i32
    %dma_start3A_128 = tpu.memref_slice %arg4[%dma_start3A_125, %dma_start3A_126, %dma_start3A_127] : memref<2x64x640xf32, #tpu.memory_space<vmem>> -> memref<1x64x128xf32, #tpu.memory_space<vmem>>
    %dma_start3A_129 = tpu.memref_squeeze %dma_start3A_128 : memref<1x64x128xf32, #tpu.memory_space<vmem>> -> memref<64x128xf32, #tpu.memory_space<vmem>>
    %dma_start3A_130 = arith.constant 640 : i32
    %dma_start3A_131 = tpu.memref_slice %arg2[%add3A_72, %dma_start3A_130] : memref<16384x1000xf32, #tpu.memory_space<hbm>> -> memref<64x128xf32, #tpu.memory_space<hbm>>
    %dma_start3A_132 = arith.constant 0 : i32
    %dma_start3A_133 = arith.constant 512 : i32
    %dma_start3A_134 = tpu.memref_slice %arg4[%dma_start3A_125, %dma_start3A_132, %dma_start3A_133] : memref<2x64x640xf32, #tpu.memory_space<vmem>> -> memref<1x64x128xf32, #tpu.memory_space<vmem>>
    %dma_start3A_135 = tpu.memref_squeeze %dma_start3A_134 : memref<1x64x128xf32, #tpu.memory_space<vmem>> -> memref<64x128xf32, #tpu.memory_space<vmem>>
    %dma_start3A_136 = arith.constant 640 : i32
    %dma_start3A_137 = tpu.memref_slice %arg2[%add3A_72, %dma_start3A_136] : memref<16384x1000xf32, #tpu.memory_space<hbm>> -> memref<64x128xf32, #tpu.memory_space<hbm>>
    tpu.enqueue_dma source(%dma_start3A_137 : memref<64x128xf32, #tpu.memory_space<hbm>>) target(%dma_start3A_135 : memref<64x128xf32, #tpu.memory_space<vmem>>) target_semaphore(%arg6 : memref<!tpu.dma_semaphore, #tpu.memory_space<semaphore_mem>>)
    %add3A_138 = arith.constant 0 : i32
    %add3A_139 = arith.addi %add3A_4, %add3A_138 : i32
    %dma_wait3A = arith.constant 0 : i32
    %dma_wait3A_140 = arith.constant 0 : i32
    %dma_wait3A_141 = arith.constant 0 : i32
    %dma_wait3A_142 = tpu.memref_slice %arg4[%dma_wait3A, %dma_wait3A_140, %dma_wait3A_141] : memref<2x64x640xf32, #tpu.memory_space<vmem>> -> memref<1x64x128xf32, #tpu.memory_space<vmem>>
    %dma_wait3A_143 = tpu.memref_squeeze %dma_wait3A_142 : memref<1x64x128xf32, #tpu.memory_space<vmem>> -> memref<64x128xf32, #tpu.memory_space<vmem>>
    %dma_wait3A_144 = arith.constant 0 : i32
    %dma_wait3A_145 = tpu.memref_slice %arg2[%add3A_139, %dma_wait3A_144] : memref<16384x1000xf32, #tpu.memory_space<hbm>> -> memref<64x128xf32, #tpu.memory_space<hbm>>
    %dma_wait3A_146 = arith.constant 0 : i32
    %dma_wait3A_147 = arith.constant 0 : i32
    %dma_wait3A_148 = tpu.memref_slice %arg4[%dma_wait3A, %dma_wait3A_146, %dma_wait3A_147] : memref<2x64x640xf32, #tpu.memory_space<vmem>> -> memref<1x64x128xf32, #tpu.memory_space<vmem>>
    %dma_wait3A_149 = tpu.memref_squeeze %dma_wait3A_148 : memref<1x64x128xf32, #tpu.memory_space<vmem>> -> memref<64x128xf32, #tpu.memory_space<vmem>>
    %dma_wait3A_150 = arith.constant 0 : i32
    %dma_wait3A_151 = tpu.memref_slice %arg2[%add3A_139, %dma_wait3A_150] : memref<16384x1000xf32, #tpu.memory_space<hbm>> -> memref<64x128xf32, #tpu.memory_space<hbm>>
    tpu.wait_dma2 semaphore(%arg6 : memref<!tpu.dma_semaphore, #tpu.memory_space<semaphore_mem>>) src(%dma_wait3A_151 : memref<64x128xf32, #tpu.memory_space<hbm>>) dst(%dma_wait3A_149 : memref<64x128xf32, #tpu.memory_space<vmem>>)
    %dma_wait3A_152 = arith.constant 0 : i32
    %dma_wait3A_153 = arith.constant 0 : i32
    %dma_wait3A_154 = arith.constant 128 : i32
    %dma_wait3A_155 = tpu.memref_slice %arg4[%dma_wait3A_152, %dma_wait3A_153, %dma_wait3A_154] : memref<2x64x640xf32, #tpu.memory_space<vmem>> -> memref<1x64x128xf32, #tpu.memory_space<vmem>>
    %dma_wait3A_156 = tpu.memref_squeeze %dma_wait3A_155 : memref<1x64x128xf32, #tpu.memory_space<vmem>> -> memref<64x128xf32, #tpu.memory_space<vmem>>
    %dma_wait3A_157 = arith.constant 128 : i32
    %dma_wait3A_158 = tpu.memref_slice %arg2[%add3A_139, %dma_wait3A_157] : memref<16384x1000xf32, #tpu.memory_space<hbm>> -> memref<64x128xf32, #tpu.memory_space<hbm>>
    %dma_wait3A_159 = arith.constant 0 : i32
    %dma_wait3A_160 = arith.constant 128 : i32
    %dma_wait3A_161 = tpu.memref_slice %arg4[%dma_wait3A_152, %dma_wait3A_159, %dma_wait3A_160] : memref<2x64x640xf32, #tpu.memory_space<vmem>> -> memref<1x64x128xf32, #tpu.memory_space<vmem>>
    %dma_wait3A_162 = tpu.memref_squeeze %dma_wait3A_161 : memref<1x64x128xf32, #tpu.memory_space<vmem>> -> memref<64x128xf32, #tpu.memory_space<vmem>>
    %dma_wait3A_163 = arith.constant 128 : i32
    %dma_wait3A_164 = tpu.memref_slice %arg2[%add3A_139, %dma_wait3A_163] : memref<16384x1000xf32, #tpu.memory_space<hbm>> -> memref<64x128xf32, #tpu.memory_space<hbm>>
    tpu.wait_dma2 semaphore(%arg6 : memref<!tpu.dma_semaphore, #tpu.memory_space<semaphore_mem>>) src(%dma_wait3A_164 : memref<64x128xf32, #tpu.memory_space<hbm>>) dst(%dma_wait3A_162 : memref<64x128xf32, #tpu.memory_space<vmem>>)
    %dma_wait3A_165 = arith.constant 0 : i32
    %dma_wait3A_166 = arith.constant 0 : i32
    %dma_wait3A_167 = arith.constant 256 : i32
    %dma_wait3A_168 = tpu.memref_slice %arg4[%dma_wait3A_165, %dma_wait3A_166, %dma_wait3A_167] : memref<2x64x640xf32, #tpu.memory_space<vmem>> -> memref<1x64x128xf32, #tpu.memory_space<vmem>>
    %dma_wait3A_169 = tpu.memref_squeeze %dma_wait3A_168 : memref<1x64x128xf32, #tpu.memory_space<vmem>> -> memref<64x128xf32, #tpu.memory_space<vmem>>
    %dma_wait3A_170 = arith.constant 384 : i32
    %dma_wait3A_171 = tpu.memref_slice %arg2[%add3A_139, %dma_wait3A_170] : memref<16384x1000xf32, #tpu.memory_space<hbm>> -> memref<64x128xf32, #tpu.memory_space<hbm>>
    %dma_wait3A_172 = arith.constant 0 : i32
    %dma_wait3A_173 = arith.constant 256 : i32
    %dma_wait3A_174 = tpu.memref_slice %arg4[%dma_wait3A_165, %dma_wait3A_172, %dma_wait3A_173] : memref<2x64x640xf32, #tpu.memory_space<vmem>> -> memref<1x64x128xf32, #tpu.memory_space<vmem>>
    %dma_wait3A_175 = tpu.memref_squeeze %dma_wait3A_174 : memref<1x64x128xf32, #tpu.memory_space<vmem>> -> memref<64x128xf32, #tpu.memory_space<vmem>>
    %dma_wait3A_176 = arith.constant 384 : i32
    %dma_wait3A_177 = tpu.memref_slice %arg2[%add3A_139, %dma_wait3A_176] : memref<16384x1000xf32, #tpu.memory_space<hbm>> -> memref<64x128xf32, #tpu.memory_space<hbm>>
    tpu.wait_dma2 semaphore(%arg6 : memref<!tpu.dma_semaphore, #tpu.memory_space<semaphore_mem>>) src(%dma_wait3A_177 : memref<64x128xf32, #tpu.memory_space<hbm>>) dst(%dma_wait3A_175 : memref<64x128xf32, #tpu.memory_space<vmem>>)
    %dma_wait3A_178 = arith.constant 0 : i32
    %dma_wait3A_179 = arith.constant 0 : i32
    %dma_wait3A_180 = arith.constant 384 : i32
    %dma_wait3A_181 = tpu.memref_slice %arg4[%dma_wait3A_178, %dma_wait3A_179, %dma_wait3A_180] : memref<2x64x640xf32, #tpu.memory_space<vmem>> -> memref<1x64x128xf32, #tpu.memory_space<vmem>>
    %dma_wait3A_182 = tpu.memref_squeeze %dma_wait3A_181 : memref<1x64x128xf32, #tpu.memory_space<vmem>> -> memref<64x128xf32, #tpu.memory_space<vmem>>
    %dma_wait3A_183 = arith.constant 512 : i32
    %dma_wait3A_184 = tpu.memref_slice %arg2[%add3A_139, %dma_wait3A_183] : memref<16384x1000xf32, #tpu.memory_space<hbm>> -> memref<64x128xf32, #tpu.memory_space<hbm>>
    %dma_wait3A_185 = arith.constant 0 : i32
    %dma_wait3A_186 = arith.constant 384 : i32
    %dma_wait3A_187 = tpu.memref_slice %arg4[%dma_wait3A_178, %dma_wait3A_185, %dma_wait3A_186] : memref<2x64x640xf32, #tpu.memory_space<vmem>> -> memref<1x64x128xf32, #tpu.memory_space<vmem>>
    %dma_wait3A_188 = tpu.memref_squeeze %dma_wait3A_187 : memref<1x64x128xf32, #tpu.memory_space<vmem>> -> memref<64x128xf32, #tpu.memory_space<vmem>>
    %dma_wait3A_189 = arith.constant 512 : i32
    %dma_wait3A_190 = tpu.memref_slice %arg2[%add3A_139, %dma_wait3A_189] : memref<16384x1000xf32, #tpu.memory_space<hbm>> -> memref<64x128xf32, #tpu.memory_space<hbm>>
    tpu.wait_dma2 semaphore(%arg6 : memref<!tpu.dma_semaphore, #tpu.memory_space<semaphore_mem>>) src(%dma_wait3A_190 : memref<64x128xf32, #tpu.memory_space<hbm>>) dst(%dma_wait3A_188 : memref<64x128xf32, #tpu.memory_space<vmem>>)
    %dma_wait3A_191 = arith.constant 0 : i32
    %dma_wait3A_192 = arith.constant 0 : i32
    %dma_wait3A_193 = arith.constant 512 : i32
    %dma_wait3A_194 = tpu.memref_slice %arg4[%dma_wait3A_191, %dma_wait3A_192, %dma_wait3A_193] : memref<2x64x640xf32, #tpu.memory_space<vmem>> -> memref<1x64x128xf32, #tpu.memory_space<vmem>>
    %dma_wait3A_195 = tpu.memref_squeeze %dma_wait3A_194 : memref<1x64x128xf32, #tpu.memory_space<vmem>> -> memref<64x128xf32, #tpu.memory_space<vmem>>
    %dma_wait3A_196 = arith.constant 640 : i32
    %dma_wait3A_197 = tpu.memref_slice %arg2[%add3A_139, %dma_wait3A_196] : memref<16384x1000xf32, #tpu.memory_space<hbm>> -> memref<64x128xf32, #tpu.memory_space<hbm>>
    %dma_wait3A_198 = arith.constant 0 : i32
    %dma_wait3A_199 = arith.constant 512 : i32
    %dma_wait3A_200 = tpu.memref_slice %arg4[%dma_wait3A_191, %dma_wait3A_198, %dma_wait3A_199] : memref<2x64x640xf32, #tpu.memory_space<vmem>> -> memref<1x64x128xf32, #tpu.memory_space<vmem>>
    %dma_wait3A_201 = tpu.memref_squeeze %dma_wait3A_200 : memref<1x64x128xf32, #tpu.memory_space<vmem>> -> memref<64x128xf32, #tpu.memory_space<vmem>>
    %dma_wait3A_202 = arith.constant 640 : i32
    %dma_wait3A_203 = tpu.memref_slice %arg2[%add3A_139, %dma_wait3A_202] : memref<16384x1000xf32, #tpu.memory_space<hbm>> -> memref<64x128xf32, #tpu.memory_space<hbm>>
    tpu.wait_dma2 semaphore(%arg6 : memref<!tpu.dma_semaphore, #tpu.memory_space<semaphore_mem>>) src(%dma_wait3A_203 : memref<64x128xf32, #tpu.memory_space<hbm>>) dst(%dma_wait3A_201 : memref<64x128xf32, #tpu.memory_space<vmem>>)
    %scan3A = arith.constant 0 : i32
    %scan3A_204 = arith.constant 0 : i32
    %scan3A_205 = arith.constant 4 : i32
    %scan3A_206 = arith.addi %scan3A_204, %scan3A_205 : i32
    %scan3A_207 = arith.constant 1 : i32
    scf.for %scan3A_523 = %scan3A_204 to %scan3A_206 step %scan3A_207  : i32 {
      %mul3A_524 = arith.constant 16 : i32
      %mul3A_525 = arith.muli %scan3A_523, %mul3A_524 : i32
      %add3A_526 = vector.broadcast %mul3A_525 : i32 to vector<16xi32>
      %add3A_527 = arith.addi %add3A_526, %iota3A : vector<16xi32>
      %broadcast_in_dim3A = arith.constant 0 : i32
      %broadcast_in_dim3A_528 = vector.broadcast %broadcast_in_dim3A : i32 to vector<16xi32>
      %gather3A = arith.constant 0 : i32
      %gather3A_529 = arith.constant 0 : i32
      %gather3A_530 = arith.constant 0 : i32
      %gather3A_531 = tpu.memref_slice %arg4[%gather3A, %gather3A_529, %gather3A_530] : memref<2x64x640xf32, #tpu.memory_space<vmem>> -> memref<1x64x640xf32, #tpu.memory_space<vmem>>
      %gather3A_532 = tpu.memref_squeeze %gather3A_531 : memref<1x64x640xf32, #tpu.memory_space<vmem>> -> memref<64x640xf32, #tpu.memory_space<vmem>>
      %gather3A_533 = tpu.vector_load_idx %gather3A_532[%add3A_527, %broadcast_in_dim3A_528] : memref<64x640xf32, #tpu.memory_space<vmem>>[vector<16xi32>, vector<16xi32>], vector<16xf32>,
      %broadcast_in_dim3A_534 = arith.constant 0 : i32
      %broadcast_in_dim3A_535 = vector.broadcast %broadcast_in_dim3A_534 : i32 to vector<16xi32>
      %scatter3A = arith.constant 0 : i32
      %scatter3A_536 = arith.constant 0 : i32
      %scatter3A_537 = arith.constant 0 : i32
      %scatter3A_538 = tpu.memref_slice %arg5[%scatter3A, %scatter3A_536, %scatter3A_537] : memref<2x64x10xf32, #tpu.memory_space<vmem>> -> memref<1x64x10xf32, #tpu.memory_space<vmem>>
      %scatter3A_539 = tpu.memref_squeeze %scatter3A_538 : memref<1x64x10xf32, #tpu.memory_space<vmem>> -> memref<64x10xf32, #tpu.memory_space<vmem>>
      tpu.vector_store_idx %scatter3A_539[%add3A_527, %broadcast_in_dim3A_535], %gather3A_533 : memref<64x10xf32, #tpu.memory_space<vmem>>[vector<16xi32>, vector<16xi32>], vector<16xf32>,
      %broadcast_in_dim3A_540 = arith.constant 217 : i32
      %broadcast_in_dim3A_541 = vector.broadcast %broadcast_in_dim3A_540 : i32 to vector<16xi32>
      %gather3A_542 = arith.constant 0 : i32
      %gather3A_543 = arith.constant 0 : i32
      %gather3A_544 = arith.constant 0 : i32
      %gather3A_545 = tpu.memref_slice %arg4[%gather3A_542, %gather3A_543, %gather3A_544] : memref<2x64x640xf32, #tpu.memory_space<vmem>> -> memref<1x64x640xf32, #tpu.memory_space<vmem>>
      %gather3A_546 = tpu.memref_squeeze %gather3A_545 : memref<1x64x640xf32, #tpu.memory_space<vmem>> -> memref<64x640xf32, #tpu.memory_space<vmem>>
      %gather3A_547 = tpu.vector_load_idx %gather3A_546[%add3A_527, %broadcast_in_dim3A_541] : memref<64x640xf32, #tpu.memory_space<vmem>>[vector<16xi32>, vector<16xi32>], vector<16xf32>,
      %broadcast_in_dim3A_548 = arith.constant 1 : i32
      %broadcast_in_dim3A_549 = vector.broadcast %broadcast_in_dim3A_548 : i32 to vector<16xi32>
      %scatter3A_550 = arith.constant 0 : i32
      %scatter3A_551 = arith.constant 0 : i32
      %scatter3A_552 = arith.constant 0 : i32
      %scatter3A_553 = tpu.memref_slice %arg5[%scatter3A_550, %scatter3A_551, %scatter3A_552] : memref<2x64x10xf32, #tpu.memory_space<vmem>> -> memref<1x64x10xf32, #tpu.memory_space<vmem>>
      %scatter3A_554 = tpu.memref_squeeze %scatter3A_553 : memref<1x64x10xf32, #tpu.memory_space<vmem>> -> memref<64x10xf32, #tpu.memory_space<vmem>>
      tpu.vector_store_idx %scatter3A_554[%add3A_527, %broadcast_in_dim3A_549], %gather3A_547 : memref<64x10xf32, #tpu.memory_space<vmem>>[vector<16xi32>, vector<16xi32>], vector<16xf32>,
      %broadcast_in_dim3A_555 = arith.constant 354 : i32
      %broadcast_in_dim3A_556 = vector.broadcast %broadcast_in_dim3A_555 : i32 to vector<16xi32>
      %gather3A_557 = arith.constant 0 : i32
      %gather3A_558 = arith.constant 0 : i32
      %gather3A_559 = arith.constant 0 : i32
      %gather3A_560 = tpu.memref_slice %arg4[%gather3A_557, %gather3A_558, %gather3A_559] : memref<2x64x640xf32, #tpu.memory_space<vmem>> -> memref<1x64x640xf32, #tpu.memory_space<vmem>>
      %gather3A_561 = tpu.memref_squeeze %gather3A_560 : memref<1x64x640xf32, #tpu.memory_space<vmem>> -> memref<64x640xf32, #tpu.memory_space<vmem>>
      %gather3A_562 = tpu.vector_load_idx %gather3A_561[%add3A_527, %broadcast_in_dim3A_556] : memref<64x640xf32, #tpu.memory_space<vmem>>[vector<16xi32>, vector<16xi32>], vector<16xf32>,
      %broadcast_in_dim3A_563 = arith.constant 2 : i32
      %broadcast_in_dim3A_564 = vector.broadcast %broadcast_in_dim3A_563 : i32 to vector<16xi32>
      %scatter3A_565 = arith.constant 0 : i32
      %scatter3A_566 = arith.constant 0 : i32
      %scatter3A_567 = arith.constant 0 : i32
      %scatter3A_568 = tpu.memref_slice %arg5[%scatter3A_565, %scatter3A_566, %scatter3A_567] : memref<2x64x10xf32, #tpu.memory_space<vmem>> -> memref<1x64x10xf32, #tpu.memory_space<vmem>>
      %scatter3A_569 = tpu.memref_squeeze %scatter3A_568 : memref<1x64x10xf32, #tpu.memory_space<vmem>> -> memref<64x10xf32, #tpu.memory_space<vmem>>
      tpu.vector_store_idx %scatter3A_569[%add3A_527, %broadcast_in_dim3A_564], %gather3A_562 : memref<64x10xf32, #tpu.memory_space<vmem>>[vector<16xi32>, vector<16xi32>], vector<16xf32>,
      %broadcast_in_dim3A_570 = arith.constant 363 : i32
      %broadcast_in_dim3A_571 = vector.broadcast %broadcast_in_dim3A_570 : i32 to vector<16xi32>
      %gather3A_572 = arith.constant 0 : i32
      %gather3A_573 = arith.constant 0 : i32
      %gather3A_574 = arith.constant 0 : i32
      %gather3A_575 = tpu.memref_slice %arg4[%gather3A_572, %gather3A_573, %gather3A_574] : memref<2x64x640xf32, #tpu.memory_space<vmem>> -> memref<1x64x640xf32, #tpu.memory_space<vmem>>
      %gather3A_576 = tpu.memref_squeeze %gather3A_575 : memref<1x64x640xf32, #tpu.memory_space<vmem>> -> memref<64x640xf32, #tpu.memory_space<vmem>>
      %gather3A_577 = tpu.vector_load_idx %gather3A_576[%add3A_527, %broadcast_in_dim3A_571] : memref<64x640xf32, #tpu.memory_space<vmem>>[vector<16xi32>, vector<16xi32>], vector<16xf32>,
      %broadcast_in_dim3A_578 = arith.constant 3 : i32
      %broadcast_in_dim3A_579 = vector.broadcast %broadcast_in_dim3A_578 : i32 to vector<16xi32>
      %scatter3A_580 = arith.constant 0 : i32
      %scatter3A_581 = arith.constant 0 : i32
      %scatter3A_582 = arith.constant 0 : i32
      %scatter3A_583 = tpu.memref_slice %arg5[%scatter3A_580, %scatter3A_581, %scatter3A_582] : memref<2x64x10xf32, #tpu.memory_space<vmem>> -> memref<1x64x10xf32, #tpu.memory_space<vmem>>
      %scatter3A_584 = tpu.memref_squeeze %scatter3A_583 : memref<1x64x10xf32, #tpu.memory_space<vmem>> -> memref<64x10xf32, #tpu.memory_space<vmem>>
      tpu.vector_store_idx %scatter3A_584[%add3A_527, %broadcast_in_dim3A_579], %gather3A_577 : memref<64x10xf32, #tpu.memory_space<vmem>>[vector<16xi32>, vector<16xi32>], vector<16xf32>,
      %broadcast_in_dim3A_585 = arith.constant 369 : i32
      %broadcast_in_dim3A_586 = vector.broadcast %broadcast_in_dim3A_585 : i32 to vector<16xi32>
      %gather3A_587 = arith.constant 0 : i32
      %gather3A_588 = arith.constant 0 : i32
      %gather3A_589 = arith.constant 0 : i32
      %gather3A_590 = tpu.memref_slice %arg4[%gather3A_587, %gather3A_588, %gather3A_589] : memref<2x64x640xf32, #tpu.memory_space<vmem>> -> memref<1x64x640xf32, #tpu.memory_space<vmem>>
      %gather3A_591 = tpu.memref_squeeze %gather3A_590 : memref<1x64x640xf32, #tpu.memory_space<vmem>> -> memref<64x640xf32, #tpu.memory_space<vmem>>
      %gather3A_592 = tpu.vector_load_idx %gather3A_591[%add3A_527, %broadcast_in_dim3A_586] : memref<64x640xf32, #tpu.memory_space<vmem>>[vector<16xi32>, vector<16xi32>], vector<16xf32>,
      %broadcast_in_dim3A_593 = arith.constant 4 : i32
      %broadcast_in_dim3A_594 = vector.broadcast %broadcast_in_dim3A_593 : i32 to vector<16xi32>
      %scatter3A_595 = arith.constant 0 : i32
      %scatter3A_596 = arith.constant 0 : i32
      %scatter3A_597 = arith.constant 0 : i32
      %scatter3A_598 = tpu.memref_slice %arg5[%scatter3A_595, %scatter3A_596, %scatter3A_597] : memref<2x64x10xf32, #tpu.memory_space<vmem>> -> memref<1x64x10xf32, #tpu.memory_space<vmem>>
      %scatter3A_599 = tpu.memref_squeeze %scatter3A_598 : memref<1x64x10xf32, #tpu.memory_space<vmem>> -> memref<64x10xf32, #tpu.memory_space<vmem>>
      tpu.vector_store_idx %scatter3A_599[%add3A_527, %broadcast_in_dim3A_594], %gather3A_592 : memref<64x10xf32, #tpu.memory_space<vmem>>[vector<16xi32>, vector<16xi32>], vector<16xf32>,
      %broadcast_in_dim3A_600 = arith.constant 438 : i32
      %broadcast_in_dim3A_601 = vector.broadcast %broadcast_in_dim3A_600 : i32 to vector<16xi32>
      %gather3A_602 = arith.constant 0 : i32
      %gather3A_603 = arith.constant 0 : i32
      %gather3A_604 = arith.constant 0 : i32
      %gather3A_605 = tpu.memref_slice %arg4[%gather3A_602, %gather3A_603, %gather3A_604] : memref<2x64x640xf32, #tpu.memory_space<vmem>> -> memref<1x64x640xf32, #tpu.memory_space<vmem>>
      %gather3A_606 = tpu.memref_squeeze %gather3A_605 : memref<1x64x640xf32, #tpu.memory_space<vmem>> -> memref<64x640xf32, #tpu.memory_space<vmem>>
      %gather3A_607 = tpu.vector_load_idx %gather3A_606[%add3A_527, %broadcast_in_dim3A_601] : memref<64x640xf32, #tpu.memory_space<vmem>>[vector<16xi32>, vector<16xi32>], vector<16xf32>,
      %broadcast_in_dim3A_608 = arith.constant 5 : i32
      %broadcast_in_dim3A_609 = vector.broadcast %broadcast_in_dim3A_608 : i32 to vector<16xi32>
      %scatter3A_610 = arith.constant 0 : i32
      %scatter3A_611 = arith.constant 0 : i32
      %scatter3A_612 = arith.constant 0 : i32
      %scatter3A_613 = tpu.memref_slice %arg5[%scatter3A_610, %scatter3A_611, %scatter3A_612] : memref<2x64x10xf32, #tpu.memory_space<vmem>> -> memref<1x64x10xf32, #tpu.memory_space<vmem>>
      %scatter3A_614 = tpu.memref_squeeze %scatter3A_613 : memref<1x64x10xf32, #tpu.memory_space<vmem>> -> memref<64x10xf32, #tpu.memory_space<vmem>>
      tpu.vector_store_idx %scatter3A_614[%add3A_527, %broadcast_in_dim3A_609], %gather3A_607 : memref<64x10xf32, #tpu.memory_space<vmem>>[vector<16xi32>, vector<16xi32>], vector<16xf32>,
      %broadcast_in_dim3A_615 = arith.constant 441 : i32
      %broadcast_in_dim3A_616 = vector.broadcast %broadcast_in_dim3A_615 : i32 to vector<16xi32>
      %gather3A_617 = arith.constant 0 : i32
      %gather3A_618 = arith.constant 0 : i32
      %gather3A_619 = arith.constant 0 : i32
      %gather3A_620 = tpu.memref_slice %arg4[%gather3A_617, %gather3A_618, %gather3A_619] : memref<2x64x640xf32, #tpu.memory_space<vmem>> -> memref<1x64x640xf32, #tpu.memory_space<vmem>>
      %gather3A_621 = tpu.memref_squeeze %gather3A_620 : memref<1x64x640xf32, #tpu.memory_space<vmem>> -> memref<64x640xf32, #tpu.memory_space<vmem>>
      %gather3A_622 = tpu.vector_load_idx %gather3A_621[%add3A_527, %broadcast_in_dim3A_616] : memref<64x640xf32, #tpu.memory_space<vmem>>[vector<16xi32>, vector<16xi32>], vector<16xf32>,
      %broadcast_in_dim3A_623 = arith.constant 6 : i32
      %broadcast_in_dim3A_624 = vector.broadcast %broadcast_in_dim3A_623 : i32 to vector<16xi32>
      %scatter3A_625 = arith.constant 0 : i32
      %scatter3A_626 = arith.constant 0 : i32
      %scatter3A_627 = arith.constant 0 : i32
      %scatter3A_628 = tpu.memref_slice %arg5[%scatter3A_625, %scatter3A_626, %scatter3A_627] : memref<2x64x10xf32, #tpu.memory_space<vmem>> -> memref<1x64x10xf32, #tpu.memory_space<vmem>>
      %scatter3A_629 = tpu.memref_squeeze %scatter3A_628 : memref<1x64x10xf32, #tpu.memory_space<vmem>> -> memref<64x10xf32, #tpu.memory_space<vmem>>
      tpu.vector_store_idx %scatter3A_629[%add3A_527, %broadcast_in_dim3A_624], %gather3A_622 : memref<64x10xf32, #tpu.memory_space<vmem>>[vector<16xi32>, vector<16xi32>], vector<16xf32>,
      %broadcast_in_dim3A_630 = arith.constant 443 : i32
      %broadcast_in_dim3A_631 = vector.broadcast %broadcast_in_dim3A_630 : i32 to vector<16xi32>
      %gather3A_632 = arith.constant 0 : i32
      %gather3A_633 = arith.constant 0 : i32
      %gather3A_634 = arith.constant 0 : i32
      %gather3A_635 = tpu.memref_slice %arg4[%gather3A_632, %gather3A_633, %gather3A_634] : memref<2x64x640xf32, #tpu.memory_space<vmem>> -> memref<1x64x640xf32, #tpu.memory_space<vmem>>
      %gather3A_636 = tpu.memref_squeeze %gather3A_635 : memref<1x64x640xf32, #tpu.memory_space<vmem>> -> memref<64x640xf32, #tpu.memory_space<vmem>>
      %gather3A_637 = tpu.vector_load_idx %gather3A_636[%add3A_527, %broadcast_in_dim3A_631] : memref<64x640xf32, #tpu.memory_space<vmem>>[vector<16xi32>, vector<16xi32>], vector<16xf32>,
      %broadcast_in_dim3A_638 = arith.constant 7 : i32
      %broadcast_in_dim3A_639 = vector.broadcast %broadcast_in_dim3A_638 : i32 to vector<16xi32>
      %scatter3A_640 = arith.constant 0 : i32
      %scatter3A_641 = arith.constant 0 : i32
      %scatter3A_642 = arith.constant 0 : i32
      %scatter3A_643 = tpu.memref_slice %arg5[%scatter3A_640, %scatter3A_641, %scatter3A_642] : memref<2x64x10xf32, #tpu.memory_space<vmem>> -> memref<1x64x10xf32, #tpu.memory_space<vmem>>
      %scatter3A_644 = tpu.memref_squeeze %scatter3A_643 : memref<1x64x10xf32, #tpu.memory_space<vmem>> -> memref<64x10xf32, #tpu.memory_space<vmem>>
      tpu.vector_store_idx %scatter3A_644[%add3A_527, %broadcast_in_dim3A_639], %gather3A_637 : memref<64x10xf32, #tpu.memory_space<vmem>>[vector<16xi32>, vector<16xi32>], vector<16xf32>,
      %broadcast_in_dim3A_645 = arith.constant 446 : i32
      %broadcast_in_dim3A_646 = vector.broadcast %broadcast_in_dim3A_645 : i32 to vector<16xi32>
      %gather3A_647 = arith.constant 0 : i32
      %gather3A_648 = arith.constant 0 : i32
      %gather3A_649 = arith.constant 0 : i32
      %gather3A_650 = tpu.memref_slice %arg4[%gather3A_647, %gather3A_648, %gather3A_649] : memref<2x64x640xf32, #tpu.memory_space<vmem>> -> memref<1x64x640xf32, #tpu.memory_space<vmem>>
      %gather3A_651 = tpu.memref_squeeze %gather3A_650 : memref<1x64x640xf32, #tpu.memory_space<vmem>> -> memref<64x640xf32, #tpu.memory_space<vmem>>
      %gather3A_652 = tpu.vector_load_idx %gather3A_651[%add3A_527, %broadcast_in_dim3A_646] : memref<64x640xf32, #tpu.memory_space<vmem>>[vector<16xi32>, vector<16xi32>], vector<16xf32>,
      %broadcast_in_dim3A_653 = arith.constant 8 : i32
      %broadcast_in_dim3A_654 = vector.broadcast %broadcast_in_dim3A_653 : i32 to vector<16xi32>
      %scatter3A_655 = arith.constant 0 : i32
      %scatter3A_656 = arith.constant 0 : i32
      %scatter3A_657 = arith.constant 0 : i32
      %scatter3A_658 = tpu.memref_slice %arg5[%scatter3A_655, %scatter3A_656, %scatter3A_657] : memref<2x64x10xf32, #tpu.memory_space<vmem>> -> memref<1x64x10xf32, #tpu.memory_space<vmem>>
      %scatter3A_659 = tpu.memref_squeeze %scatter3A_658 : memref<1x64x10xf32, #tpu.memory_space<vmem>> -> memref<64x10xf32, #tpu.memory_space<vmem>>
      tpu.vector_store_idx %scatter3A_659[%add3A_527, %broadcast_in_dim3A_654], %gather3A_652 : memref<64x10xf32, #tpu.memory_space<vmem>>[vector<16xi32>, vector<16xi32>], vector<16xf32>,
      %broadcast_in_dim3A_660 = arith.constant 573 : i32
      %broadcast_in_dim3A_661 = vector.broadcast %broadcast_in_dim3A_660 : i32 to vector<16xi32>
      %gather3A_662 = arith.constant 0 : i32
      %gather3A_663 = arith.constant 0 : i32
      %gather3A_664 = arith.constant 0 : i32
      %gather3A_665 = tpu.memref_slice %arg4[%gather3A_662, %gather3A_663, %gather3A_664] : memref<2x64x640xf32, #tpu.memory_space<vmem>> -> memref<1x64x640xf32, #tpu.memory_space<vmem>>
      %gather3A_666 = tpu.memref_squeeze %gather3A_665 : memref<1x64x640xf32, #tpu.memory_space<vmem>> -> memref<64x640xf32, #tpu.memory_space<vmem>>
      %gather3A_667 = tpu.vector_load_idx %gather3A_666[%add3A_527, %broadcast_in_dim3A_661] : memref<64x640xf32, #tpu.memory_space<vmem>>[vector<16xi32>, vector<16xi32>], vector<16xf32>,
      %broadcast_in_dim3A_668 = arith.constant 9 : i32
      %broadcast_in_dim3A_669 = vector.broadcast %broadcast_in_dim3A_668 : i32 to vector<16xi32>
      %scatter3A_670 = arith.constant 0 : i32
      %scatter3A_671 = arith.constant 0 : i32
      %scatter3A_672 = arith.constant 0 : i32
      %scatter3A_673 = tpu.memref_slice %arg5[%scatter3A_670, %scatter3A_671, %scatter3A_672] : memref<2x64x10xf32, #tpu.memory_space<vmem>> -> memref<1x64x10xf32, #tpu.memory_space<vmem>>
      %scatter3A_674 = tpu.memref_squeeze %scatter3A_673 : memref<1x64x10xf32, #tpu.memory_space<vmem>> -> memref<64x10xf32, #tpu.memory_space<vmem>>
      tpu.vector_store_idx %scatter3A_674[%add3A_527, %broadcast_in_dim3A_669], %gather3A_667 : memref<64x10xf32, #tpu.memory_space<vmem>>[vector<16xi32>, vector<16xi32>], vector<16xf32>,
    }
    %scan3A_208 = arith.constant 4 : i32
    %sub3A = arith.constant 10240 : i32
    %sub3A_209 = arith.subi %add3A_4, %sub3A : i32
    %add3A_210 = arith.constant 0 : i32
    %add3A_211 = arith.addi %sub3A_209, %add3A_210 : i32
    %dma_start3A_212 = arith.constant 0 : i32
    %dma_start3A_213 = arith.constant 0 : i32
    %dma_start3A_214 = arith.constant 0 : i32
    %dma_start3A_215 = tpu.memref_slice %arg5[%dma_start3A_212, %dma_start3A_213, %dma_start3A_214] : memref<2x64x10xf32, #tpu.memory_space<vmem>> -> memref<1x64x10xf32, #tpu.memory_space<vmem>>
    %dma_start3A_216 = tpu.memref_squeeze %dma_start3A_215 : memref<1x64x10xf32, #tpu.memory_space<vmem>> -> memref<64x10xf32, #tpu.memory_space<vmem>>
    %dma_start3A_217 = arith.constant 0 : i32
    %dma_start3A_218 = tpu.memref_slice %arg3[%add3A_211, %dma_start3A_217] : memref<6144x10xf32, #tpu.memory_space<hbm>> -> memref<64x10xf32, #tpu.memory_space<hbm>>
    %dma_start3A_219 = arith.constant 0 : i32
    %dma_start3A_220 = tpu.memref_slice %arg3[%add3A_211, %dma_start3A_219] : memref<6144x10xf32, #tpu.memory_space<hbm>> -> memref<64x10xf32, #tpu.memory_space<hbm>>
    %dma_start3A_221 = arith.constant 0 : i32
    %dma_start3A_222 = arith.constant 0 : i32
    %dma_start3A_223 = tpu.memref_slice %arg5[%dma_start3A_212, %dma_start3A_221, %dma_start3A_222] : memref<2x64x10xf32, #tpu.memory_space<vmem>> -> memref<1x64x10xf32, #tpu.memory_space<vmem>>
    %dma_start3A_224 = tpu.memref_squeeze %dma_start3A_223 : memref<1x64x10xf32, #tpu.memory_space<vmem>> -> memref<64x10xf32, #tpu.memory_space<vmem>>
    tpu.enqueue_dma source(%dma_start3A_224 : memref<64x10xf32, #tpu.memory_space<vmem>>) target(%dma_start3A_220 : memref<64x10xf32, #tpu.memory_space<hbm>>) target_semaphore(%arg7 : memref<!tpu.dma_semaphore, #tpu.memory_space<semaphore_mem>>)
    %add3A_225 = arith.constant 128 : i32
    %add3A_226 = arith.addi %add3A_4, %add3A_225 : i32
    %dma_start3A_227 = arith.constant 0 : i32
    %dma_start3A_228 = arith.constant 0 : i32
    %dma_start3A_229 = arith.constant 0 : i32
    %dma_start3A_230 = tpu.memref_slice %arg4[%dma_start3A_227, %dma_start3A_228, %dma_start3A_229] : memref<2x64x640xf32, #tpu.memory_space<vmem>> -> memref<1x64x128xf32, #tpu.memory_space<vmem>>
    %dma_start3A_231 = tpu.memref_squeeze %dma_start3A_230 : memref<1x64x128xf32, #tpu.memory_space<vmem>> -> memref<64x128xf32, #tpu.memory_space<vmem>>
    %dma_start3A_232 = arith.constant 0 : i32
    %dma_start3A_233 = tpu.memref_slice %arg2[%add3A_226, %dma_start3A_232] : memref<16384x1000xf32, #tpu.memory_space<hbm>> -> memref<64x128xf32, #tpu.memory_space<hbm>>
    %dma_start3A_234 = arith.constant 0 : i32
    %dma_start3A_235 = arith.constant 0 : i32
    %dma_start3A_236 = tpu.memref_slice %arg4[%dma_start3A_227, %dma_start3A_234, %dma_start3A_235] : memref<2x64x640xf32, #tpu.memory_space<vmem>> -> memref<1x64x128xf32, #tpu.memory_space<vmem>>
    %dma_start3A_237 = tpu.memref_squeeze %dma_start3A_236 : memref<1x64x128xf32, #tpu.memory_space<vmem>> -> memref<64x128xf32, #tpu.memory_space<vmem>>
    %dma_start3A_238 = arith.constant 0 : i32
    %dma_start3A_239 = tpu.memref_slice %arg2[%add3A_226, %dma_start3A_238] : memref<16384x1000xf32, #tpu.memory_space<hbm>> -> memref<64x128xf32, #tpu.memory_space<hbm>>
    tpu.enqueue_dma source(%dma_start3A_239 : memref<64x128xf32, #tpu.memory_space<hbm>>) target(%dma_start3A_237 : memref<64x128xf32, #tpu.memory_space<vmem>>) target_semaphore(%arg6 : memref<!tpu.dma_semaphore, #tpu.memory_space<semaphore_mem>>)
    %dma_start3A_240 = arith.constant 0 : i32
    %dma_start3A_241 = arith.constant 0 : i32
    %dma_start3A_242 = arith.constant 128 : i32
    %dma_start3A_243 = tpu.memref_slice %arg4[%dma_start3A_240, %dma_start3A_241, %dma_start3A_242] : memref<2x64x640xf32, #tpu.memory_space<vmem>> -> memref<1x64x128xf32, #tpu.memory_space<vmem>>
    %dma_start3A_244 = tpu.memref_squeeze %dma_start3A_243 : memref<1x64x128xf32, #tpu.memory_space<vmem>> -> memref<64x128xf32, #tpu.memory_space<vmem>>
    %dma_start3A_245 = arith.constant 128 : i32
    %dma_start3A_246 = tpu.memref_slice %arg2[%add3A_226, %dma_start3A_245] : memref<16384x1000xf32, #tpu.memory_space<hbm>> -> memref<64x128xf32, #tpu.memory_space<hbm>>
    %dma_start3A_247 = arith.constant 0 : i32
    %dma_start3A_248 = arith.constant 128 : i32
    %dma_start3A_249 = tpu.memref_slice %arg4[%dma_start3A_240, %dma_start3A_247, %dma_start3A_248] : memref<2x64x640xf32, #tpu.memory_space<vmem>> -> memref<1x64x128xf32, #tpu.memory_space<vmem>>
    %dma_start3A_250 = tpu.memref_squeeze %dma_start3A_249 : memref<1x64x128xf32, #tpu.memory_space<vmem>> -> memref<64x128xf32, #tpu.memory_space<vmem>>
    %dma_start3A_251 = arith.constant 128 : i32
    %dma_start3A_252 = tpu.memref_slice %arg2[%add3A_226, %dma_start3A_251] : memref<16384x1000xf32, #tpu.memory_space<hbm>> -> memref<64x128xf32, #tpu.memory_space<hbm>>
    tpu.enqueue_dma source(%dma_start3A_252 : memref<64x128xf32, #tpu.memory_space<hbm>>) target(%dma_start3A_250 : memref<64x128xf32, #tpu.memory_space<vmem>>) target_semaphore(%arg6 : memref<!tpu.dma_semaphore, #tpu.memory_space<semaphore_mem>>)
    %dma_start3A_253 = arith.constant 0 : i32
    %dma_start3A_254 = arith.constant 0 : i32
    %dma_start3A_255 = arith.constant 256 : i32
    %dma_start3A_256 = tpu.memref_slice %arg4[%dma_start3A_253, %dma_start3A_254, %dma_start3A_255] : memref<2x64x640xf32, #tpu.memory_space<vmem>> -> memref<1x64x128xf32, #tpu.memory_space<vmem>>
    %dma_start3A_257 = tpu.memref_squeeze %dma_start3A_256 : memref<1x64x128xf32, #tpu.memory_space<vmem>> -> memref<64x128xf32, #tpu.memory_space<vmem>>
    %dma_start3A_258 = arith.constant 384 : i32
    %dma_start3A_259 = tpu.memref_slice %arg2[%add3A_226, %dma_start3A_258] : memref<16384x1000xf32, #tpu.memory_space<hbm>> -> memref<64x128xf32, #tpu.memory_space<hbm>>
    %dma_start3A_260 = arith.constant 0 : i32
    %dma_start3A_261 = arith.constant 256 : i32
    %dma_start3A_262 = tpu.memref_slice %arg4[%dma_start3A_253, %dma_start3A_260, %dma_start3A_261] : memref<2x64x640xf32, #tpu.memory_space<vmem>> -> memref<1x64x128xf32, #tpu.memory_space<vmem>>
    %dma_start3A_263 = tpu.memref_squeeze %dma_start3A_262 : memref<1x64x128xf32, #tpu.memory_space<vmem>> -> memref<64x128xf32, #tpu.memory_space<vmem>>
    %dma_start3A_264 = arith.constant 384 : i32
    %dma_start3A_265 = tpu.memref_slice %arg2[%add3A_226, %dma_start3A_264] : memref<16384x1000xf32, #tpu.memory_space<hbm>> -> memref<64x128xf32, #tpu.memory_space<hbm>>
    tpu.enqueue_dma source(%dma_start3A_265 : memref<64x128xf32, #tpu.memory_space<hbm>>) target(%dma_start3A_263 : memref<64x128xf32, #tpu.memory_space<vmem>>) target_semaphore(%arg6 : memref<!tpu.dma_semaphore, #tpu.memory_space<semaphore_mem>>)
    %dma_start3A_266 = arith.constant 0 : i32
    %dma_start3A_267 = arith.constant 0 : i32
    %dma_start3A_268 = arith.constant 384 : i32
    %dma_start3A_269 = tpu.memref_slice %arg4[%dma_start3A_266, %dma_start3A_267, %dma_start3A_268] : memref<2x64x640xf32, #tpu.memory_space<vmem>> -> memref<1x64x128xf32, #tpu.memory_space<vmem>>
    %dma_start3A_270 = tpu.memref_squeeze %dma_start3A_269 : memref<1x64x128xf32, #tpu.memory_space<vmem>> -> memref<64x128xf32, #tpu.memory_space<vmem>>
    %dma_start3A_271 = arith.constant 512 : i32
    %dma_start3A_272 = tpu.memref_slice %arg2[%add3A_226, %dma_start3A_271] : memref<16384x1000xf32, #tpu.memory_space<hbm>> -> memref<64x128xf32, #tpu.memory_space<hbm>>
    %dma_start3A_273 = arith.constant 0 : i32
    %dma_start3A_274 = arith.constant 384 : i32
    %dma_start3A_275 = tpu.memref_slice %arg4[%dma_start3A_266, %dma_start3A_273, %dma_start3A_274] : memref<2x64x640xf32, #tpu.memory_space<vmem>> -> memref<1x64x128xf32, #tpu.memory_space<vmem>>
    %dma_start3A_276 = tpu.memref_squeeze %dma_start3A_275 : memref<1x64x128xf32, #tpu.memory_space<vmem>> -> memref<64x128xf32, #tpu.memory_space<vmem>>
    %dma_start3A_277 = arith.constant 512 : i32
    %dma_start3A_278 = tpu.memref_slice %arg2[%add3A_226, %dma_start3A_277] : memref<16384x1000xf32, #tpu.memory_space<hbm>> -> memref<64x128xf32, #tpu.memory_space<hbm>>
    tpu.enqueue_dma source(%dma_start3A_278 : memref<64x128xf32, #tpu.memory_space<hbm>>) target(%dma_start3A_276 : memref<64x128xf32, #tpu.memory_space<vmem>>) target_semaphore(%arg6 : memref<!tpu.dma_semaphore, #tpu.memory_space<semaphore_mem>>)
    %dma_start3A_279 = arith.constant 0 : i32
    %dma_start3A_280 = arith.constant 0 : i32
    %dma_start3A_281 = arith.constant 512 : i32
    %dma_start3A_282 = tpu.memref_slice %arg4[%dma_start3A_279, %dma_start3A_280, %dma_start3A_281] : memref<2x64x640xf32, #tpu.memory_space<vmem>> -> memref<1x64x128xf32, #tpu.memory_space<vmem>>
    %dma_start3A_283 = tpu.memref_squeeze %dma_start3A_282 : memref<1x64x128xf32, #tpu.memory_space<vmem>> -> memref<64x128xf32, #tpu.memory_space<vmem>>
    %dma_start3A_284 = arith.constant 640 : i32
    %dma_start3A_285 = tpu.memref_slice %arg2[%add3A_226, %dma_start3A_284] : memref<16384x1000xf32, #tpu.memory_space<hbm>> -> memref<64x128xf32, #tpu.memory_space<hbm>>
    %dma_start3A_286 = arith.constant 0 : i32
    %dma_start3A_287 = arith.constant 512 : i32
    %dma_start3A_288 = tpu.memref_slice %arg4[%dma_start3A_279, %dma_start3A_286, %dma_start3A_287] : memref<2x64x640xf32, #tpu.memory_space<vmem>> -> memref<1x64x128xf32, #tpu.memory_space<vmem>>
    %dma_start3A_289 = tpu.memref_squeeze %dma_start3A_288 : memref<1x64x128xf32, #tpu.memory_space<vmem>> -> memref<64x128xf32, #tpu.memory_space<vmem>>
    %dma_start3A_290 = arith.constant 640 : i32
    %dma_start3A_291 = tpu.memref_slice %arg2[%add3A_226, %dma_start3A_290] : memref<16384x1000xf32, #tpu.memory_space<hbm>> -> memref<64x128xf32, #tpu.memory_space<hbm>>
    tpu.enqueue_dma source(%dma_start3A_291 : memref<64x128xf32, #tpu.memory_space<hbm>>) target(%dma_start3A_289 : memref<64x128xf32, #tpu.memory_space<vmem>>) target_semaphore(%arg6 : memref<!tpu.dma_semaphore, #tpu.memory_space<semaphore_mem>>)
    %add3A_292 = arith.constant 64 : i32
    %add3A_293 = arith.addi %add3A_4, %add3A_292 : i32
    %dma_wait3A_294 = arith.constant 1 : i32
    %dma_wait3A_295 = arith.constant 0 : i32
    %dma_wait3A_296 = arith.constant 0 : i32
    %dma_wait3A_297 = tpu.memref_slice %arg4[%dma_wait3A_294, %dma_wait3A_295, %dma_wait3A_296] : memref<2x64x640xf32, #tpu.memory_space<vmem>> -> memref<1x64x128xf32, #tpu.memory_space<vmem>>
    %dma_wait3A_298 = tpu.memref_squeeze %dma_wait3A_297 : memref<1x64x128xf32, #tpu.memory_space<vmem>> -> memref<64x128xf32, #tpu.memory_space<vmem>>
    %dma_wait3A_299 = arith.constant 0 : i32
    %dma_wait3A_300 = tpu.memref_slice %arg2[%add3A_293, %dma_wait3A_299] : memref<16384x1000xf32, #tpu.memory_space<hbm>> -> memref<64x128xf32, #tpu.memory_space<hbm>>
    %dma_wait3A_301 = arith.constant 0 : i32
    %dma_wait3A_302 = arith.constant 0 : i32
    %dma_wait3A_303 = tpu.memref_slice %arg4[%dma_wait3A_294, %dma_wait3A_301, %dma_wait3A_302] : memref<2x64x640xf32, #tpu.memory_space<vmem>> -> memref<1x64x128xf32, #tpu.memory_space<vmem>>
    %dma_wait3A_304 = tpu.memref_squeeze %dma_wait3A_303 : memref<1x64x128xf32, #tpu.memory_space<vmem>> -> memref<64x128xf32, #tpu.memory_space<vmem>>
    %dma_wait3A_305 = arith.constant 0 : i32
    %dma_wait3A_306 = tpu.memref_slice %arg2[%add3A_293, %dma_wait3A_305] : memref<16384x1000xf32, #tpu.memory_space<hbm>> -> memref<64x128xf32, #tpu.memory_space<hbm>>
    tpu.wait_dma2 semaphore(%arg6 : memref<!tpu.dma_semaphore, #tpu.memory_space<semaphore_mem>>) src(%dma_wait3A_306 : memref<64x128xf32, #tpu.memory_space<hbm>>) dst(%dma_wait3A_304 : memref<64x128xf32, #tpu.memory_space<vmem>>)
    %dma_wait3A_307 = arith.constant 1 : i32
    %dma_wait3A_308 = arith.constant 0 : i32
    %dma_wait3A_309 = arith.constant 128 : i32
    %dma_wait3A_310 = tpu.memref_slice %arg4[%dma_wait3A_307, %dma_wait3A_308, %dma_wait3A_309] : memref<2x64x640xf32, #tpu.memory_space<vmem>> -> memref<1x64x128xf32, #tpu.memory_space<vmem>>
    %dma_wait3A_311 = tpu.memref_squeeze %dma_wait3A_310 : memref<1x64x128xf32, #tpu.memory_space<vmem>> -> memref<64x128xf32, #tpu.memory_space<vmem>>
    %dma_wait3A_312 = arith.constant 128 : i32
    %dma_wait3A_313 = tpu.memref_slice %arg2[%add3A_293, %dma_wait3A_312] : memref<16384x1000xf32, #tpu.memory_space<hbm>> -> memref<64x128xf32, #tpu.memory_space<hbm>>
    %dma_wait3A_314 = arith.constant 0 : i32
    %dma_wait3A_315 = arith.constant 128 : i32
    %dma_wait3A_316 = tpu.memref_slice %arg4[%dma_wait3A_307, %dma_wait3A_314, %dma_wait3A_315] : memref<2x64x640xf32, #tpu.memory_space<vmem>> -> memref<1x64x128xf32, #tpu.memory_space<vmem>>
    %dma_wait3A_317 = tpu.memref_squeeze %dma_wait3A_316 : memref<1x64x128xf32, #tpu.memory_space<vmem>> -> memref<64x128xf32, #tpu.memory_space<vmem>>
    %dma_wait3A_318 = arith.constant 128 : i32
    %dma_wait3A_319 = tpu.memref_slice %arg2[%add3A_293, %dma_wait3A_318] : memref<16384x1000xf32, #tpu.memory_space<hbm>> -> memref<64x128xf32, #tpu.memory_space<hbm>>
    tpu.wait_dma2 semaphore(%arg6 : memref<!tpu.dma_semaphore, #tpu.memory_space<semaphore_mem>>) src(%dma_wait3A_319 : memref<64x128xf32, #tpu.memory_space<hbm>>) dst(%dma_wait3A_317 : memref<64x128xf32, #tpu.memory_space<vmem>>)
    %dma_wait3A_320 = arith.constant 1 : i32
    %dma_wait3A_321 = arith.constant 0 : i32
    %dma_wait3A_322 = arith.constant 256 : i32
    %dma_wait3A_323 = tpu.memref_slice %arg4[%dma_wait3A_320, %dma_wait3A_321, %dma_wait3A_322] : memref<2x64x640xf32, #tpu.memory_space<vmem>> -> memref<1x64x128xf32, #tpu.memory_space<vmem>>
    %dma_wait3A_324 = tpu.memref_squeeze %dma_wait3A_323 : memref<1x64x128xf32, #tpu.memory_space<vmem>> -> memref<64x128xf32, #tpu.memory_space<vmem>>
    %dma_wait3A_325 = arith.constant 384 : i32
    %dma_wait3A_326 = tpu.memref_slice %arg2[%add3A_293, %dma_wait3A_325] : memref<16384x1000xf32, #tpu.memory_space<hbm>> -> memref<64x128xf32, #tpu.memory_space<hbm>>
    %dma_wait3A_327 = arith.constant 0 : i32
    %dma_wait3A_328 = arith.constant 256 : i32
    %dma_wait3A_329 = tpu.memref_slice %arg4[%dma_wait3A_320, %dma_wait3A_327, %dma_wait3A_328] : memref<2x64x640xf32, #tpu.memory_space<vmem>> -> memref<1x64x128xf32, #tpu.memory_space<vmem>>
    %dma_wait3A_330 = tpu.memref_squeeze %dma_wait3A_329 : memref<1x64x128xf32, #tpu.memory_space<vmem>> -> memref<64x128xf32, #tpu.memory_space<vmem>>
    %dma_wait3A_331 = arith.constant 384 : i32
    %dma_wait3A_332 = tpu.memref_slice %arg2[%add3A_293, %dma_wait3A_331] : memref<16384x1000xf32, #tpu.memory_space<hbm>> -> memref<64x128xf32, #tpu.memory_space<hbm>>
    tpu.wait_dma2 semaphore(%arg6 : memref<!tpu.dma_semaphore, #tpu.memory_space<semaphore_mem>>) src(%dma_wait3A_332 : memref<64x128xf32, #tpu.memory_space<hbm>>) dst(%dma_wait3A_330 : memref<64x128xf32, #tpu.memory_space<vmem>>)
    %dma_wait3A_333 = arith.constant 1 : i32
    %dma_wait3A_334 = arith.constant 0 : i32
    %dma_wait3A_335 = arith.constant 384 : i32
    %dma_wait3A_336 = tpu.memref_slice %arg4[%dma_wait3A_333, %dma_wait3A_334, %dma_wait3A_335] : memref<2x64x640xf32, #tpu.memory_space<vmem>> -> memref<1x64x128xf32, #tpu.memory_space<vmem>>
    %dma_wait3A_337 = tpu.memref_squeeze %dma_wait3A_336 : memref<1x64x128xf32, #tpu.memory_space<vmem>> -> memref<64x128xf32, #tpu.memory_space<vmem>>
    %dma_wait3A_338 = arith.constant 512 : i32
    %dma_wait3A_339 = tpu.memref_slice %arg2[%add3A_293, %dma_wait3A_338] : memref<16384x1000xf32, #tpu.memory_space<hbm>> -> memref<64x128xf32, #tpu.memory_space<hbm>>
    %dma_wait3A_340 = arith.constant 0 : i32
    %dma_wait3A_341 = arith.constant 384 : i32
    %dma_wait3A_342 = tpu.memref_slice %arg4[%dma_wait3A_333, %dma_wait3A_340, %dma_wait3A_341] : memref<2x64x640xf32, #tpu.memory_space<vmem>> -> memref<1x64x128xf32, #tpu.memory_space<vmem>>
    %dma_wait3A_343 = tpu.memref_squeeze %dma_wait3A_342 : memref<1x64x128xf32, #tpu.memory_space<vmem>> -> memref<64x128xf32, #tpu.memory_space<vmem>>
    %dma_wait3A_344 = arith.constant 512 : i32
    %dma_wait3A_345 = tpu.memref_slice %arg2[%add3A_293, %dma_wait3A_344] : memref<16384x1000xf32, #tpu.memory_space<hbm>> -> memref<64x128xf32, #tpu.memory_space<hbm>>
    tpu.wait_dma2 semaphore(%arg6 : memref<!tpu.dma_semaphore, #tpu.memory_space<semaphore_mem>>) src(%dma_wait3A_345 : memref<64x128xf32, #tpu.memory_space<hbm>>) dst(%dma_wait3A_343 : memref<64x128xf32, #tpu.memory_space<vmem>>)
    %dma_wait3A_346 = arith.constant 1 : i32
    %dma_wait3A_347 = arith.constant 0 : i32
    %dma_wait3A_348 = arith.constant 512 : i32
    %dma_wait3A_349 = tpu.memref_slice %arg4[%dma_wait3A_346, %dma_wait3A_347, %dma_wait3A_348] : memref<2x64x640xf32, #tpu.memory_space<vmem>> -> memref<1x64x128xf32, #tpu.memory_space<vmem>>
    %dma_wait3A_350 = tpu.memref_squeeze %dma_wait3A_349 : memref<1x64x128xf32, #tpu.memory_space<vmem>> -> memref<64x128xf32, #tpu.memory_space<vmem>>
    %dma_wait3A_351 = arith.constant 640 : i32
    %dma_wait3A_352 = tpu.memref_slice %arg2[%add3A_293, %dma_wait3A_351] : memref<16384x1000xf32, #tpu.memory_space<hbm>> -> memref<64x128xf32, #tpu.memory_space<hbm>>
    %dma_wait3A_353 = arith.constant 0 : i32
    %dma_wait3A_354 = arith.constant 512 : i32
    %dma_wait3A_355 = tpu.memref_slice %arg4[%dma_wait3A_346, %dma_wait3A_353, %dma_wait3A_354] : memref<2x64x640xf32, #tpu.memory_space<vmem>> -> memref<1x64x128xf32, #tpu.memory_space<vmem>>
    %dma_wait3A_356 = tpu.memref_squeeze %dma_wait3A_355 : memref<1x64x128xf32, #tpu.memory_space<vmem>> -> memref<64x128xf32, #tpu.memory_space<vmem>>
    %dma_wait3A_357 = arith.constant 640 : i32
    %dma_wait3A_358 = tpu.memref_slice %arg2[%add3A_293, %dma_wait3A_357] : memref<16384x1000xf32, #tpu.memory_space<hbm>> -> memref<64x128xf32, #tpu.memory_space<hbm>>
    tpu.wait_dma2 semaphore(%arg6 : memref<!tpu.dma_semaphore, #tpu.memory_space<semaphore_mem>>) src(%dma_wait3A_358 : memref<64x128xf32, #tpu.memory_space<hbm>>) dst(%dma_wait3A_356 : memref<64x128xf32, #tpu.memory_space<vmem>>)
    %scan3A_359 = arith.constant 0 : i32
    %scan3A_360 = arith.constant 0 : i32
    %scan3A_361 = arith.constant 4 : i32
    %scan3A_362 = arith.addi %scan3A_360, %scan3A_361 : i32
    %scan3A_363 = arith.constant 1 : i32
    scf.for %scan3A_523 = %scan3A_360 to %scan3A_362 step %scan3A_363  : i32 {
      %mul3A_524 = arith.constant 16 : i32
      %mul3A_525 = arith.muli %scan3A_523, %mul3A_524 : i32
      %add3A_526 = vector.broadcast %mul3A_525 : i32 to vector<16xi32>
      %add3A_527 = arith.addi %add3A_526, %iota3A : vector<16xi32>
      %broadcast_in_dim3A = arith.constant 0 : i32
      %broadcast_in_dim3A_528 = vector.broadcast %broadcast_in_dim3A : i32 to vector<16xi32>
      %gather3A = arith.constant 1 : i32
      %gather3A_529 = arith.constant 0 : i32
      %gather3A_530 = arith.constant 0 : i32
      %gather3A_531 = tpu.memref_slice %arg4[%gather3A, %gather3A_529, %gather3A_530] : memref<2x64x640xf32, #tpu.memory_space<vmem>> -> memref<1x64x640xf32, #tpu.memory_space<vmem>>
      %gather3A_532 = tpu.memref_squeeze %gather3A_531 : memref<1x64x640xf32, #tpu.memory_space<vmem>> -> memref<64x640xf32, #tpu.memory_space<vmem>>
      %gather3A_533 = tpu.vector_load_idx %gather3A_532[%add3A_527, %broadcast_in_dim3A_528] : memref<64x640xf32, #tpu.memory_space<vmem>>[vector<16xi32>, vector<16xi32>], vector<16xf32>,
      %broadcast_in_dim3A_534 = arith.constant 0 : i32
      %broadcast_in_dim3A_535 = vector.broadcast %broadcast_in_dim3A_534 : i32 to vector<16xi32>
      %scatter3A = arith.constant 1 : i32
      %scatter3A_536 = arith.constant 0 : i32
      %scatter3A_537 = arith.constant 0 : i32
      %scatter3A_538 = tpu.memref_slice %arg5[%scatter3A, %scatter3A_536, %scatter3A_537] : memref<2x64x10xf32, #tpu.memory_space<vmem>> -> memref<1x64x10xf32, #tpu.memory_space<vmem>>
      %scatter3A_539 = tpu.memref_squeeze %scatter3A_538 : memref<1x64x10xf32, #tpu.memory_space<vmem>> -> memref<64x10xf32, #tpu.memory_space<vmem>>
      tpu.vector_store_idx %scatter3A_539[%add3A_527, %broadcast_in_dim3A_535], %gather3A_533 : memref<64x10xf32, #tpu.memory_space<vmem>>[vector<16xi32>, vector<16xi32>], vector<16xf32>,
      %broadcast_in_dim3A_540 = arith.constant 217 : i32
      %broadcast_in_dim3A_541 = vector.broadcast %broadcast_in_dim3A_540 : i32 to vector<16xi32>
      %gather3A_542 = arith.constant 1 : i32
      %gather3A_543 = arith.constant 0 : i32
      %gather3A_544 = arith.constant 0 : i32
      %gather3A_545 = tpu.memref_slice %arg4[%gather3A_542, %gather3A_543, %gather3A_544] : memref<2x64x640xf32, #tpu.memory_space<vmem>> -> memref<1x64x640xf32, #tpu.memory_space<vmem>>
      %gather3A_546 = tpu.memref_squeeze %gather3A_545 : memref<1x64x640xf32, #tpu.memory_space<vmem>> -> memref<64x640xf32, #tpu.memory_space<vmem>>
      %gather3A_547 = tpu.vector_load_idx %gather3A_546[%add3A_527, %broadcast_in_dim3A_541] : memref<64x640xf32, #tpu.memory_space<vmem>>[vector<16xi32>, vector<16xi32>], vector<16xf32>,
      %broadcast_in_dim3A_548 = arith.constant 1 : i32
      %broadcast_in_dim3A_549 = vector.broadcast %broadcast_in_dim3A_548 : i32 to vector<16xi32>
      %scatter3A_550 = arith.constant 1 : i32
      %scatter3A_551 = arith.constant 0 : i32
      %scatter3A_552 = arith.constant 0 : i32
      %scatter3A_553 = tpu.memref_slice %arg5[%scatter3A_550, %scatter3A_551, %scatter3A_552] : memref<2x64x10xf32, #tpu.memory_space<vmem>> -> memref<1x64x10xf32, #tpu.memory_space<vmem>>
      %scatter3A_554 = tpu.memref_squeeze %scatter3A_553 : memref<1x64x10xf32, #tpu.memory_space<vmem>> -> memref<64x10xf32, #tpu.memory_space<vmem>>
      tpu.vector_store_idx %scatter3A_554[%add3A_527, %broadcast_in_dim3A_549], %gather3A_547 : memref<64x10xf32, #tpu.memory_space<vmem>>[vector<16xi32>, vector<16xi32>], vector<16xf32>,
      %broadcast_in_dim3A_555 = arith.constant 354 : i32
      %broadcast_in_dim3A_556 = vector.broadcast %broadcast_in_dim3A_555 : i32 to vector<16xi32>
      %gather3A_557 = arith.constant 1 : i32
      %gather3A_558 = arith.constant 0 : i32
      %gather3A_559 = arith.constant 0 : i32
      %gather3A_560 = tpu.memref_slice %arg4[%gather3A_557, %gather3A_558, %gather3A_559] : memref<2x64x640xf32, #tpu.memory_space<vmem>> -> memref<1x64x640xf32, #tpu.memory_space<vmem>>
      %gather3A_561 = tpu.memref_squeeze %gather3A_560 : memref<1x64x640xf32, #tpu.memory_space<vmem>> -> memref<64x640xf32, #tpu.memory_space<vmem>>
      %gather3A_562 = tpu.vector_load_idx %gather3A_561[%add3A_527, %broadcast_in_dim3A_556] : memref<64x640xf32, #tpu.memory_space<vmem>>[vector<16xi32>, vector<16xi32>], vector<16xf32>,
      %broadcast_in_dim3A_563 = arith.constant 2 : i32
      %broadcast_in_dim3A_564 = vector.broadcast %broadcast_in_dim3A_563 : i32 to vector<16xi32>
      %scatter3A_565 = arith.constant 1 : i32
      %scatter3A_566 = arith.constant 0 : i32
      %scatter3A_567 = arith.constant 0 : i32
      %scatter3A_568 = tpu.memref_slice %arg5[%scatter3A_565, %scatter3A_566, %scatter3A_567] : memref<2x64x10xf32, #tpu.memory_space<vmem>> -> memref<1x64x10xf32, #tpu.memory_space<vmem>>
      %scatter3A_569 = tpu.memref_squeeze %scatter3A_568 : memref<1x64x10xf32, #tpu.memory_space<vmem>> -> memref<64x10xf32, #tpu.memory_space<vmem>>
      tpu.vector_store_idx %scatter3A_569[%add3A_527, %broadcast_in_dim3A_564], %gather3A_562 : memref<64x10xf32, #tpu.memory_space<vmem>>[vector<16xi32>, vector<16xi32>], vector<16xf32>,
      %broadcast_in_dim3A_570 = arith.constant 363 : i32
      %broadcast_in_dim3A_571 = vector.broadcast %broadcast_in_dim3A_570 : i32 to vector<16xi32>
      %gather3A_572 = arith.constant 1 : i32
      %gather3A_573 = arith.constant 0 : i32
      %gather3A_574 = arith.constant 0 : i32
      %gather3A_575 = tpu.memref_slice %arg4[%gather3A_572, %gather3A_573, %gather3A_574] : memref<2x64x640xf32, #tpu.memory_space<vmem>> -> memref<1x64x640xf32, #tpu.memory_space<vmem>>
      %gather3A_576 = tpu.memref_squeeze %gather3A_575 : memref<1x64x640xf32, #tpu.memory_space<vmem>> -> memref<64x640xf32, #tpu.memory_space<vmem>>
      %gather3A_577 = tpu.vector_load_idx %gather3A_576[%add3A_527, %broadcast_in_dim3A_571] : memref<64x640xf32, #tpu.memory_space<vmem>>[vector<16xi32>, vector<16xi32>], vector<16xf32>,
      %broadcast_in_dim3A_578 = arith.constant 3 : i32
      %broadcast_in_dim3A_579 = vector.broadcast %broadcast_in_dim3A_578 : i32 to vector<16xi32>
      %scatter3A_580 = arith.constant 1 : i32
      %scatter3A_581 = arith.constant 0 : i32
      %scatter3A_582 = arith.constant 0 : i32
      %scatter3A_583 = tpu.memref_slice %arg5[%scatter3A_580, %scatter3A_581, %scatter3A_582] : memref<2x64x10xf32, #tpu.memory_space<vmem>> -> memref<1x64x10xf32, #tpu.memory_space<vmem>>
      %scatter3A_584 = tpu.memref_squeeze %scatter3A_583 : memref<1x64x10xf32, #tpu.memory_space<vmem>> -> memref<64x10xf32, #tpu.memory_space<vmem>>
      tpu.vector_store_idx %scatter3A_584[%add3A_527, %broadcast_in_dim3A_579], %gather3A_577 : memref<64x10xf32, #tpu.memory_space<vmem>>[vector<16xi32>, vector<16xi32>], vector<16xf32>,
      %broadcast_in_dim3A_585 = arith.constant 369 : i32
      %broadcast_in_dim3A_586 = vector.broadcast %broadcast_in_dim3A_585 : i32 to vector<16xi32>
      %gather3A_587 = arith.constant 1 : i32
      %gather3A_588 = arith.constant 0 : i32
      %gather3A_589 = arith.constant 0 : i32
      %gather3A_590 = tpu.memref_slice %arg4[%gather3A_587, %gather3A_588, %gather3A_589] : memref<2x64x640xf32, #tpu.memory_space<vmem>> -> memref<1x64x640xf32, #tpu.memory_space<vmem>>
      %gather3A_591 = tpu.memref_squeeze %gather3A_590 : memref<1x64x640xf32, #tpu.memory_space<vmem>> -> memref<64x640xf32, #tpu.memory_space<vmem>>
      %gather3A_592 = tpu.vector_load_idx %gather3A_591[%add3A_527, %broadcast_in_dim3A_586] : memref<64x640xf32, #tpu.memory_space<vmem>>[vector<16xi32>, vector<16xi32>], vector<16xf32>,
      %broadcast_in_dim3A_593 = arith.constant 4 : i32
      %broadcast_in_dim3A_594 = vector.broadcast %broadcast_in_dim3A_593 : i32 to vector<16xi32>
      %scatter3A_595 = arith.constant 1 : i32
      %scatter3A_596 = arith.constant 0 : i32
      %scatter3A_597 = arith.constant 0 : i32
      %scatter3A_598 = tpu.memref_slice %arg5[%scatter3A_595, %scatter3A_596, %scatter3A_597] : memref<2x64x10xf32, #tpu.memory_space<vmem>> -> memref<1x64x10xf32, #tpu.memory_space<vmem>>
      %scatter3A_599 = tpu.memref_squeeze %scatter3A_598 : memref<1x64x10xf32, #tpu.memory_space<vmem>> -> memref<64x10xf32, #tpu.memory_space<vmem>>
      tpu.vector_store_idx %scatter3A_599[%add3A_527, %broadcast_in_dim3A_594], %gather3A_592 : memref<64x10xf32, #tpu.memory_space<vmem>>[vector<16xi32>, vector<16xi32>], vector<16xf32>,
      %broadcast_in_dim3A_600 = arith.constant 438 : i32
      %broadcast_in_dim3A_601 = vector.broadcast %broadcast_in_dim3A_600 : i32 to vector<16xi32>
      %gather3A_602 = arith.constant 1 : i32
      %gather3A_603 = arith.constant 0 : i32
      %gather3A_604 = arith.constant 0 : i32
      %gather3A_605 = tpu.memref_slice %arg4[%gather3A_602, %gather3A_603, %gather3A_604] : memref<2x64x640xf32, #tpu.memory_space<vmem>> -> memref<1x64x640xf32, #tpu.memory_space<vmem>>
      %gather3A_606 = tpu.memref_squeeze %gather3A_605 : memref<1x64x640xf32, #tpu.memory_space<vmem>> -> memref<64x640xf32, #tpu.memory_space<vmem>>
      %gather3A_607 = tpu.vector_load_idx %gather3A_606[%add3A_527, %broadcast_in_dim3A_601] : memref<64x640xf32, #tpu.memory_space<vmem>>[vector<16xi32>, vector<16xi32>], vector<16xf32>,
      %broadcast_in_dim3A_608 = arith.constant 5 : i32
      %broadcast_in_dim3A_609 = vector.broadcast %broadcast_in_dim3A_608 : i32 to vector<16xi32>
      %scatter3A_610 = arith.constant 1 : i32
      %scatter3A_611 = arith.constant 0 : i32
      %scatter3A_612 = arith.constant 0 : i32
      %scatter3A_613 = tpu.memref_slice %arg5[%scatter3A_610, %scatter3A_611, %scatter3A_612] : memref<2x64x10xf32, #tpu.memory_space<vmem>> -> memref<1x64x10xf32, #tpu.memory_space<vmem>>
      %scatter3A_614 = tpu.memref_squeeze %scatter3A_613 : memref<1x64x10xf32, #tpu.memory_space<vmem>> -> memref<64x10xf32, #tpu.memory_space<vmem>>
      tpu.vector_store_idx %scatter3A_614[%add3A_527, %broadcast_in_dim3A_609], %gather3A_607 : memref<64x10xf32, #tpu.memory_space<vmem>>[vector<16xi32>, vector<16xi32>], vector<16xf32>,
      %broadcast_in_dim3A_615 = arith.constant 441 : i32
      %broadcast_in_dim3A_616 = vector.broadcast %broadcast_in_dim3A_615 : i32 to vector<16xi32>
      %gather3A_617 = arith.constant 1 : i32
      %gather3A_618 = arith.constant 0 : i32
      %gather3A_619 = arith.constant 0 : i32
      %gather3A_620 = tpu.memref_slice %arg4[%gather3A_617, %gather3A_618, %gather3A_619] : memref<2x64x640xf32, #tpu.memory_space<vmem>> -> memref<1x64x640xf32, #tpu.memory_space<vmem>>
      %gather3A_621 = tpu.memref_squeeze %gather3A_620 : memref<1x64x640xf32, #tpu.memory_space<vmem>> -> memref<64x640xf32, #tpu.memory_space<vmem>>
      %gather3A_622 = tpu.vector_load_idx %gather3A_621[%add3A_527, %broadcast_in_dim3A_616] : memref<64x640xf32, #tpu.memory_space<vmem>>[vector<16xi32>, vector<16xi32>], vector<16xf32>,
      %broadcast_in_dim3A_623 = arith.constant 6 : i32
      %broadcast_in_dim3A_624 = vector.broadcast %broadcast_in_dim3A_623 : i32 to vector<16xi32>
      %scatter3A_625 = arith.constant 1 : i32
      %scatter3A_626 = arith.constant 0 : i32
      %scatter3A_627 = arith.constant 0 : i32
      %scatter3A_628 = tpu.memref_slice %arg5[%scatter3A_625, %scatter3A_626, %scatter3A_627] : memref<2x64x10xf32, #tpu.memory_space<vmem>> -> memref<1x64x10xf32, #tpu.memory_space<vmem>>
      %scatter3A_629 = tpu.memref_squeeze %scatter3A_628 : memref<1x64x10xf32, #tpu.memory_space<vmem>> -> memref<64x10xf32, #tpu.memory_space<vmem>>
      tpu.vector_store_idx %scatter3A_629[%add3A_527, %broadcast_in_dim3A_624], %gather3A_622 : memref<64x10xf32, #tpu.memory_space<vmem>>[vector<16xi32>, vector<16xi32>], vector<16xf32>,
      %broadcast_in_dim3A_630 = arith.constant 443 : i32
      %broadcast_in_dim3A_631 = vector.broadcast %broadcast_in_dim3A_630 : i32 to vector<16xi32>
      %gather3A_632 = arith.constant 1 : i32
      %gather3A_633 = arith.constant 0 : i32
      %gather3A_634 = arith.constant 0 : i32
      %gather3A_635 = tpu.memref_slice %arg4[%gather3A_632, %gather3A_633, %gather3A_634] : memref<2x64x640xf32, #tpu.memory_space<vmem>> -> memref<1x64x640xf32, #tpu.memory_space<vmem>>
      %gather3A_636 = tpu.memref_squeeze %gather3A_635 : memref<1x64x640xf32, #tpu.memory_space<vmem>> -> memref<64x640xf32, #tpu.memory_space<vmem>>
      %gather3A_637 = tpu.vector_load_idx %gather3A_636[%add3A_527, %broadcast_in_dim3A_631] : memref<64x640xf32, #tpu.memory_space<vmem>>[vector<16xi32>, vector<16xi32>], vector<16xf32>,
      %broadcast_in_dim3A_638 = arith.constant 7 : i32
      %broadcast_in_dim3A_639 = vector.broadcast %broadcast_in_dim3A_638 : i32 to vector<16xi32>
      %scatter3A_640 = arith.constant 1 : i32
      %scatter3A_641 = arith.constant 0 : i32
      %scatter3A_642 = arith.constant 0 : i32
      %scatter3A_643 = tpu.memref_slice %arg5[%scatter3A_640, %scatter3A_641, %scatter3A_642] : memref<2x64x10xf32, #tpu.memory_space<vmem>> -> memref<1x64x10xf32, #tpu.memory_space<vmem>>
      %scatter3A_644 = tpu.memref_squeeze %scatter3A_643 : memref<1x64x10xf32, #tpu.memory_space<vmem>> -> memref<64x10xf32, #tpu.memory_space<vmem>>
      tpu.vector_store_idx %scatter3A_644[%add3A_527, %broadcast_in_dim3A_639], %gather3A_637 : memref<64x10xf32, #tpu.memory_space<vmem>>[vector<16xi32>, vector<16xi32>], vector<16xf32>,
      %broadcast_in_dim3A_645 = arith.constant 446 : i32
      %broadcast_in_dim3A_646 = vector.broadcast %broadcast_in_dim3A_645 : i32 to vector<16xi32>
      %gather3A_647 = arith.constant 1 : i32
      %gather3A_648 = arith.constant 0 : i32
      %gather3A_649 = arith.constant 0 : i32
      %gather3A_650 = tpu.memref_slice %arg4[%gather3A_647, %gather3A_648, %gather3A_649] : memref<2x64x640xf32, #tpu.memory_space<vmem>> -> memref<1x64x640xf32, #tpu.memory_space<vmem>>
      %gather3A_651 = tpu.memref_squeeze %gather3A_650 : memref<1x64x640xf32, #tpu.memory_space<vmem>> -> memref<64x640xf32, #tpu.memory_space<vmem>>
      %gather3A_652 = tpu.vector_load_idx %gather3A_651[%add3A_527, %broadcast_in_dim3A_646] : memref<64x640xf32, #tpu.memory_space<vmem>>[vector<16xi32>, vector<16xi32>], vector<16xf32>,
      %broadcast_in_dim3A_653 = arith.constant 8 : i32
      %broadcast_in_dim3A_654 = vector.broadcast %broadcast_in_dim3A_653 : i32 to vector<16xi32>
      %scatter3A_655 = arith.constant 1 : i32
      %scatter3A_656 = arith.constant 0 : i32
      %scatter3A_657 = arith.constant 0 : i32
      %scatter3A_658 = tpu.memref_slice %arg5[%scatter3A_655, %scatter3A_656, %scatter3A_657] : memref<2x64x10xf32, #tpu.memory_space<vmem>> -> memref<1x64x10xf32, #tpu.memory_space<vmem>>
      %scatter3A_659 = tpu.memref_squeeze %scatter3A_658 : memref<1x64x10xf32, #tpu.memory_space<vmem>> -> memref<64x10xf32, #tpu.memory_space<vmem>>
      tpu.vector_store_idx %scatter3A_659[%add3A_527, %broadcast_in_dim3A_654], %gather3A_652 : memref<64x10xf32, #tpu.memory_space<vmem>>[vector<16xi32>, vector<16xi32>], vector<16xf32>,
      %broadcast_in_dim3A_660 = arith.constant 573 : i32
      %broadcast_in_dim3A_661 = vector.broadcast %broadcast_in_dim3A_660 : i32 to vector<16xi32>
      %gather3A_662 = arith.constant 1 : i32
      %gather3A_663 = arith.constant 0 : i32
      %gather3A_664 = arith.constant 0 : i32
      %gather3A_665 = tpu.memref_slice %arg4[%gather3A_662, %gather3A_663, %gather3A_664] : memref<2x64x640xf32, #tpu.memory_space<vmem>> -> memref<1x64x640xf32, #tpu.memory_space<vmem>>
      %gather3A_666 = tpu.memref_squeeze %gather3A_665 : memref<1x64x640xf32, #tpu.memory_space<vmem>> -> memref<64x640xf32, #tpu.memory_space<vmem>>
      %gather3A_667 = tpu.vector_load_idx %gather3A_666[%add3A_527, %broadcast_in_dim3A_661] : memref<64x640xf32, #tpu.memory_space<vmem>>[vector<16xi32>, vector<16xi32>], vector<16xf32>,
      %broadcast_in_dim3A_668 = arith.constant 9 : i32
      %broadcast_in_dim3A_669 = vector.broadcast %broadcast_in_dim3A_668 : i32 to vector<16xi32>
      %scatter3A_670 = arith.constant 1 : i32
      %scatter3A_671 = arith.constant 0 : i32
      %scatter3A_672 = arith.constant 0 : i32
      %scatter3A_673 = tpu.memref_slice %arg5[%scatter3A_670, %scatter3A_671, %scatter3A_672] : memref<2x64x10xf32, #tpu.memory_space<vmem>> -> memref<1x64x10xf32, #tpu.memory_space<vmem>>
      %scatter3A_674 = tpu.memref_squeeze %scatter3A_673 : memref<1x64x10xf32, #tpu.memory_space<vmem>> -> memref<64x10xf32, #tpu.memory_space<vmem>>
      tpu.vector_store_idx %scatter3A_674[%add3A_527, %broadcast_in_dim3A_669], %gather3A_667 : memref<64x10xf32, #tpu.memory_space<vmem>>[vector<16xi32>, vector<16xi32>], vector<16xf32>,
    }
    %scan3A_364 = arith.constant 4 : i32
    %sub3A_365 = arith.constant 10240 : i32
    %sub3A_366 = arith.subi %add3A_4, %sub3A_365 : i32
    %add3A_367 = arith.constant 64 : i32
    %add3A_368 = arith.addi %sub3A_366, %add3A_367 : i32
    %dma_start3A_369 = arith.constant 1 : i32
    %dma_start3A_370 = arith.constant 0 : i32
    %dma_start3A_371 = arith.constant 0 : i32
    %dma_start3A_372 = tpu.memref_slice %arg5[%dma_start3A_369, %dma_start3A_370, %dma_start3A_371] : memref<2x64x10xf32, #tpu.memory_space<vmem>> -> memref<1x64x10xf32, #tpu.memory_space<vmem>>
    %dma_start3A_373 = tpu.memref_squeeze %dma_start3A_372 : memref<1x64x10xf32, #tpu.memory_space<vmem>> -> memref<64x10xf32, #tpu.memory_space<vmem>>
    %dma_start3A_374 = arith.constant 0 : i32
    %dma_start3A_375 = tpu.memref_slice %arg3[%add3A_368, %dma_start3A_374] : memref<6144x10xf32, #tpu.memory_space<hbm>> -> memref<64x10xf32, #tpu.memory_space<hbm>>
    %dma_start3A_376 = arith.constant 0 : i32
    %dma_start3A_377 = tpu.memref_slice %arg3[%add3A_368, %dma_start3A_376] : memref<6144x10xf32, #tpu.memory_space<hbm>> -> memref<64x10xf32, #tpu.memory_space<hbm>>
    %dma_start3A_378 = arith.constant 0 : i32
    %dma_start3A_379 = arith.constant 0 : i32
    %dma_start3A_380 = tpu.memref_slice %arg5[%dma_start3A_369, %dma_start3A_378, %dma_start3A_379] : memref<2x64x10xf32, #tpu.memory_space<vmem>> -> memref<1x64x10xf32, #tpu.memory_space<vmem>>
    %dma_start3A_381 = tpu.memref_squeeze %dma_start3A_380 : memref<1x64x10xf32, #tpu.memory_space<vmem>> -> memref<64x10xf32, #tpu.memory_space<vmem>>
    tpu.enqueue_dma source(%dma_start3A_381 : memref<64x10xf32, #tpu.memory_space<vmem>>) target(%dma_start3A_377 : memref<64x10xf32, #tpu.memory_space<hbm>>) target_semaphore(%arg7 : memref<!tpu.dma_semaphore, #tpu.memory_space<semaphore_mem>>)
    %add3A_382 = arith.constant 128 : i32
    %add3A_383 = arith.addi %add3A_4, %add3A_382 : i32
    %dma_wait3A_384 = arith.constant 0 : i32
    %dma_wait3A_385 = arith.constant 0 : i32
    %dma_wait3A_386 = arith.constant 0 : i32
    %dma_wait3A_387 = tpu.memref_slice %arg4[%dma_wait3A_384, %dma_wait3A_385, %dma_wait3A_386] : memref<2x64x640xf32, #tpu.memory_space<vmem>> -> memref<1x64x128xf32, #tpu.memory_space<vmem>>
    %dma_wait3A_388 = tpu.memref_squeeze %dma_wait3A_387 : memref<1x64x128xf32, #tpu.memory_space<vmem>> -> memref<64x128xf32, #tpu.memory_space<vmem>>
    %dma_wait3A_389 = arith.constant 0 : i32
    %dma_wait3A_390 = tpu.memref_slice %arg2[%add3A_383, %dma_wait3A_389] : memref<16384x1000xf32, #tpu.memory_space<hbm>> -> memref<64x128xf32, #tpu.memory_space<hbm>>
    %dma_wait3A_391 = arith.constant 0 : i32
    %dma_wait3A_392 = arith.constant 0 : i32
    %dma_wait3A_393 = tpu.memref_slice %arg4[%dma_wait3A_384, %dma_wait3A_391, %dma_wait3A_392] : memref<2x64x640xf32, #tpu.memory_space<vmem>> -> memref<1x64x128xf32, #tpu.memory_space<vmem>>
    %dma_wait3A_394 = tpu.memref_squeeze %dma_wait3A_393 : memref<1x64x128xf32, #tpu.memory_space<vmem>> -> memref<64x128xf32, #tpu.memory_space<vmem>>
    %dma_wait3A_395 = arith.constant 0 : i32
    %dma_wait3A_396 = tpu.memref_slice %arg2[%add3A_383, %dma_wait3A_395] : memref<16384x1000xf32, #tpu.memory_space<hbm>> -> memref<64x128xf32, #tpu.memory_space<hbm>>
    tpu.wait_dma2 semaphore(%arg6 : memref<!tpu.dma_semaphore, #tpu.memory_space<semaphore_mem>>) src(%dma_wait3A_396 : memref<64x128xf32, #tpu.memory_space<hbm>>) dst(%dma_wait3A_394 : memref<64x128xf32, #tpu.memory_space<vmem>>)
    %dma_wait3A_397 = arith.constant 0 : i32
    %dma_wait3A_398 = arith.constant 0 : i32
    %dma_wait3A_399 = arith.constant 128 : i32
    %dma_wait3A_400 = tpu.memref_slice %arg4[%dma_wait3A_397, %dma_wait3A_398, %dma_wait3A_399] : memref<2x64x640xf32, #tpu.memory_space<vmem>> -> memref<1x64x128xf32, #tpu.memory_space<vmem>>
    %dma_wait3A_401 = tpu.memref_squeeze %dma_wait3A_400 : memref<1x64x128xf32, #tpu.memory_space<vmem>> -> memref<64x128xf32, #tpu.memory_space<vmem>>
    %dma_wait3A_402 = arith.constant 128 : i32
    %dma_wait3A_403 = tpu.memref_slice %arg2[%add3A_383, %dma_wait3A_402] : memref<16384x1000xf32, #tpu.memory_space<hbm>> -> memref<64x128xf32, #tpu.memory_space<hbm>>
    %dma_wait3A_404 = arith.constant 0 : i32
    %dma_wait3A_405 = arith.constant 128 : i32
    %dma_wait3A_406 = tpu.memref_slice %arg4[%dma_wait3A_397, %dma_wait3A_404, %dma_wait3A_405] : memref<2x64x640xf32, #tpu.memory_space<vmem>> -> memref<1x64x128xf32, #tpu.memory_space<vmem>>
    %dma_wait3A_407 = tpu.memref_squeeze %dma_wait3A_406 : memref<1x64x128xf32, #tpu.memory_space<vmem>> -> memref<64x128xf32, #tpu.memory_space<vmem>>
    %dma_wait3A_408 = arith.constant 128 : i32
    %dma_wait3A_409 = tpu.memref_slice %arg2[%add3A_383, %dma_wait3A_408] : memref<16384x1000xf32, #tpu.memory_space<hbm>> -> memref<64x128xf32, #tpu.memory_space<hbm>>
    tpu.wait_dma2 semaphore(%arg6 : memref<!tpu.dma_semaphore, #tpu.memory_space<semaphore_mem>>) src(%dma_wait3A_409 : memref<64x128xf32, #tpu.memory_space<hbm>>) dst(%dma_wait3A_407 : memref<64x128xf32, #tpu.memory_space<vmem>>)
    %dma_wait3A_410 = arith.constant 0 : i32
    %dma_wait3A_411 = arith.constant 0 : i32
    %dma_wait3A_412 = arith.constant 256 : i32
    %dma_wait3A_413 = tpu.memref_slice %arg4[%dma_wait3A_410, %dma_wait3A_411, %dma_wait3A_412] : memref<2x64x640xf32, #tpu.memory_space<vmem>> -> memref<1x64x128xf32, #tpu.memory_space<vmem>>
    %dma_wait3A_414 = tpu.memref_squeeze %dma_wait3A_413 : memref<1x64x128xf32, #tpu.memory_space<vmem>> -> memref<64x128xf32, #tpu.memory_space<vmem>>
    %dma_wait3A_415 = arith.constant 384 : i32
    %dma_wait3A_416 = tpu.memref_slice %arg2[%add3A_383, %dma_wait3A_415] : memref<16384x1000xf32, #tpu.memory_space<hbm>> -> memref<64x128xf32, #tpu.memory_space<hbm>>
    %dma_wait3A_417 = arith.constant 0 : i32
    %dma_wait3A_418 = arith.constant 256 : i32
    %dma_wait3A_419 = tpu.memref_slice %arg4[%dma_wait3A_410, %dma_wait3A_417, %dma_wait3A_418] : memref<2x64x640xf32, #tpu.memory_space<vmem>> -> memref<1x64x128xf32, #tpu.memory_space<vmem>>
    %dma_wait3A_420 = tpu.memref_squeeze %dma_wait3A_419 : memref<1x64x128xf32, #tpu.memory_space<vmem>> -> memref<64x128xf32, #tpu.memory_space<vmem>>
    %dma_wait3A_421 = arith.constant 384 : i32
    %dma_wait3A_422 = tpu.memref_slice %arg2[%add3A_383, %dma_wait3A_421] : memref<16384x1000xf32, #tpu.memory_space<hbm>> -> memref<64x128xf32, #tpu.memory_space<hbm>>
    tpu.wait_dma2 semaphore(%arg6 : memref<!tpu.dma_semaphore, #tpu.memory_space<semaphore_mem>>) src(%dma_wait3A_422 : memref<64x128xf32, #tpu.memory_space<hbm>>) dst(%dma_wait3A_420 : memref<64x128xf32, #tpu.memory_space<vmem>>)
    %dma_wait3A_423 = arith.constant 0 : i32
    %dma_wait3A_424 = arith.constant 0 : i32
    %dma_wait3A_425 = arith.constant 384 : i32
    %dma_wait3A_426 = tpu.memref_slice %arg4[%dma_wait3A_423, %dma_wait3A_424, %dma_wait3A_425] : memref<2x64x640xf32, #tpu.memory_space<vmem>> -> memref<1x64x128xf32, #tpu.memory_space<vmem>>
    %dma_wait3A_427 = tpu.memref_squeeze %dma_wait3A_426 : memref<1x64x128xf32, #tpu.memory_space<vmem>> -> memref<64x128xf32, #tpu.memory_space<vmem>>
    %dma_wait3A_428 = arith.constant 512 : i32
    %dma_wait3A_429 = tpu.memref_slice %arg2[%add3A_383, %dma_wait3A_428] : memref<16384x1000xf32, #tpu.memory_space<hbm>> -> memref<64x128xf32, #tpu.memory_space<hbm>>
    %dma_wait3A_430 = arith.constant 0 : i32
    %dma_wait3A_431 = arith.constant 384 : i32
    %dma_wait3A_432 = tpu.memref_slice %arg4[%dma_wait3A_423, %dma_wait3A_430, %dma_wait3A_431] : memref<2x64x640xf32, #tpu.memory_space<vmem>> -> memref<1x64x128xf32, #tpu.memory_space<vmem>>
    %dma_wait3A_433 = tpu.memref_squeeze %dma_wait3A_432 : memref<1x64x128xf32, #tpu.memory_space<vmem>> -> memref<64x128xf32, #tpu.memory_space<vmem>>
    %dma_wait3A_434 = arith.constant 512 : i32
    %dma_wait3A_435 = tpu.memref_slice %arg2[%add3A_383, %dma_wait3A_434] : memref<16384x1000xf32, #tpu.memory_space<hbm>> -> memref<64x128xf32, #tpu.memory_space<hbm>>
    tpu.wait_dma2 semaphore(%arg6 : memref<!tpu.dma_semaphore, #tpu.memory_space<semaphore_mem>>) src(%dma_wait3A_435 : memref<64x128xf32, #tpu.memory_space<hbm>>) dst(%dma_wait3A_433 : memref<64x128xf32, #tpu.memory_space<vmem>>)
    %dma_wait3A_436 = arith.constant 0 : i32
    %dma_wait3A_437 = arith.constant 0 : i32
    %dma_wait3A_438 = arith.constant 512 : i32
    %dma_wait3A_439 = tpu.memref_slice %arg4[%dma_wait3A_436, %dma_wait3A_437, %dma_wait3A_438] : memref<2x64x640xf32, #tpu.memory_space<vmem>> -> memref<1x64x128xf32, #tpu.memory_space<vmem>>
    %dma_wait3A_440 = tpu.memref_squeeze %dma_wait3A_439 : memref<1x64x128xf32, #tpu.memory_space<vmem>> -> memref<64x128xf32, #tpu.memory_space<vmem>>
    %dma_wait3A_441 = arith.constant 640 : i32
    %dma_wait3A_442 = tpu.memref_slice %arg2[%add3A_383, %dma_wait3A_441] : memref<16384x1000xf32, #tpu.memory_space<hbm>> -> memref<64x128xf32, #tpu.memory_space<hbm>>
    %dma_wait3A_443 = arith.constant 0 : i32
    %dma_wait3A_444 = arith.constant 512 : i32
    %dma_wait3A_445 = tpu.memref_slice %arg4[%dma_wait3A_436, %dma_wait3A_443, %dma_wait3A_444] : memref<2x64x640xf32, #tpu.memory_space<vmem>> -> memref<1x64x128xf32, #tpu.memory_space<vmem>>
    %dma_wait3A_446 = tpu.memref_squeeze %dma_wait3A_445 : memref<1x64x128xf32, #tpu.memory_space<vmem>> -> memref<64x128xf32, #tpu.memory_space<vmem>>
    %dma_wait3A_447 = arith.constant 640 : i32
    %dma_wait3A_448 = tpu.memref_slice %arg2[%add3A_383, %dma_wait3A_447] : memref<16384x1000xf32, #tpu.memory_space<hbm>> -> memref<64x128xf32, #tpu.memory_space<hbm>>
    tpu.wait_dma2 semaphore(%arg6 : memref<!tpu.dma_semaphore, #tpu.memory_space<semaphore_mem>>) src(%dma_wait3A_448 : memref<64x128xf32, #tpu.memory_space<hbm>>) dst(%dma_wait3A_446 : memref<64x128xf32, #tpu.memory_space<vmem>>)
    %sub3A_449 = arith.constant 10240 : i32
    %sub3A_450 = arith.subi %add3A_4, %sub3A_449 : i32
    %add3A_451 = arith.constant 0 : i32
    %add3A_452 = arith.addi %sub3A_450, %add3A_451 : i32
    %dma_wait3A_453 = arith.constant 0 : i32
    %dma_wait3A_454 = arith.constant 0 : i32
    %dma_wait3A_455 = arith.constant 0 : i32
    %dma_wait3A_456 = tpu.memref_slice %arg5[%dma_wait3A_453, %dma_wait3A_454, %dma_wait3A_455] : memref<2x64x10xf32, #tpu.memory_space<vmem>> -> memref<1x64x10xf32, #tpu.memory_space<vmem>>
    %dma_wait3A_457 = tpu.memref_squeeze %dma_wait3A_456 : memref<1x64x10xf32, #tpu.memory_space<vmem>> -> memref<64x10xf32, #tpu.memory_space<vmem>>
    %dma_wait3A_458 = arith.constant 0 : i32
    %dma_wait3A_459 = tpu.memref_slice %arg3[%add3A_452, %dma_wait3A_458] : memref<6144x10xf32, #tpu.memory_space<hbm>> -> memref<64x10xf32, #tpu.memory_space<hbm>>
    %dma_wait3A_460 = arith.constant 0 : i32
    %dma_wait3A_461 = tpu.memref_slice %arg3[%add3A_452, %dma_wait3A_460] : memref<6144x10xf32, #tpu.memory_space<hbm>> -> memref<64x10xf32, #tpu.memory_space<hbm>>
    %dma_wait3A_462 = arith.constant 0 : i32
    %dma_wait3A_463 = arith.constant 0 : i32
    %dma_wait3A_464 = tpu.memref_slice %arg5[%dma_wait3A_453, %dma_wait3A_462, %dma_wait3A_463] : memref<2x64x10xf32, #tpu.memory_space<vmem>> -> memref<1x64x10xf32, #tpu.memory_space<vmem>>
    %dma_wait3A_465 = tpu.memref_squeeze %dma_wait3A_464 : memref<1x64x10xf32, #tpu.memory_space<vmem>> -> memref<64x10xf32, #tpu.memory_space<vmem>>
    tpu.wait_dma2 semaphore(%arg7 : memref<!tpu.dma_semaphore, #tpu.memory_space<semaphore_mem>>) src(%dma_wait3A_465 : memref<64x10xf32, #tpu.memory_space<vmem>>) dst(%dma_wait3A_461 : memref<64x10xf32, #tpu.memory_space<hbm>>)
    %scan3A_466 = arith.constant 0 : i32
    %scan3A_467 = arith.constant 0 : i32
    %scan3A_468 = arith.constant 4 : i32
    %scan3A_469 = arith.addi %scan3A_467, %scan3A_468 : i32
    %scan3A_470 = arith.constant 1 : i32
    scf.for %scan3A_523 = %scan3A_467 to %scan3A_469 step %scan3A_470  : i32 {
      %mul3A_524 = arith.constant 16 : i32
      %mul3A_525 = arith.muli %scan3A_523, %mul3A_524 : i32
      %add3A_526 = vector.broadcast %mul3A_525 : i32 to vector<16xi32>
      %add3A_527 = arith.addi %add3A_526, %iota3A : vector<16xi32>
      %broadcast_in_dim3A = arith.constant 0 : i32
      %broadcast_in_dim3A_528 = vector.broadcast %broadcast_in_dim3A : i32 to vector<16xi32>
      %gather3A = arith.constant 0 : i32
      %gather3A_529 = arith.constant 0 : i32
      %gather3A_530 = arith.constant 0 : i32
      %gather3A_531 = tpu.memref_slice %arg4[%gather3A, %gather3A_529, %gather3A_530] : memref<2x64x640xf32, #tpu.memory_space<vmem>> -> memref<1x64x640xf32, #tpu.memory_space<vmem>>
      %gather3A_532 = tpu.memref_squeeze %gather3A_531 : memref<1x64x640xf32, #tpu.memory_space<vmem>> -> memref<64x640xf32, #tpu.memory_space<vmem>>
      %gather3A_533 = tpu.vector_load_idx %gather3A_532[%add3A_527, %broadcast_in_dim3A_528] : memref<64x640xf32, #tpu.memory_space<vmem>>[vector<16xi32>, vector<16xi32>], vector<16xf32>,
      %broadcast_in_dim3A_534 = arith.constant 0 : i32
      %broadcast_in_dim3A_535 = vector.broadcast %broadcast_in_dim3A_534 : i32 to vector<16xi32>
      %scatter3A = arith.constant 0 : i32
      %scatter3A_536 = arith.constant 0 : i32
      %scatter3A_537 = arith.constant 0 : i32
      %scatter3A_538 = tpu.memref_slice %arg5[%scatter3A, %scatter3A_536, %scatter3A_537] : memref<2x64x10xf32, #tpu.memory_space<vmem>> -> memref<1x64x10xf32, #tpu.memory_space<vmem>>
      %scatter3A_539 = tpu.memref_squeeze %scatter3A_538 : memref<1x64x10xf32, #tpu.memory_space<vmem>> -> memref<64x10xf32, #tpu.memory_space<vmem>>
      tpu.vector_store_idx %scatter3A_539[%add3A_527, %broadcast_in_dim3A_535], %gather3A_533 : memref<64x10xf32, #tpu.memory_space<vmem>>[vector<16xi32>, vector<16xi32>], vector<16xf32>,
      %broadcast_in_dim3A_540 = arith.constant 217 : i32
      %broadcast_in_dim3A_541 = vector.broadcast %broadcast_in_dim3A_540 : i32 to vector<16xi32>
      %gather3A_542 = arith.constant 0 : i32
      %gather3A_543 = arith.constant 0 : i32
      %gather3A_544 = arith.constant 0 : i32
      %gather3A_545 = tpu.memref_slice %arg4[%gather3A_542, %gather3A_543, %gather3A_544] : memref<2x64x640xf32, #tpu.memory_space<vmem>> -> memref<1x64x640xf32, #tpu.memory_space<vmem>>
      %gather3A_546 = tpu.memref_squeeze %gather3A_545 : memref<1x64x640xf32, #tpu.memory_space<vmem>> -> memref<64x640xf32, #tpu.memory_space<vmem>>
      %gather3A_547 = tpu.vector_load_idx %gather3A_546[%add3A_527, %broadcast_in_dim3A_541] : memref<64x640xf32, #tpu.memory_space<vmem>>[vector<16xi32>, vector<16xi32>], vector<16xf32>,
      %broadcast_in_dim3A_548 = arith.constant 1 : i32
      %broadcast_in_dim3A_549 = vector.broadcast %broadcast_in_dim3A_548 : i32 to vector<16xi32>
      %scatter3A_550 = arith.constant 0 : i32
      %scatter3A_551 = arith.constant 0 : i32
      %scatter3A_552 = arith.constant 0 : i32
      %scatter3A_553 = tpu.memref_slice %arg5[%scatter3A_550, %scatter3A_551, %scatter3A_552] : memref<2x64x10xf32, #tpu.memory_space<vmem>> -> memref<1x64x10xf32, #tpu.memory_space<vmem>>
      %scatter3A_554 = tpu.memref_squeeze %scatter3A_553 : memref<1x64x10xf32, #tpu.memory_space<vmem>> -> memref<64x10xf32, #tpu.memory_space<vmem>>
      tpu.vector_store_idx %scatter3A_554[%add3A_527, %broadcast_in_dim3A_549], %gather3A_547 : memref<64x10xf32, #tpu.memory_space<vmem>>[vector<16xi32>, vector<16xi32>], vector<16xf32>,
      %broadcast_in_dim3A_555 = arith.constant 354 : i32
      %broadcast_in_dim3A_556 = vector.broadcast %broadcast_in_dim3A_555 : i32 to vector<16xi32>
      %gather3A_557 = arith.constant 0 : i32
      %gather3A_558 = arith.constant 0 : i32
      %gather3A_559 = arith.constant 0 : i32
      %gather3A_560 = tpu.memref_slice %arg4[%gather3A_557, %gather3A_558, %gather3A_559] : memref<2x64x640xf32, #tpu.memory_space<vmem>> -> memref<1x64x640xf32, #tpu.memory_space<vmem>>
      %gather3A_561 = tpu.memref_squeeze %gather3A_560 : memref<1x64x640xf32, #tpu.memory_space<vmem>> -> memref<64x640xf32, #tpu.memory_space<vmem>>
      %gather3A_562 = tpu.vector_load_idx %gather3A_561[%add3A_527, %broadcast_in_dim3A_556] : memref<64x640xf32, #tpu.memory_space<vmem>>[vector<16xi32>, vector<16xi32>], vector<16xf32>,
      %broadcast_in_dim3A_563 = arith.constant 2 : i32
      %broadcast_in_dim3A_564 = vector.broadcast %broadcast_in_dim3A_563 : i32 to vector<16xi32>
      %scatter3A_565 = arith.constant 0 : i32
      %scatter3A_566 = arith.constant 0 : i32
      %scatter3A_567 = arith.constant 0 : i32
      %scatter3A_568 = tpu.memref_slice %arg5[%scatter3A_565, %scatter3A_566, %scatter3A_567] : memref<2x64x10xf32, #tpu.memory_space<vmem>> -> memref<1x64x10xf32, #tpu.memory_space<vmem>>
      %scatter3A_569 = tpu.memref_squeeze %scatter3A_568 : memref<1x64x10xf32, #tpu.memory_space<vmem>> -> memref<64x10xf32, #tpu.memory_space<vmem>>
      tpu.vector_store_idx %scatter3A_569[%add3A_527, %broadcast_in_dim3A_564], %gather3A_562 : memref<64x10xf32, #tpu.memory_space<vmem>>[vector<16xi32>, vector<16xi32>], vector<16xf32>,
      %broadcast_in_dim3A_570 = arith.constant 363 : i32
      %broadcast_in_dim3A_571 = vector.broadcast %broadcast_in_dim3A_570 : i32 to vector<16xi32>
      %gather3A_572 = arith.constant 0 : i32
      %gather3A_573 = arith.constant 0 : i32
      %gather3A_574 = arith.constant 0 : i32
      %gather3A_575 = tpu.memref_slice %arg4[%gather3A_572, %gather3A_573, %gather3A_574] : memref<2x64x640xf32, #tpu.memory_space<vmem>> -> memref<1x64x640xf32, #tpu.memory_space<vmem>>
      %gather3A_576 = tpu.memref_squeeze %gather3A_575 : memref<1x64x640xf32, #tpu.memory_space<vmem>> -> memref<64x640xf32, #tpu.memory_space<vmem>>
      %gather3A_577 = tpu.vector_load_idx %gather3A_576[%add3A_527, %broadcast_in_dim3A_571] : memref<64x640xf32, #tpu.memory_space<vmem>>[vector<16xi32>, vector<16xi32>], vector<16xf32>,
      %broadcast_in_dim3A_578 = arith.constant 3 : i32
      %broadcast_in_dim3A_579 = vector.broadcast %broadcast_in_dim3A_578 : i32 to vector<16xi32>
      %scatter3A_580 = arith.constant 0 : i32
      %scatter3A_581 = arith.constant 0 : i32
      %scatter3A_582 = arith.constant 0 : i32
      %scatter3A_583 = tpu.memref_slice %arg5[%scatter3A_580, %scatter3A_581, %scatter3A_582] : memref<2x64x10xf32, #tpu.memory_space<vmem>> -> memref<1x64x10xf32, #tpu.memory_space<vmem>>
      %scatter3A_584 = tpu.memref_squeeze %scatter3A_583 : memref<1x64x10xf32, #tpu.memory_space<vmem>> -> memref<64x10xf32, #tpu.memory_space<vmem>>
      tpu.vector_store_idx %scatter3A_584[%add3A_527, %broadcast_in_dim3A_579], %gather3A_577 : memref<64x10xf32, #tpu.memory_space<vmem>>[vector<16xi32>, vector<16xi32>], vector<16xf32>,
      %broadcast_in_dim3A_585 = arith.constant 369 : i32
      %broadcast_in_dim3A_586 = vector.broadcast %broadcast_in_dim3A_585 : i32 to vector<16xi32>
      %gather3A_587 = arith.constant 0 : i32
      %gather3A_588 = arith.constant 0 : i32
      %gather3A_589 = arith.constant 0 : i32
      %gather3A_590 = tpu.memref_slice %arg4[%gather3A_587, %gather3A_588, %gather3A_589] : memref<2x64x640xf32, #tpu.memory_space<vmem>> -> memref<1x64x640xf32, #tpu.memory_space<vmem>>
      %gather3A_591 = tpu.memref_squeeze %gather3A_590 : memref<1x64x640xf32, #tpu.memory_space<vmem>> -> memref<64x640xf32, #tpu.memory_space<vmem>>
      %gather3A_592 = tpu.vector_load_idx %gather3A_591[%add3A_527, %broadcast_in_dim3A_586] : memref<64x640xf32, #tpu.memory_space<vmem>>[vector<16xi32>, vector<16xi32>], vector<16xf32>,
      %broadcast_in_dim3A_593 = arith.constant 4 : i32
      %broadcast_in_dim3A_594 = vector.broadcast %broadcast_in_dim3A_593 : i32 to vector<16xi32>
      %scatter3A_595 = arith.constant 0 : i32
      %scatter3A_596 = arith.constant 0 : i32
      %scatter3A_597 = arith.constant 0 : i32
      %scatter3A_598 = tpu.memref_slice %arg5[%scatter3A_595, %scatter3A_596, %scatter3A_597] : memref<2x64x10xf32, #tpu.memory_space<vmem>> -> memref<1x64x10xf32, #tpu.memory_space<vmem>>
      %scatter3A_599 = tpu.memref_squeeze %scatter3A_598 : memref<1x64x10xf32, #tpu.memory_space<vmem>> -> memref<64x10xf32, #tpu.memory_space<vmem>>
      tpu.vector_store_idx %scatter3A_599[%add3A_527, %broadcast_in_dim3A_594], %gather3A_592 : memref<64x10xf32, #tpu.memory_space<vmem>>[vector<16xi32>, vector<16xi32>], vector<16xf32>,
      %broadcast_in_dim3A_600 = arith.constant 438 : i32
      %broadcast_in_dim3A_601 = vector.broadcast %broadcast_in_dim3A_600 : i32 to vector<16xi32>
      %gather3A_602 = arith.constant 0 : i32
      %gather3A_603 = arith.constant 0 : i32
      %gather3A_604 = arith.constant 0 : i32
      %gather3A_605 = tpu.memref_slice %arg4[%gather3A_602, %gather3A_603, %gather3A_604] : memref<2x64x640xf32, #tpu.memory_space<vmem>> -> memref<1x64x640xf32, #tpu.memory_space<vmem>>
      %gather3A_606 = tpu.memref_squeeze %gather3A_605 : memref<1x64x640xf32, #tpu.memory_space<vmem>> -> memref<64x640xf32, #tpu.memory_space<vmem>>
      %gather3A_607 = tpu.vector_load_idx %gather3A_606[%add3A_527, %broadcast_in_dim3A_601] : memref<64x640xf32, #tpu.memory_space<vmem>>[vector<16xi32>, vector<16xi32>], vector<16xf32>,
      %broadcast_in_dim3A_608 = arith.constant 5 : i32
      %broadcast_in_dim3A_609 = vector.broadcast %broadcast_in_dim3A_608 : i32 to vector<16xi32>
      %scatter3A_610 = arith.constant 0 : i32
      %scatter3A_611 = arith.constant 0 : i32
      %scatter3A_612 = arith.constant 0 : i32
      %scatter3A_613 = tpu.memref_slice %arg5[%scatter3A_610, %scatter3A_611, %scatter3A_612] : memref<2x64x10xf32, #tpu.memory_space<vmem>> -> memref<1x64x10xf32, #tpu.memory_space<vmem>>
      %scatter3A_614 = tpu.memref_squeeze %scatter3A_613 : memref<1x64x10xf32, #tpu.memory_space<vmem>> -> memref<64x10xf32, #tpu.memory_space<vmem>>
      tpu.vector_store_idx %scatter3A_614[%add3A_527, %broadcast_in_dim3A_609], %gather3A_607 : memref<64x10xf32, #tpu.memory_space<vmem>>[vector<16xi32>, vector<16xi32>], vector<16xf32>,
      %broadcast_in_dim3A_615 = arith.constant 441 : i32
      %broadcast_in_dim3A_616 = vector.broadcast %broadcast_in_dim3A_615 : i32 to vector<16xi32>
      %gather3A_617 = arith.constant 0 : i32
      %gather3A_618 = arith.constant 0 : i32
      %gather3A_619 = arith.constant 0 : i32
      %gather3A_620 = tpu.memref_slice %arg4[%gather3A_617, %gather3A_618, %gather3A_619] : memref<2x64x640xf32, #tpu.memory_space<vmem>> -> memref<1x64x640xf32, #tpu.memory_space<vmem>>
      %gather3A_621 = tpu.memref_squeeze %gather3A_620 : memref<1x64x640xf32, #tpu.memory_space<vmem>> -> memref<64x640xf32, #tpu.memory_space<vmem>>
      %gather3A_622 = tpu.vector_load_idx %gather3A_621[%add3A_527, %broadcast_in_dim3A_616] : memref<64x640xf32, #tpu.memory_space<vmem>>[vector<16xi32>, vector<16xi32>], vector<16xf32>,
      %broadcast_in_dim3A_623 = arith.constant 6 : i32
      %broadcast_in_dim3A_624 = vector.broadcast %broadcast_in_dim3A_623 : i32 to vector<16xi32>
      %scatter3A_625 = arith.constant 0 : i32
      %scatter3A_626 = arith.constant 0 : i32
      %scatter3A_627 = arith.constant 0 : i32
      %scatter3A_628 = tpu.memref_slice %arg5[%scatter3A_625, %scatter3A_626, %scatter3A_627] : memref<2x64x10xf32, #tpu.memory_space<vmem>> -> memref<1x64x10xf32, #tpu.memory_space<vmem>>
      %scatter3A_629 = tpu.memref_squeeze %scatter3A_628 : memref<1x64x10xf32, #tpu.memory_space<vmem>> -> memref<64x10xf32, #tpu.memory_space<vmem>>
      tpu.vector_store_idx %scatter3A_629[%add3A_527, %broadcast_in_dim3A_624], %gather3A_622 : memref<64x10xf32, #tpu.memory_space<vmem>>[vector<16xi32>, vector<16xi32>], vector<16xf32>,
      %broadcast_in_dim3A_630 = arith.constant 443 : i32
      %broadcast_in_dim3A_631 = vector.broadcast %broadcast_in_dim3A_630 : i32 to vector<16xi32>
      %gather3A_632 = arith.constant 0 : i32
      %gather3A_633 = arith.constant 0 : i32
      %gather3A_634 = arith.constant 0 : i32
      %gather3A_635 = tpu.memref_slice %arg4[%gather3A_632, %gather3A_633, %gather3A_634] : memref<2x64x640xf32, #tpu.memory_space<vmem>> -> memref<1x64x640xf32, #tpu.memory_space<vmem>>
      %gather3A_636 = tpu.memref_squeeze %gather3A_635 : memref<1x64x640xf32, #tpu.memory_space<vmem>> -> memref<64x640xf32, #tpu.memory_space<vmem>>
      %gather3A_637 = tpu.vector_load_idx %gather3A_636[%add3A_527, %broadcast_in_dim3A_631] : memref<64x640xf32, #tpu.memory_space<vmem>>[vector<16xi32>, vector<16xi32>], vector<16xf32>,
      %broadcast_in_dim3A_638 = arith.constant 7 : i32
      %broadcast_in_dim3A_639 = vector.broadcast %broadcast_in_dim3A_638 : i32 to vector<16xi32>
      %scatter3A_640 = arith.constant 0 : i32
      %scatter3A_641 = arith.constant 0 : i32
      %scatter3A_642 = arith.constant 0 : i32
      %scatter3A_643 = tpu.memref_slice %arg5[%scatter3A_640, %scatter3A_641, %scatter3A_642] : memref<2x64x10xf32, #tpu.memory_space<vmem>> -> memref<1x64x10xf32, #tpu.memory_space<vmem>>
      %scatter3A_644 = tpu.memref_squeeze %scatter3A_643 : memref<1x64x10xf32, #tpu.memory_space<vmem>> -> memref<64x10xf32, #tpu.memory_space<vmem>>
      tpu.vector_store_idx %scatter3A_644[%add3A_527, %broadcast_in_dim3A_639], %gather3A_637 : memref<64x10xf32, #tpu.memory_space<vmem>>[vector<16xi32>, vector<16xi32>], vector<16xf32>,
      %broadcast_in_dim3A_645 = arith.constant 446 : i32
      %broadcast_in_dim3A_646 = vector.broadcast %broadcast_in_dim3A_645 : i32 to vector<16xi32>
      %gather3A_647 = arith.constant 0 : i32
      %gather3A_648 = arith.constant 0 : i32
      %gather3A_649 = arith.constant 0 : i32
      %gather3A_650 = tpu.memref_slice %arg4[%gather3A_647, %gather3A_648, %gather3A_649] : memref<2x64x640xf32, #tpu.memory_space<vmem>> -> memref<1x64x640xf32, #tpu.memory_space<vmem>>
      %gather3A_651 = tpu.memref_squeeze %gather3A_650 : memref<1x64x640xf32, #tpu.memory_space<vmem>> -> memref<64x640xf32, #tpu.memory_space<vmem>>
      %gather3A_652 = tpu.vector_load_idx %gather3A_651[%add3A_527, %broadcast_in_dim3A_646] : memref<64x640xf32, #tpu.memory_space<vmem>>[vector<16xi32>, vector<16xi32>], vector<16xf32>,
      %broadcast_in_dim3A_653 = arith.constant 8 : i32
      %broadcast_in_dim3A_654 = vector.broadcast %broadcast_in_dim3A_653 : i32 to vector<16xi32>
      %scatter3A_655 = arith.constant 0 : i32
      %scatter3A_656 = arith.constant 0 : i32
      %scatter3A_657 = arith.constant 0 : i32
      %scatter3A_658 = tpu.memref_slice %arg5[%scatter3A_655, %scatter3A_656, %scatter3A_657] : memref<2x64x10xf32, #tpu.memory_space<vmem>> -> memref<1x64x10xf32, #tpu.memory_space<vmem>>
      %scatter3A_659 = tpu.memref_squeeze %scatter3A_658 : memref<1x64x10xf32, #tpu.memory_space<vmem>> -> memref<64x10xf32, #tpu.memory_space<vmem>>
      tpu.vector_store_idx %scatter3A_659[%add3A_527, %broadcast_in_dim3A_654], %gather3A_652 : memref<64x10xf32, #tpu.memory_space<vmem>>[vector<16xi32>, vector<16xi32>], vector<16xf32>,
      %broadcast_in_dim3A_660 = arith.constant 573 : i32
      %broadcast_in_dim3A_661 = vector.broadcast %broadcast_in_dim3A_660 : i32 to vector<16xi32>
      %gather3A_662 = arith.constant 0 : i32
      %gather3A_663 = arith.constant 0 : i32
      %gather3A_664 = arith.constant 0 : i32
      %gather3A_665 = tpu.memref_slice %arg4[%gather3A_662, %gather3A_663, %gather3A_664] : memref<2x64x640xf32, #tpu.memory_space<vmem>> -> memref<1x64x640xf32, #tpu.memory_space<vmem>>
      %gather3A_666 = tpu.memref_squeeze %gather3A_665 : memref<1x64x640xf32, #tpu.memory_space<vmem>> -> memref<64x640xf32, #tpu.memory_space<vmem>>
      %gather3A_667 = tpu.vector_load_idx %gather3A_666[%add3A_527, %broadcast_in_dim3A_661] : memref<64x640xf32, #tpu.memory_space<vmem>>[vector<16xi32>, vector<16xi32>], vector<16xf32>,
      %broadcast_in_dim3A_668 = arith.constant 9 : i32
      %broadcast_in_dim3A_669 = vector.broadcast %broadcast_in_dim3A_668 : i32 to vector<16xi32>
      %scatter3A_670 = arith.constant 0 : i32
      %scatter3A_671 = arith.constant 0 : i32
      %scatter3A_672 = arith.constant 0 : i32
      %scatter3A_673 = tpu.memref_slice %arg5[%scatter3A_670, %scatter3A_671, %scatter3A_672] : memref<2x64x10xf32, #tpu.memory_space<vmem>> -> memref<1x64x10xf32, #tpu.memory_space<vmem>>
      %scatter3A_674 = tpu.memref_squeeze %scatter3A_673 : memref<1x64x10xf32, #tpu.memory_space<vmem>> -> memref<64x10xf32, #tpu.memory_space<vmem>>
      tpu.vector_store_idx %scatter3A_674[%add3A_527, %broadcast_in_dim3A_669], %gather3A_667 : memref<64x10xf32, #tpu.memory_space<vmem>>[vector<16xi32>, vector<16xi32>], vector<16xf32>,
    }
    %scan3A_471 = arith.constant 4 : i32
    %sub3A_472 = arith.constant 10240 : i32
    %sub3A_473 = arith.subi %add3A_4, %sub3A_472 : i32
    %add3A_474 = arith.constant 128 : i32
    %add3A_475 = arith.addi %sub3A_473, %add3A_474 : i32
    %dma_start3A_476 = arith.constant 0 : i32
    %dma_start3A_477 = arith.constant 0 : i32
    %dma_start3A_478 = arith.constant 0 : i32
    %dma_start3A_479 = tpu.memref_slice %arg5[%dma_start3A_476, %dma_start3A_477, %dma_start3A_478] : memref<2x64x10xf32, #tpu.memory_space<vmem>> -> memref<1x64x10xf32, #tpu.memory_space<vmem>>
    %dma_start3A_480 = tpu.memref_squeeze %dma_start3A_479 : memref<1x64x10xf32, #tpu.memory_space<vmem>> -> memref<64x10xf32, #tpu.memory_space<vmem>>
    %dma_start3A_481 = arith.constant 0 : i32
    %dma_start3A_482 = tpu.memref_slice %arg3[%add3A_475, %dma_start3A_481] : memref<6144x10xf32, #tpu.memory_space<hbm>> -> memref<64x10xf32, #tpu.memory_space<hbm>>
    %dma_start3A_483 = arith.constant 0 : i32
    %dma_start3A_484 = tpu.memref_slice %arg3[%add3A_475, %dma_start3A_483] : memref<6144x10xf32, #tpu.memory_space<hbm>> -> memref<64x10xf32, #tpu.memory_space<hbm>>
    %dma_start3A_485 = arith.constant 0 : i32
    %dma_start3A_486 = arith.constant 0 : i32
    %dma_start3A_487 = tpu.memref_slice %arg5[%dma_start3A_476, %dma_start3A_485, %dma_start3A_486] : memref<2x64x10xf32, #tpu.memory_space<vmem>> -> memref<1x64x10xf32, #tpu.memory_space<vmem>>
    %dma_start3A_488 = tpu.memref_squeeze %dma_start3A_487 : memref<1x64x10xf32, #tpu.memory_space<vmem>> -> memref<64x10xf32, #tpu.memory_space<vmem>>
    tpu.enqueue_dma source(%dma_start3A_488 : memref<64x10xf32, #tpu.memory_space<vmem>>) target(%dma_start3A_484 : memref<64x10xf32, #tpu.memory_space<hbm>>) target_semaphore(%arg7 : memref<!tpu.dma_semaphore, #tpu.memory_space<semaphore_mem>>)
    %sub3A_489 = arith.constant 10240 : i32
    %sub3A_490 = arith.subi %add3A_4, %sub3A_489 : i32
    %add3A_491 = arith.constant 64 : i32
    %add3A_492 = arith.addi %sub3A_490, %add3A_491 : i32
    %dma_wait3A_493 = arith.constant 1 : i32
    %dma_wait3A_494 = arith.constant 0 : i32
    %dma_wait3A_495 = arith.constant 0 : i32
    %dma_wait3A_496 = tpu.memref_slice %arg5[%dma_wait3A_493, %dma_wait3A_494, %dma_wait3A_495] : memref<2x64x10xf32, #tpu.memory_space<vmem>> -> memref<1x64x10xf32, #tpu.memory_space<vmem>>
    %dma_wait3A_497 = tpu.memref_squeeze %dma_wait3A_496 : memref<1x64x10xf32, #tpu.memory_space<vmem>> -> memref<64x10xf32, #tpu.memory_space<vmem>>
    %dma_wait3A_498 = arith.constant 0 : i32
    %dma_wait3A_499 = tpu.memref_slice %arg3[%add3A_492, %dma_wait3A_498] : memref<6144x10xf32, #tpu.memory_space<hbm>> -> memref<64x10xf32, #tpu.memory_space<hbm>>
    %dma_wait3A_500 = arith.constant 0 : i32
    %dma_wait3A_501 = tpu.memref_slice %arg3[%add3A_492, %dma_wait3A_500] : memref<6144x10xf32, #tpu.memory_space<hbm>> -> memref<64x10xf32, #tpu.memory_space<hbm>>
    %dma_wait3A_502 = arith.constant 0 : i32
    %dma_wait3A_503 = arith.constant 0 : i32
    %dma_wait3A_504 = tpu.memref_slice %arg5[%dma_wait3A_493, %dma_wait3A_502, %dma_wait3A_503] : memref<2x64x10xf32, #tpu.memory_space<vmem>> -> memref<1x64x10xf32, #tpu.memory_space<vmem>>
    %dma_wait3A_505 = tpu.memref_squeeze %dma_wait3A_504 : memref<1x64x10xf32, #tpu.memory_space<vmem>> -> memref<64x10xf32, #tpu.memory_space<vmem>>
    tpu.wait_dma2 semaphore(%arg7 : memref<!tpu.dma_semaphore, #tpu.memory_space<semaphore_mem>>) src(%dma_wait3A_505 : memref<64x10xf32, #tpu.memory_space<vmem>>) dst(%dma_wait3A_501 : memref<64x10xf32, #tpu.memory_space<hbm>>)
    %sub3A_506 = arith.constant 10240 : i32
    %sub3A_507 = arith.subi %add3A_4, %sub3A_506 : i32
    %add3A_508 = arith.constant 128 : i32
    %add3A_509 = arith.addi %sub3A_507, %add3A_508 : i32
    %dma_wait3A_510 = arith.constant 0 : i32
    %dma_wait3A_511 = arith.constant 0 : i32
    %dma_wait3A_512 = arith.constant 0 : i32
    %dma_wait3A_513 = tpu.memref_slice %arg5[%dma_wait3A_510, %dma_wait3A_511, %dma_wait3A_512] : memref<2x64x10xf32, #tpu.memory_space<vmem>> -> memref<1x64x10xf32, #tpu.memory_space<vmem>>
    %dma_wait3A_514 = tpu.memref_squeeze %dma_wait3A_513 : memref<1x64x10xf32, #tpu.memory_space<vmem>> -> memref<64x10xf32, #tpu.memory_space<vmem>>
    %dma_wait3A_515 = arith.constant 0 : i32
    %dma_wait3A_516 = tpu.memref_slice %arg3[%add3A_509, %dma_wait3A_515] : memref<6144x10xf32, #tpu.memory_space<hbm>> -> memref<64x10xf32, #tpu.memory_space<hbm>>
    %dma_wait3A_517 = arith.constant 0 : i32
    %dma_wait3A_518 = tpu.memref_slice %arg3[%add3A_509, %dma_wait3A_517] : memref<6144x10xf32, #tpu.memory_space<hbm>> -> memref<64x10xf32, #tpu.memory_space<hbm>>
    %dma_wait3A_519 = arith.constant 0 : i32
    %dma_wait3A_520 = arith.constant 0 : i32
    %dma_wait3A_521 = tpu.memref_slice %arg5[%dma_wait3A_510, %dma_wait3A_519, %dma_wait3A_520] : memref<2x64x10xf32, #tpu.memory_space<vmem>> -> memref<1x64x10xf32, #tpu.memory_space<vmem>>
    %dma_wait3A_522 = tpu.memref_squeeze %dma_wait3A_521 : memref<1x64x10xf32, #tpu.memory_space<vmem>> -> memref<64x10xf32, #tpu.memory_space<vmem>>
    tpu.wait_dma2 semaphore(%arg7 : memref<!tpu.dma_semaphore, #tpu.memory_space<semaphore_mem>>) src(%dma_wait3A_522 : memref<64x10xf32, #tpu.memory_space<vmem>>) dst(%dma_wait3A_518 : memref<64x10xf32, #tpu.memory_space<hbm>>)
    return
  }
}

module attributes {stable_mosaic.version = 14 : i64} {
  func.func @_tc_body(%arg0: memref<16384x1000xf32, #tpu.memory_space<hbm>>, %arg1: memref<10240x10xf32, #tpu.memory_space<hbm>>, %arg2: memref<4x512x640xf32, #tpu.memory_space<vmem>>, %arg3: memref<4x512x10xf32, #tpu.memory_space<vmem>>, %arg4: memref<4x5x!tpu.dma_semaphore, #tpu.memory_space<semaphore_mem>>, %arg5: memref<4x!tpu.dma_semaphore, #tpu.memory_space<semaphore_mem>>) attributes {dimension_semantics = [], scalar_prefetch = 0 : i64, scratch_operands = 4 : i64, tpu.core_type = #tpu.core_type<tc>} {
    %rem3A = arith.constant 0 : i32
    %rem3A_0 = arith.constant 4 : i32
    %rem3A_1 = arith.remsi %rem3A, %rem3A_0 : i32
    %dma_start3A = arith.constant 0 : i32
    %dma_start3A_2 = tpu.memref_slice %arg4[%rem3A_1, %dma_start3A] : memref<4x5x!tpu.dma_semaphore, #tpu.memory_space<semaphore_mem>> -> memref<1x1x!tpu.dma_semaphore, #tpu.memory_space<semaphore_mem>>
    %dma_start3A_3 = tpu.memref_squeeze %dma_start3A_2 : memref<1x1x!tpu.dma_semaphore, #tpu.memory_space<semaphore_mem>> -> memref<!tpu.dma_semaphore, #tpu.memory_space<semaphore_mem>>
    %dma_start3A_4 = arith.constant 0 : i32
    %dma_start3A_5 = arith.constant 0 : i32
    %dma_start3A_6 = tpu.memref_slice %arg2[%rem3A_1, %dma_start3A_4, %dma_start3A_5] : memref<4x512x640xf32, #tpu.memory_space<vmem>> -> memref<1x512x128xf32, #tpu.memory_space<vmem>>
    %dma_start3A_7 = tpu.memref_squeeze %dma_start3A_6 : memref<1x512x128xf32, #tpu.memory_space<vmem>> -> memref<512x128xf32, #tpu.memory_space<vmem>>
    %dma_start3A_8 = arith.constant 0 : i32
    %dma_start3A_9 = arith.constant 0 : i32
    %dma_start3A_10 = tpu.memref_slice %arg0[%dma_start3A_8, %dma_start3A_9] : memref<16384x1000xf32, #tpu.memory_space<hbm>> -> memref<512x128xf32, #tpu.memory_space<hbm>>
    tpu.enqueue_dma source(%dma_start3A_10 : memref<512x128xf32, #tpu.memory_space<hbm>>) target(%dma_start3A_7 : memref<512x128xf32, #tpu.memory_space<vmem>>) target_semaphore(%dma_start3A_3 : memref<!tpu.dma_semaphore, #tpu.memory_space<semaphore_mem>>)
    %dma_start3A_11 = arith.constant 1 : i32
    %dma_start3A_12 = tpu.memref_slice %arg4[%rem3A_1, %dma_start3A_11] : memref<4x5x!tpu.dma_semaphore, #tpu.memory_space<semaphore_mem>> -> memref<1x1x!tpu.dma_semaphore, #tpu.memory_space<semaphore_mem>>
    %dma_start3A_13 = tpu.memref_squeeze %dma_start3A_12 : memref<1x1x!tpu.dma_semaphore, #tpu.memory_space<semaphore_mem>> -> memref<!tpu.dma_semaphore, #tpu.memory_space<semaphore_mem>>
    %dma_start3A_14 = arith.constant 0 : i32
    %dma_start3A_15 = arith.constant 128 : i32
    %dma_start3A_16 = tpu.memref_slice %arg2[%rem3A_1, %dma_start3A_14, %dma_start3A_15] : memref<4x512x640xf32, #tpu.memory_space<vmem>> -> memref<1x512x128xf32, #tpu.memory_space<vmem>>
    %dma_start3A_17 = tpu.memref_squeeze %dma_start3A_16 : memref<1x512x128xf32, #tpu.memory_space<vmem>> -> memref<512x128xf32, #tpu.memory_space<vmem>>
    %dma_start3A_18 = arith.constant 0 : i32
    %dma_start3A_19 = arith.constant 128 : i32
    %dma_start3A_20 = tpu.memref_slice %arg0[%dma_start3A_18, %dma_start3A_19] : memref<16384x1000xf32, #tpu.memory_space<hbm>> -> memref<512x128xf32, #tpu.memory_space<hbm>>
    tpu.enqueue_dma source(%dma_start3A_20 : memref<512x128xf32, #tpu.memory_space<hbm>>) target(%dma_start3A_17 : memref<512x128xf32, #tpu.memory_space<vmem>>) target_semaphore(%dma_start3A_13 : memref<!tpu.dma_semaphore, #tpu.memory_space<semaphore_mem>>)
    %dma_start3A_21 = arith.constant 2 : i32
    %dma_start3A_22 = tpu.memref_slice %arg4[%rem3A_1, %dma_start3A_21] : memref<4x5x!tpu.dma_semaphore, #tpu.memory_space<semaphore_mem>> -> memref<1x1x!tpu.dma_semaphore, #tpu.memory_space<semaphore_mem>>
    %dma_start3A_23 = tpu.memref_squeeze %dma_start3A_22 : memref<1x1x!tpu.dma_semaphore, #tpu.memory_space<semaphore_mem>> -> memref<!tpu.dma_semaphore, #tpu.memory_space<semaphore_mem>>
    %dma_start3A_24 = arith.constant 0 : i32
    %dma_start3A_25 = arith.constant 256 : i32
    %dma_start3A_26 = tpu.memref_slice %arg2[%rem3A_1, %dma_start3A_24, %dma_start3A_25] : memref<4x512x640xf32, #tpu.memory_space<vmem>> -> memref<1x512x128xf32, #tpu.memory_space<vmem>>
    %dma_start3A_27 = tpu.memref_squeeze %dma_start3A_26 : memref<1x512x128xf32, #tpu.memory_space<vmem>> -> memref<512x128xf32, #tpu.memory_space<vmem>>
    %dma_start3A_28 = arith.constant 0 : i32
    %dma_start3A_29 = arith.constant 384 : i32
    %dma_start3A_30 = tpu.memref_slice %arg0[%dma_start3A_28, %dma_start3A_29] : memref<16384x1000xf32, #tpu.memory_space<hbm>> -> memref<512x128xf32, #tpu.memory_space<hbm>>
    tpu.enqueue_dma source(%dma_start3A_30 : memref<512x128xf32, #tpu.memory_space<hbm>>) target(%dma_start3A_27 : memref<512x128xf32, #tpu.memory_space<vmem>>) target_semaphore(%dma_start3A_23 : memref<!tpu.dma_semaphore, #tpu.memory_space<semaphore_mem>>)
    %dma_start3A_31 = arith.constant 3 : i32
    %dma_start3A_32 = tpu.memref_slice %arg4[%rem3A_1, %dma_start3A_31] : memref<4x5x!tpu.dma_semaphore, #tpu.memory_space<semaphore_mem>> -> memref<1x1x!tpu.dma_semaphore, #tpu.memory_space<semaphore_mem>>
    %dma_start3A_33 = tpu.memref_squeeze %dma_start3A_32 : memref<1x1x!tpu.dma_semaphore, #tpu.memory_space<semaphore_mem>> -> memref<!tpu.dma_semaphore, #tpu.memory_space<semaphore_mem>>
    %dma_start3A_34 = arith.constant 0 : i32
    %dma_start3A_35 = arith.constant 384 : i32
    %dma_start3A_36 = tpu.memref_slice %arg2[%rem3A_1, %dma_start3A_34, %dma_start3A_35] : memref<4x512x640xf32, #tpu.memory_space<vmem>> -> memref<1x512x128xf32, #tpu.memory_space<vmem>>
    %dma_start3A_37 = tpu.memref_squeeze %dma_start3A_36 : memref<1x512x128xf32, #tpu.memory_space<vmem>> -> memref<512x128xf32, #tpu.memory_space<vmem>>
    %dma_start3A_38 = arith.constant 0 : i32
    %dma_start3A_39 = arith.constant 512 : i32
    %dma_start3A_40 = tpu.memref_slice %arg0[%dma_start3A_38, %dma_start3A_39] : memref<16384x1000xf32, #tpu.memory_space<hbm>> -> memref<512x128xf32, #tpu.memory_space<hbm>>
    tpu.enqueue_dma source(%dma_start3A_40 : memref<512x128xf32, #tpu.memory_space<hbm>>) target(%dma_start3A_37 : memref<512x128xf32, #tpu.memory_space<vmem>>) target_semaphore(%dma_start3A_33 : memref<!tpu.dma_semaphore, #tpu.memory_space<semaphore_mem>>)
    %dma_start3A_41 = arith.constant 4 : i32
    %dma_start3A_42 = tpu.memref_slice %arg4[%rem3A_1, %dma_start3A_41] : memref<4x5x!tpu.dma_semaphore, #tpu.memory_space<semaphore_mem>> -> memref<1x1x!tpu.dma_semaphore, #tpu.memory_space<semaphore_mem>>
    %dma_start3A_43 = tpu.memref_squeeze %dma_start3A_42 : memref<1x1x!tpu.dma_semaphore, #tpu.memory_space<semaphore_mem>> -> memref<!tpu.dma_semaphore, #tpu.memory_space<semaphore_mem>>
    %dma_start3A_44 = arith.constant 0 : i32
    %dma_start3A_45 = arith.constant 512 : i32
    %dma_start3A_46 = tpu.memref_slice %arg2[%rem3A_1, %dma_start3A_44, %dma_start3A_45] : memref<4x512x640xf32, #tpu.memory_space<vmem>> -> memref<1x512x128xf32, #tpu.memory_space<vmem>>
    %dma_start3A_47 = tpu.memref_squeeze %dma_start3A_46 : memref<1x512x128xf32, #tpu.memory_space<vmem>> -> memref<512x128xf32, #tpu.memory_space<vmem>>
    %dma_start3A_48 = arith.constant 0 : i32
    %dma_start3A_49 = arith.constant 640 : i32
    %dma_start3A_50 = tpu.memref_slice %arg0[%dma_start3A_48, %dma_start3A_49] : memref<16384x1000xf32, #tpu.memory_space<hbm>> -> memref<512x128xf32, #tpu.memory_space<hbm>>
    tpu.enqueue_dma source(%dma_start3A_50 : memref<512x128xf32, #tpu.memory_space<hbm>>) target(%dma_start3A_47 : memref<512x128xf32, #tpu.memory_space<vmem>>) target_semaphore(%dma_start3A_43 : memref<!tpu.dma_semaphore, #tpu.memory_space<semaphore_mem>>)
    %rem3A_51 = arith.constant 1 : i32
    %rem3A_52 = arith.constant 4 : i32
    %rem3A_53 = arith.remsi %rem3A_51, %rem3A_52 : i32
    %dma_start3A_54 = arith.constant 0 : i32
    %dma_start3A_55 = tpu.memref_slice %arg4[%rem3A_53, %dma_start3A_54] : memref<4x5x!tpu.dma_semaphore, #tpu.memory_space<semaphore_mem>> -> memref<1x1x!tpu.dma_semaphore, #tpu.memory_space<semaphore_mem>>
    %dma_start3A_56 = tpu.memref_squeeze %dma_start3A_55 : memref<1x1x!tpu.dma_semaphore, #tpu.memory_space<semaphore_mem>> -> memref<!tpu.dma_semaphore, #tpu.memory_space<semaphore_mem>>
    %dma_start3A_57 = arith.constant 0 : i32
    %dma_start3A_58 = arith.constant 0 : i32
    %dma_start3A_59 = tpu.memref_slice %arg2[%rem3A_53, %dma_start3A_57, %dma_start3A_58] : memref<4x512x640xf32, #tpu.memory_space<vmem>> -> memref<1x512x128xf32, #tpu.memory_space<vmem>>
    %dma_start3A_60 = tpu.memref_squeeze %dma_start3A_59 : memref<1x512x128xf32, #tpu.memory_space<vmem>> -> memref<512x128xf32, #tpu.memory_space<vmem>>
    %dma_start3A_61 = arith.constant 512 : i32
    %dma_start3A_62 = arith.constant 0 : i32
    %dma_start3A_63 = tpu.memref_slice %arg0[%dma_start3A_61, %dma_start3A_62] : memref<16384x1000xf32, #tpu.memory_space<hbm>> -> memref<512x128xf32, #tpu.memory_space<hbm>>
    tpu.enqueue_dma source(%dma_start3A_63 : memref<512x128xf32, #tpu.memory_space<hbm>>) target(%dma_start3A_60 : memref<512x128xf32, #tpu.memory_space<vmem>>) target_semaphore(%dma_start3A_56 : memref<!tpu.dma_semaphore, #tpu.memory_space<semaphore_mem>>)
    %dma_start3A_64 = arith.constant 1 : i32
    %dma_start3A_65 = tpu.memref_slice %arg4[%rem3A_53, %dma_start3A_64] : memref<4x5x!tpu.dma_semaphore, #tpu.memory_space<semaphore_mem>> -> memref<1x1x!tpu.dma_semaphore, #tpu.memory_space<semaphore_mem>>
    %dma_start3A_66 = tpu.memref_squeeze %dma_start3A_65 : memref<1x1x!tpu.dma_semaphore, #tpu.memory_space<semaphore_mem>> -> memref<!tpu.dma_semaphore, #tpu.memory_space<semaphore_mem>>
    %dma_start3A_67 = arith.constant 0 : i32
    %dma_start3A_68 = arith.constant 128 : i32
    %dma_start3A_69 = tpu.memref_slice %arg2[%rem3A_53, %dma_start3A_67, %dma_start3A_68] : memref<4x512x640xf32, #tpu.memory_space<vmem>> -> memref<1x512x128xf32, #tpu.memory_space<vmem>>
    %dma_start3A_70 = tpu.memref_squeeze %dma_start3A_69 : memref<1x512x128xf32, #tpu.memory_space<vmem>> -> memref<512x128xf32, #tpu.memory_space<vmem>>
    %dma_start3A_71 = arith.constant 512 : i32
    %dma_start3A_72 = arith.constant 128 : i32
    %dma_start3A_73 = tpu.memref_slice %arg0[%dma_start3A_71, %dma_start3A_72] : memref<16384x1000xf32, #tpu.memory_space<hbm>> -> memref<512x128xf32, #tpu.memory_space<hbm>>
    tpu.enqueue_dma source(%dma_start3A_73 : memref<512x128xf32, #tpu.memory_space<hbm>>) target(%dma_start3A_70 : memref<512x128xf32, #tpu.memory_space<vmem>>) target_semaphore(%dma_start3A_66 : memref<!tpu.dma_semaphore, #tpu.memory_space<semaphore_mem>>)
    %dma_start3A_74 = arith.constant 2 : i32
    %dma_start3A_75 = tpu.memref_slice %arg4[%rem3A_53, %dma_start3A_74] : memref<4x5x!tpu.dma_semaphore, #tpu.memory_space<semaphore_mem>> -> memref<1x1x!tpu.dma_semaphore, #tpu.memory_space<semaphore_mem>>
    %dma_start3A_76 = tpu.memref_squeeze %dma_start3A_75 : memref<1x1x!tpu.dma_semaphore, #tpu.memory_space<semaphore_mem>> -> memref<!tpu.dma_semaphore, #tpu.memory_space<semaphore_mem>>
    %dma_start3A_77 = arith.constant 0 : i32
    %dma_start3A_78 = arith.constant 256 : i32
    %dma_start3A_79 = tpu.memref_slice %arg2[%rem3A_53, %dma_start3A_77, %dma_start3A_78] : memref<4x512x640xf32, #tpu.memory_space<vmem>> -> memref<1x512x128xf32, #tpu.memory_space<vmem>>
    %dma_start3A_80 = tpu.memref_squeeze %dma_start3A_79 : memref<1x512x128xf32, #tpu.memory_space<vmem>> -> memref<512x128xf32, #tpu.memory_space<vmem>>
    %dma_start3A_81 = arith.constant 512 : i32
    %dma_start3A_82 = arith.constant 384 : i32
    %dma_start3A_83 = tpu.memref_slice %arg0[%dma_start3A_81, %dma_start3A_82] : memref<16384x1000xf32, #tpu.memory_space<hbm>> -> memref<512x128xf32, #tpu.memory_space<hbm>>
    tpu.enqueue_dma source(%dma_start3A_83 : memref<512x128xf32, #tpu.memory_space<hbm>>) target(%dma_start3A_80 : memref<512x128xf32, #tpu.memory_space<vmem>>) target_semaphore(%dma_start3A_76 : memref<!tpu.dma_semaphore, #tpu.memory_space<semaphore_mem>>)
    %dma_start3A_84 = arith.constant 3 : i32
    %dma_start3A_85 = tpu.memref_slice %arg4[%rem3A_53, %dma_start3A_84] : memref<4x5x!tpu.dma_semaphore, #tpu.memory_space<semaphore_mem>> -> memref<1x1x!tpu.dma_semaphore, #tpu.memory_space<semaphore_mem>>
    %dma_start3A_86 = tpu.memref_squeeze %dma_start3A_85 : memref<1x1x!tpu.dma_semaphore, #tpu.memory_space<semaphore_mem>> -> memref<!tpu.dma_semaphore, #tpu.memory_space<semaphore_mem>>
    %dma_start3A_87 = arith.constant 0 : i32
    %dma_start3A_88 = arith.constant 384 : i32
    %dma_start3A_89 = tpu.memref_slice %arg2[%rem3A_53, %dma_start3A_87, %dma_start3A_88] : memref<4x512x640xf32, #tpu.memory_space<vmem>> -> memref<1x512x128xf32, #tpu.memory_space<vmem>>
    %dma_start3A_90 = tpu.memref_squeeze %dma_start3A_89 : memref<1x512x128xf32, #tpu.memory_space<vmem>> -> memref<512x128xf32, #tpu.memory_space<vmem>>
    %dma_start3A_91 = arith.constant 512 : i32
    %dma_start3A_92 = arith.constant 512 : i32
    %dma_start3A_93 = tpu.memref_slice %arg0[%dma_start3A_91, %dma_start3A_92] : memref<16384x1000xf32, #tpu.memory_space<hbm>> -> memref<512x128xf32, #tpu.memory_space<hbm>>
    tpu.enqueue_dma source(%dma_start3A_93 : memref<512x128xf32, #tpu.memory_space<hbm>>) target(%dma_start3A_90 : memref<512x128xf32, #tpu.memory_space<vmem>>) target_semaphore(%dma_start3A_86 : memref<!tpu.dma_semaphore, #tpu.memory_space<semaphore_mem>>)
    %dma_start3A_94 = arith.constant 4 : i32
    %dma_start3A_95 = tpu.memref_slice %arg4[%rem3A_53, %dma_start3A_94] : memref<4x5x!tpu.dma_semaphore, #tpu.memory_space<semaphore_mem>> -> memref<1x1x!tpu.dma_semaphore, #tpu.memory_space<semaphore_mem>>
    %dma_start3A_96 = tpu.memref_squeeze %dma_start3A_95 : memref<1x1x!tpu.dma_semaphore, #tpu.memory_space<semaphore_mem>> -> memref<!tpu.dma_semaphore, #tpu.memory_space<semaphore_mem>>
    %dma_start3A_97 = arith.constant 0 : i32
    %dma_start3A_98 = arith.constant 512 : i32
    %dma_start3A_99 = tpu.memref_slice %arg2[%rem3A_53, %dma_start3A_97, %dma_start3A_98] : memref<4x512x640xf32, #tpu.memory_space<vmem>> -> memref<1x512x128xf32, #tpu.memory_space<vmem>>
    %dma_start3A_100 = tpu.memref_squeeze %dma_start3A_99 : memref<1x512x128xf32, #tpu.memory_space<vmem>> -> memref<512x128xf32, #tpu.memory_space<vmem>>
    %dma_start3A_101 = arith.constant 512 : i32
    %dma_start3A_102 = arith.constant 640 : i32
    %dma_start3A_103 = tpu.memref_slice %arg0[%dma_start3A_101, %dma_start3A_102] : memref<16384x1000xf32, #tpu.memory_space<hbm>> -> memref<512x128xf32, #tpu.memory_space<hbm>>
    tpu.enqueue_dma source(%dma_start3A_103 : memref<512x128xf32, #tpu.memory_space<hbm>>) target(%dma_start3A_100 : memref<512x128xf32, #tpu.memory_space<vmem>>) target_semaphore(%dma_start3A_96 : memref<!tpu.dma_semaphore, #tpu.memory_space<semaphore_mem>>)
    %rem3A_104 = arith.constant 2 : i32
    %rem3A_105 = arith.constant 4 : i32
    %rem3A_106 = arith.remsi %rem3A_104, %rem3A_105 : i32
    %dma_start3A_107 = arith.constant 0 : i32
    %dma_start3A_108 = tpu.memref_slice %arg4[%rem3A_106, %dma_start3A_107] : memref<4x5x!tpu.dma_semaphore, #tpu.memory_space<semaphore_mem>> -> memref<1x1x!tpu.dma_semaphore, #tpu.memory_space<semaphore_mem>>
    %dma_start3A_109 = tpu.memref_squeeze %dma_start3A_108 : memref<1x1x!tpu.dma_semaphore, #tpu.memory_space<semaphore_mem>> -> memref<!tpu.dma_semaphore, #tpu.memory_space<semaphore_mem>>
    %dma_start3A_110 = arith.constant 0 : i32
    %dma_start3A_111 = arith.constant 0 : i32
    %dma_start3A_112 = tpu.memref_slice %arg2[%rem3A_106, %dma_start3A_110, %dma_start3A_111] : memref<4x512x640xf32, #tpu.memory_space<vmem>> -> memref<1x512x128xf32, #tpu.memory_space<vmem>>
    %dma_start3A_113 = tpu.memref_squeeze %dma_start3A_112 : memref<1x512x128xf32, #tpu.memory_space<vmem>> -> memref<512x128xf32, #tpu.memory_space<vmem>>
    %dma_start3A_114 = arith.constant 1024 : i32
    %dma_start3A_115 = arith.constant 0 : i32
    %dma_start3A_116 = tpu.memref_slice %arg0[%dma_start3A_114, %dma_start3A_115] : memref<16384x1000xf32, #tpu.memory_space<hbm>> -> memref<512x128xf32, #tpu.memory_space<hbm>>
    tpu.enqueue_dma source(%dma_start3A_116 : memref<512x128xf32, #tpu.memory_space<hbm>>) target(%dma_start3A_113 : memref<512x128xf32, #tpu.memory_space<vmem>>) target_semaphore(%dma_start3A_109 : memref<!tpu.dma_semaphore, #tpu.memory_space<semaphore_mem>>)
    %dma_start3A_117 = arith.constant 1 : i32
    %dma_start3A_118 = tpu.memref_slice %arg4[%rem3A_106, %dma_start3A_117] : memref<4x5x!tpu.dma_semaphore, #tpu.memory_space<semaphore_mem>> -> memref<1x1x!tpu.dma_semaphore, #tpu.memory_space<semaphore_mem>>
    %dma_start3A_119 = tpu.memref_squeeze %dma_start3A_118 : memref<1x1x!tpu.dma_semaphore, #tpu.memory_space<semaphore_mem>> -> memref<!tpu.dma_semaphore, #tpu.memory_space<semaphore_mem>>
    %dma_start3A_120 = arith.constant 0 : i32
    %dma_start3A_121 = arith.constant 128 : i32
    %dma_start3A_122 = tpu.memref_slice %arg2[%rem3A_106, %dma_start3A_120, %dma_start3A_121] : memref<4x512x640xf32, #tpu.memory_space<vmem>> -> memref<1x512x128xf32, #tpu.memory_space<vmem>>
    %dma_start3A_123 = tpu.memref_squeeze %dma_start3A_122 : memref<1x512x128xf32, #tpu.memory_space<vmem>> -> memref<512x128xf32, #tpu.memory_space<vmem>>
    %dma_start3A_124 = arith.constant 1024 : i32
    %dma_start3A_125 = arith.constant 128 : i32
    %dma_start3A_126 = tpu.memref_slice %arg0[%dma_start3A_124, %dma_start3A_125] : memref<16384x1000xf32, #tpu.memory_space<hbm>> -> memref<512x128xf32, #tpu.memory_space<hbm>>
    tpu.enqueue_dma source(%dma_start3A_126 : memref<512x128xf32, #tpu.memory_space<hbm>>) target(%dma_start3A_123 : memref<512x128xf32, #tpu.memory_space<vmem>>) target_semaphore(%dma_start3A_119 : memref<!tpu.dma_semaphore, #tpu.memory_space<semaphore_mem>>)
    %dma_start3A_127 = arith.constant 2 : i32
    %dma_start3A_128 = tpu.memref_slice %arg4[%rem3A_106, %dma_start3A_127] : memref<4x5x!tpu.dma_semaphore, #tpu.memory_space<semaphore_mem>> -> memref<1x1x!tpu.dma_semaphore, #tpu.memory_space<semaphore_mem>>
    %dma_start3A_129 = tpu.memref_squeeze %dma_start3A_128 : memref<1x1x!tpu.dma_semaphore, #tpu.memory_space<semaphore_mem>> -> memref<!tpu.dma_semaphore, #tpu.memory_space<semaphore_mem>>
    %dma_start3A_130 = arith.constant 0 : i32
    %dma_start3A_131 = arith.constant 256 : i32
    %dma_start3A_132 = tpu.memref_slice %arg2[%rem3A_106, %dma_start3A_130, %dma_start3A_131] : memref<4x512x640xf32, #tpu.memory_space<vmem>> -> memref<1x512x128xf32, #tpu.memory_space<vmem>>
    %dma_start3A_133 = tpu.memref_squeeze %dma_start3A_132 : memref<1x512x128xf32, #tpu.memory_space<vmem>> -> memref<512x128xf32, #tpu.memory_space<vmem>>
    %dma_start3A_134 = arith.constant 1024 : i32
    %dma_start3A_135 = arith.constant 384 : i32
    %dma_start3A_136 = tpu.memref_slice %arg0[%dma_start3A_134, %dma_start3A_135] : memref<16384x1000xf32, #tpu.memory_space<hbm>> -> memref<512x128xf32, #tpu.memory_space<hbm>>
    tpu.enqueue_dma source(%dma_start3A_136 : memref<512x128xf32, #tpu.memory_space<hbm>>) target(%dma_start3A_133 : memref<512x128xf32, #tpu.memory_space<vmem>>) target_semaphore(%dma_start3A_129 : memref<!tpu.dma_semaphore, #tpu.memory_space<semaphore_mem>>)
    %dma_start3A_137 = arith.constant 3 : i32
    %dma_start3A_138 = tpu.memref_slice %arg4[%rem3A_106, %dma_start3A_137] : memref<4x5x!tpu.dma_semaphore, #tpu.memory_space<semaphore_mem>> -> memref<1x1x!tpu.dma_semaphore, #tpu.memory_space<semaphore_mem>>
    %dma_start3A_139 = tpu.memref_squeeze %dma_start3A_138 : memref<1x1x!tpu.dma_semaphore, #tpu.memory_space<semaphore_mem>> -> memref<!tpu.dma_semaphore, #tpu.memory_space<semaphore_mem>>
    %dma_start3A_140 = arith.constant 0 : i32
    %dma_start3A_141 = arith.constant 384 : i32
    %dma_start3A_142 = tpu.memref_slice %arg2[%rem3A_106, %dma_start3A_140, %dma_start3A_141] : memref<4x512x640xf32, #tpu.memory_space<vmem>> -> memref<1x512x128xf32, #tpu.memory_space<vmem>>
    %dma_start3A_143 = tpu.memref_squeeze %dma_start3A_142 : memref<1x512x128xf32, #tpu.memory_space<vmem>> -> memref<512x128xf32, #tpu.memory_space<vmem>>
    %dma_start3A_144 = arith.constant 1024 : i32
    %dma_start3A_145 = arith.constant 512 : i32
    %dma_start3A_146 = tpu.memref_slice %arg0[%dma_start3A_144, %dma_start3A_145] : memref<16384x1000xf32, #tpu.memory_space<hbm>> -> memref<512x128xf32, #tpu.memory_space<hbm>>
    tpu.enqueue_dma source(%dma_start3A_146 : memref<512x128xf32, #tpu.memory_space<hbm>>) target(%dma_start3A_143 : memref<512x128xf32, #tpu.memory_space<vmem>>) target_semaphore(%dma_start3A_139 : memref<!tpu.dma_semaphore, #tpu.memory_space<semaphore_mem>>)
    %dma_start3A_147 = arith.constant 4 : i32
    %dma_start3A_148 = tpu.memref_slice %arg4[%rem3A_106, %dma_start3A_147] : memref<4x5x!tpu.dma_semaphore, #tpu.memory_space<semaphore_mem>> -> memref<1x1x!tpu.dma_semaphore, #tpu.memory_space<semaphore_mem>>
    %dma_start3A_149 = tpu.memref_squeeze %dma_start3A_148 : memref<1x1x!tpu.dma_semaphore, #tpu.memory_space<semaphore_mem>> -> memref<!tpu.dma_semaphore, #tpu.memory_space<semaphore_mem>>
    %dma_start3A_150 = arith.constant 0 : i32
    %dma_start3A_151 = arith.constant 512 : i32
    %dma_start3A_152 = tpu.memref_slice %arg2[%rem3A_106, %dma_start3A_150, %dma_start3A_151] : memref<4x512x640xf32, #tpu.memory_space<vmem>> -> memref<1x512x128xf32, #tpu.memory_space<vmem>>
    %dma_start3A_153 = tpu.memref_squeeze %dma_start3A_152 : memref<1x512x128xf32, #tpu.memory_space<vmem>> -> memref<512x128xf32, #tpu.memory_space<vmem>>
    %dma_start3A_154 = arith.constant 1024 : i32
    %dma_start3A_155 = arith.constant 640 : i32
    %dma_start3A_156 = tpu.memref_slice %arg0[%dma_start3A_154, %dma_start3A_155] : memref<16384x1000xf32, #tpu.memory_space<hbm>> -> memref<512x128xf32, #tpu.memory_space<hbm>>
    tpu.enqueue_dma source(%dma_start3A_156 : memref<512x128xf32, #tpu.memory_space<hbm>>) target(%dma_start3A_153 : memref<512x128xf32, #tpu.memory_space<vmem>>) target_semaphore(%dma_start3A_149 : memref<!tpu.dma_semaphore, #tpu.memory_space<semaphore_mem>>)
    %rem3A_157 = arith.constant 3 : i32
    %rem3A_158 = arith.constant 4 : i32
    %rem3A_159 = arith.remsi %rem3A_157, %rem3A_158 : i32
    %dma_start3A_160 = arith.constant 0 : i32
    %dma_start3A_161 = tpu.memref_slice %arg4[%rem3A_159, %dma_start3A_160] : memref<4x5x!tpu.dma_semaphore, #tpu.memory_space<semaphore_mem>> -> memref<1x1x!tpu.dma_semaphore, #tpu.memory_space<semaphore_mem>>
    %dma_start3A_162 = tpu.memref_squeeze %dma_start3A_161 : memref<1x1x!tpu.dma_semaphore, #tpu.memory_space<semaphore_mem>> -> memref<!tpu.dma_semaphore, #tpu.memory_space<semaphore_mem>>
    %dma_start3A_163 = arith.constant 0 : i32
    %dma_start3A_164 = arith.constant 0 : i32
    %dma_start3A_165 = tpu.memref_slice %arg2[%rem3A_159, %dma_start3A_163, %dma_start3A_164] : memref<4x512x640xf32, #tpu.memory_space<vmem>> -> memref<1x512x128xf32, #tpu.memory_space<vmem>>
    %dma_start3A_166 = tpu.memref_squeeze %dma_start3A_165 : memref<1x512x128xf32, #tpu.memory_space<vmem>> -> memref<512x128xf32, #tpu.memory_space<vmem>>
    %dma_start3A_167 = arith.constant 1536 : i32
    %dma_start3A_168 = arith.constant 0 : i32
    %dma_start3A_169 = tpu.memref_slice %arg0[%dma_start3A_167, %dma_start3A_168] : memref<16384x1000xf32, #tpu.memory_space<hbm>> -> memref<512x128xf32, #tpu.memory_space<hbm>>
    tpu.enqueue_dma source(%dma_start3A_169 : memref<512x128xf32, #tpu.memory_space<hbm>>) target(%dma_start3A_166 : memref<512x128xf32, #tpu.memory_space<vmem>>) target_semaphore(%dma_start3A_162 : memref<!tpu.dma_semaphore, #tpu.memory_space<semaphore_mem>>)
    %dma_start3A_170 = arith.constant 1 : i32
    %dma_start3A_171 = tpu.memref_slice %arg4[%rem3A_159, %dma_start3A_170] : memref<4x5x!tpu.dma_semaphore, #tpu.memory_space<semaphore_mem>> -> memref<1x1x!tpu.dma_semaphore, #tpu.memory_space<semaphore_mem>>
    %dma_start3A_172 = tpu.memref_squeeze %dma_start3A_171 : memref<1x1x!tpu.dma_semaphore, #tpu.memory_space<semaphore_mem>> -> memref<!tpu.dma_semaphore, #tpu.memory_space<semaphore_mem>>
    %dma_start3A_173 = arith.constant 0 : i32
    %dma_start3A_174 = arith.constant 128 : i32
    %dma_start3A_175 = tpu.memref_slice %arg2[%rem3A_159, %dma_start3A_173, %dma_start3A_174] : memref<4x512x640xf32, #tpu.memory_space<vmem>> -> memref<1x512x128xf32, #tpu.memory_space<vmem>>
    %dma_start3A_176 = tpu.memref_squeeze %dma_start3A_175 : memref<1x512x128xf32, #tpu.memory_space<vmem>> -> memref<512x128xf32, #tpu.memory_space<vmem>>
    %dma_start3A_177 = arith.constant 1536 : i32
    %dma_start3A_178 = arith.constant 128 : i32
    %dma_start3A_179 = tpu.memref_slice %arg0[%dma_start3A_177, %dma_start3A_178] : memref<16384x1000xf32, #tpu.memory_space<hbm>> -> memref<512x128xf32, #tpu.memory_space<hbm>>
    tpu.enqueue_dma source(%dma_start3A_179 : memref<512x128xf32, #tpu.memory_space<hbm>>) target(%dma_start3A_176 : memref<512x128xf32, #tpu.memory_space<vmem>>) target_semaphore(%dma_start3A_172 : memref<!tpu.dma_semaphore, #tpu.memory_space<semaphore_mem>>)
    %dma_start3A_180 = arith.constant 2 : i32
    %dma_start3A_181 = tpu.memref_slice %arg4[%rem3A_159, %dma_start3A_180] : memref<4x5x!tpu.dma_semaphore, #tpu.memory_space<semaphore_mem>> -> memref<1x1x!tpu.dma_semaphore, #tpu.memory_space<semaphore_mem>>
    %dma_start3A_182 = tpu.memref_squeeze %dma_start3A_181 : memref<1x1x!tpu.dma_semaphore, #tpu.memory_space<semaphore_mem>> -> memref<!tpu.dma_semaphore, #tpu.memory_space<semaphore_mem>>
    %dma_start3A_183 = arith.constant 0 : i32
    %dma_start3A_184 = arith.constant 256 : i32
    %dma_start3A_185 = tpu.memref_slice %arg2[%rem3A_159, %dma_start3A_183, %dma_start3A_184] : memref<4x512x640xf32, #tpu.memory_space<vmem>> -> memref<1x512x128xf32, #tpu.memory_space<vmem>>
    %dma_start3A_186 = tpu.memref_squeeze %dma_start3A_185 : memref<1x512x128xf32, #tpu.memory_space<vmem>> -> memref<512x128xf32, #tpu.memory_space<vmem>>
    %dma_start3A_187 = arith.constant 1536 : i32
    %dma_start3A_188 = arith.constant 384 : i32
    %dma_start3A_189 = tpu.memref_slice %arg0[%dma_start3A_187, %dma_start3A_188] : memref<16384x1000xf32, #tpu.memory_space<hbm>> -> memref<512x128xf32, #tpu.memory_space<hbm>>
    tpu.enqueue_dma source(%dma_start3A_189 : memref<512x128xf32, #tpu.memory_space<hbm>>) target(%dma_start3A_186 : memref<512x128xf32, #tpu.memory_space<vmem>>) target_semaphore(%dma_start3A_182 : memref<!tpu.dma_semaphore, #tpu.memory_space<semaphore_mem>>)
    %dma_start3A_190 = arith.constant 3 : i32
    %dma_start3A_191 = tpu.memref_slice %arg4[%rem3A_159, %dma_start3A_190] : memref<4x5x!tpu.dma_semaphore, #tpu.memory_space<semaphore_mem>> -> memref<1x1x!tpu.dma_semaphore, #tpu.memory_space<semaphore_mem>>
    %dma_start3A_192 = tpu.memref_squeeze %dma_start3A_191 : memref<1x1x!tpu.dma_semaphore, #tpu.memory_space<semaphore_mem>> -> memref<!tpu.dma_semaphore, #tpu.memory_space<semaphore_mem>>
    %dma_start3A_193 = arith.constant 0 : i32
    %dma_start3A_194 = arith.constant 384 : i32
    %dma_start3A_195 = tpu.memref_slice %arg2[%rem3A_159, %dma_start3A_193, %dma_start3A_194] : memref<4x512x640xf32, #tpu.memory_space<vmem>> -> memref<1x512x128xf32, #tpu.memory_space<vmem>>
    %dma_start3A_196 = tpu.memref_squeeze %dma_start3A_195 : memref<1x512x128xf32, #tpu.memory_space<vmem>> -> memref<512x128xf32, #tpu.memory_space<vmem>>
    %dma_start3A_197 = arith.constant 1536 : i32
    %dma_start3A_198 = arith.constant 512 : i32
    %dma_start3A_199 = tpu.memref_slice %arg0[%dma_start3A_197, %dma_start3A_198] : memref<16384x1000xf32, #tpu.memory_space<hbm>> -> memref<512x128xf32, #tpu.memory_space<hbm>>
    tpu.enqueue_dma source(%dma_start3A_199 : memref<512x128xf32, #tpu.memory_space<hbm>>) target(%dma_start3A_196 : memref<512x128xf32, #tpu.memory_space<vmem>>) target_semaphore(%dma_start3A_192 : memref<!tpu.dma_semaphore, #tpu.memory_space<semaphore_mem>>)
    %dma_start3A_200 = arith.constant 4 : i32
    %dma_start3A_201 = tpu.memref_slice %arg4[%rem3A_159, %dma_start3A_200] : memref<4x5x!tpu.dma_semaphore, #tpu.memory_space<semaphore_mem>> -> memref<1x1x!tpu.dma_semaphore, #tpu.memory_space<semaphore_mem>>
    %dma_start3A_202 = tpu.memref_squeeze %dma_start3A_201 : memref<1x1x!tpu.dma_semaphore, #tpu.memory_space<semaphore_mem>> -> memref<!tpu.dma_semaphore, #tpu.memory_space<semaphore_mem>>
    %dma_start3A_203 = arith.constant 0 : i32
    %dma_start3A_204 = arith.constant 512 : i32
    %dma_start3A_205 = tpu.memref_slice %arg2[%rem3A_159, %dma_start3A_203, %dma_start3A_204] : memref<4x512x640xf32, #tpu.memory_space<vmem>> -> memref<1x512x128xf32, #tpu.memory_space<vmem>>
    %dma_start3A_206 = tpu.memref_squeeze %dma_start3A_205 : memref<1x512x128xf32, #tpu.memory_space<vmem>> -> memref<512x128xf32, #tpu.memory_space<vmem>>
    %dma_start3A_207 = arith.constant 1536 : i32
    %dma_start3A_208 = arith.constant 640 : i32
    %dma_start3A_209 = tpu.memref_slice %arg0[%dma_start3A_207, %dma_start3A_208] : memref<16384x1000xf32, #tpu.memory_space<hbm>> -> memref<512x128xf32, #tpu.memory_space<hbm>>
    tpu.enqueue_dma source(%dma_start3A_209 : memref<512x128xf32, #tpu.memory_space<hbm>>) target(%dma_start3A_206 : memref<512x128xf32, #tpu.memory_space<vmem>>) target_semaphore(%dma_start3A_202 : memref<!tpu.dma_semaphore, #tpu.memory_space<semaphore_mem>>)
    %scan3A = arith.constant 0 : i32
    %scan3A_210 = arith.constant 20 : i32
    %scan3A_211 = arith.addi %scan3A, %scan3A_210 : i32
    %scan3A_212 = arith.constant 1 : i32
    scf.for %scan3A_219 = %scan3A to %scan3A_211 step %scan3A_212  : i32 {
      %rem3A_220 = arith.constant 4 : i32
      %rem3A_221 = arith.remsi %scan3A_219, %rem3A_220 : i32
      %mul3A = arith.constant 512 : i32
      %mul3A_222 = arith.muli %scan3A_219, %mul3A : i32
      %dma_wait3A = arith.constant 0 : i32
      %dma_wait3A_223 = tpu.memref_slice %arg4[%rem3A_221, %dma_wait3A] : memref<4x5x!tpu.dma_semaphore, #tpu.memory_space<semaphore_mem>> -> memref<1x1x!tpu.dma_semaphore, #tpu.memory_space<semaphore_mem>>
      %dma_wait3A_224 = tpu.memref_squeeze %dma_wait3A_223 : memref<1x1x!tpu.dma_semaphore, #tpu.memory_space<semaphore_mem>> -> memref<!tpu.dma_semaphore, #tpu.memory_space<semaphore_mem>>
      %dma_wait3A_225 = arith.constant 0 : i32
      %dma_wait3A_226 = arith.constant 0 : i32
      %dma_wait3A_227 = tpu.memref_slice %arg2[%rem3A_221, %dma_wait3A_225, %dma_wait3A_226] : memref<4x512x640xf32, #tpu.memory_space<vmem>> -> memref<1x512x128xf32, #tpu.memory_space<vmem>>
      %dma_wait3A_228 = tpu.memref_squeeze %dma_wait3A_227 : memref<1x512x128xf32, #tpu.memory_space<vmem>> -> memref<512x128xf32, #tpu.memory_space<vmem>>
      %dma_wait3A_229 = arith.constant 0 : i32
      %dma_wait3A_230 = tpu.memref_slice %arg0[%mul3A_222, %dma_wait3A_229] : memref<16384x1000xf32, #tpu.memory_space<hbm>> -> memref<512x128xf32, #tpu.memory_space<hbm>>
      tpu.wait_dma2 semaphore(%dma_wait3A_224 : memref<!tpu.dma_semaphore, #tpu.memory_space<semaphore_mem>>) src(%dma_wait3A_230 : memref<512x128xf32, #tpu.memory_space<hbm>>) dst(%dma_wait3A_228 : memref<512x128xf32, #tpu.memory_space<vmem>>)
      %mul3A_231 = arith.constant 512 : i32
      %mul3A_232 = arith.muli %scan3A_219, %mul3A_231 : i32
      %dma_wait3A_233 = arith.constant 1 : i32
      %dma_wait3A_234 = tpu.memref_slice %arg4[%rem3A_221, %dma_wait3A_233] : memref<4x5x!tpu.dma_semaphore, #tpu.memory_space<semaphore_mem>> -> memref<1x1x!tpu.dma_semaphore, #tpu.memory_space<semaphore_mem>>
      %dma_wait3A_235 = tpu.memref_squeeze %dma_wait3A_234 : memref<1x1x!tpu.dma_semaphore, #tpu.memory_space<semaphore_mem>> -> memref<!tpu.dma_semaphore, #tpu.memory_space<semaphore_mem>>
      %dma_wait3A_236 = arith.constant 0 : i32
      %dma_wait3A_237 = arith.constant 128 : i32
      %dma_wait3A_238 = tpu.memref_slice %arg2[%rem3A_221, %dma_wait3A_236, %dma_wait3A_237] : memref<4x512x640xf32, #tpu.memory_space<vmem>> -> memref<1x512x128xf32, #tpu.memory_space<vmem>>
      %dma_wait3A_239 = tpu.memref_squeeze %dma_wait3A_238 : memref<1x512x128xf32, #tpu.memory_space<vmem>> -> memref<512x128xf32, #tpu.memory_space<vmem>>
      %dma_wait3A_240 = arith.constant 128 : i32
      %dma_wait3A_241 = tpu.memref_slice %arg0[%mul3A_232, %dma_wait3A_240] : memref<16384x1000xf32, #tpu.memory_space<hbm>> -> memref<512x128xf32, #tpu.memory_space<hbm>>
      tpu.wait_dma2 semaphore(%dma_wait3A_235 : memref<!tpu.dma_semaphore, #tpu.memory_space<semaphore_mem>>) src(%dma_wait3A_241 : memref<512x128xf32, #tpu.memory_space<hbm>>) dst(%dma_wait3A_239 : memref<512x128xf32, #tpu.memory_space<vmem>>)
      %mul3A_242 = arith.constant 512 : i32
      %mul3A_243 = arith.muli %scan3A_219, %mul3A_242 : i32
      %dma_wait3A_244 = arith.constant 2 : i32
      %dma_wait3A_245 = tpu.memref_slice %arg4[%rem3A_221, %dma_wait3A_244] : memref<4x5x!tpu.dma_semaphore, #tpu.memory_space<semaphore_mem>> -> memref<1x1x!tpu.dma_semaphore, #tpu.memory_space<semaphore_mem>>
      %dma_wait3A_246 = tpu.memref_squeeze %dma_wait3A_245 : memref<1x1x!tpu.dma_semaphore, #tpu.memory_space<semaphore_mem>> -> memref<!tpu.dma_semaphore, #tpu.memory_space<semaphore_mem>>
      %dma_wait3A_247 = arith.constant 0 : i32
      %dma_wait3A_248 = arith.constant 256 : i32
      %dma_wait3A_249 = tpu.memref_slice %arg2[%rem3A_221, %dma_wait3A_247, %dma_wait3A_248] : memref<4x512x640xf32, #tpu.memory_space<vmem>> -> memref<1x512x128xf32, #tpu.memory_space<vmem>>
      %dma_wait3A_250 = tpu.memref_squeeze %dma_wait3A_249 : memref<1x512x128xf32, #tpu.memory_space<vmem>> -> memref<512x128xf32, #tpu.memory_space<vmem>>
      %dma_wait3A_251 = arith.constant 384 : i32
      %dma_wait3A_252 = tpu.memref_slice %arg0[%mul3A_243, %dma_wait3A_251] : memref<16384x1000xf32, #tpu.memory_space<hbm>> -> memref<512x128xf32, #tpu.memory_space<hbm>>
      tpu.wait_dma2 semaphore(%dma_wait3A_246 : memref<!tpu.dma_semaphore, #tpu.memory_space<semaphore_mem>>) src(%dma_wait3A_252 : memref<512x128xf32, #tpu.memory_space<hbm>>) dst(%dma_wait3A_250 : memref<512x128xf32, #tpu.memory_space<vmem>>)
      %mul3A_253 = arith.constant 512 : i32
      %mul3A_254 = arith.muli %scan3A_219, %mul3A_253 : i32
      %dma_wait3A_255 = arith.constant 3 : i32
      %dma_wait3A_256 = tpu.memref_slice %arg4[%rem3A_221, %dma_wait3A_255] : memref<4x5x!tpu.dma_semaphore, #tpu.memory_space<semaphore_mem>> -> memref<1x1x!tpu.dma_semaphore, #tpu.memory_space<semaphore_mem>>
      %dma_wait3A_257 = tpu.memref_squeeze %dma_wait3A_256 : memref<1x1x!tpu.dma_semaphore, #tpu.memory_space<semaphore_mem>> -> memref<!tpu.dma_semaphore, #tpu.memory_space<semaphore_mem>>
      %dma_wait3A_258 = arith.constant 0 : i32
      %dma_wait3A_259 = arith.constant 384 : i32
      %dma_wait3A_260 = tpu.memref_slice %arg2[%rem3A_221, %dma_wait3A_258, %dma_wait3A_259] : memref<4x512x640xf32, #tpu.memory_space<vmem>> -> memref<1x512x128xf32, #tpu.memory_space<vmem>>
      %dma_wait3A_261 = tpu.memref_squeeze %dma_wait3A_260 : memref<1x512x128xf32, #tpu.memory_space<vmem>> -> memref<512x128xf32, #tpu.memory_space<vmem>>
      %dma_wait3A_262 = arith.constant 512 : i32
      %dma_wait3A_263 = tpu.memref_slice %arg0[%mul3A_254, %dma_wait3A_262] : memref<16384x1000xf32, #tpu.memory_space<hbm>> -> memref<512x128xf32, #tpu.memory_space<hbm>>
      tpu.wait_dma2 semaphore(%dma_wait3A_257 : memref<!tpu.dma_semaphore, #tpu.memory_space<semaphore_mem>>) src(%dma_wait3A_263 : memref<512x128xf32, #tpu.memory_space<hbm>>) dst(%dma_wait3A_261 : memref<512x128xf32, #tpu.memory_space<vmem>>)
      %mul3A_264 = arith.constant 512 : i32
      %mul3A_265 = arith.muli %scan3A_219, %mul3A_264 : i32
      %dma_wait3A_266 = arith.constant 4 : i32
      %dma_wait3A_267 = tpu.memref_slice %arg4[%rem3A_221, %dma_wait3A_266] : memref<4x5x!tpu.dma_semaphore, #tpu.memory_space<semaphore_mem>> -> memref<1x1x!tpu.dma_semaphore, #tpu.memory_space<semaphore_mem>>
      %dma_wait3A_268 = tpu.memref_squeeze %dma_wait3A_267 : memref<1x1x!tpu.dma_semaphore, #tpu.memory_space<semaphore_mem>> -> memref<!tpu.dma_semaphore, #tpu.memory_space<semaphore_mem>>
      %dma_wait3A_269 = arith.constant 0 : i32
      %dma_wait3A_270 = arith.constant 512 : i32
      %dma_wait3A_271 = tpu.memref_slice %arg2[%rem3A_221, %dma_wait3A_269, %dma_wait3A_270] : memref<4x512x640xf32, #tpu.memory_space<vmem>> -> memref<1x512x128xf32, #tpu.memory_space<vmem>>
      %dma_wait3A_272 = tpu.memref_squeeze %dma_wait3A_271 : memref<1x512x128xf32, #tpu.memory_space<vmem>> -> memref<512x128xf32, #tpu.memory_space<vmem>>
      %dma_wait3A_273 = arith.constant 640 : i32
      %dma_wait3A_274 = tpu.memref_slice %arg0[%mul3A_265, %dma_wait3A_273] : memref<16384x1000xf32, #tpu.memory_space<hbm>> -> memref<512x128xf32, #tpu.memory_space<hbm>>
      tpu.wait_dma2 semaphore(%dma_wait3A_268 : memref<!tpu.dma_semaphore, #tpu.memory_space<semaphore_mem>>) src(%dma_wait3A_274 : memref<512x128xf32, #tpu.memory_space<hbm>>) dst(%dma_wait3A_272 : memref<512x128xf32, #tpu.memory_space<vmem>>)
      %ge3A = arith.constant 4 : i32
      %ge3A_275 = arith.cmpi sge, %scan3A_219, %ge3A : i32
      %convert_element_type3A = arith.extui %ge3A_275 : i1 to i32
      %cond3A = arith.constant 0 : i32
      %cond3A_276 = arith.cmpi ne, %convert_element_type3A, %cond3A : i32
      scf.if %cond3A_276 {
        %sub3A = arith.constant 4 : i32
        %sub3A_310 = arith.subi %scan3A_219, %sub3A : i32
        %mul3A_311 = arith.constant 512 : i32
        %mul3A_312 = arith.muli %sub3A_310, %mul3A_311 : i32
        %dma_wait3A_313 = tpu.memref_slice %arg5[%rem3A_221] : memref<4x!tpu.dma_semaphore, #tpu.memory_space<semaphore_mem>> -> memref<1x!tpu.dma_semaphore, #tpu.memory_space<semaphore_mem>>
        %dma_wait3A_314 = tpu.memref_squeeze %dma_wait3A_313 : memref<1x!tpu.dma_semaphore, #tpu.memory_space<semaphore_mem>> -> memref<!tpu.dma_semaphore, #tpu.memory_space<semaphore_mem>>
        %dma_wait3A_315 = arith.constant 0 : i32
        %dma_wait3A_316 = tpu.memref_slice %arg1[%mul3A_312, %dma_wait3A_315] : memref<10240x10xf32, #tpu.memory_space<hbm>> -> memref<512x10xf32, #tpu.memory_space<hbm>>
        %dma_wait3A_317 = arith.constant 0 : i32
        %dma_wait3A_318 = arith.constant 0 : i32
        %dma_wait3A_319 = tpu.memref_slice %arg3[%rem3A_221, %dma_wait3A_317, %dma_wait3A_318] : memref<4x512x10xf32, #tpu.memory_space<vmem>> -> memref<1x512x10xf32, #tpu.memory_space<vmem>>
        %dma_wait3A_320 = tpu.memref_squeeze %dma_wait3A_319 : memref<1x512x10xf32, #tpu.memory_space<vmem>> -> memref<512x10xf32, #tpu.memory_space<vmem>>
        tpu.wait_dma2 semaphore(%dma_wait3A_314 : memref<!tpu.dma_semaphore, #tpu.memory_space<semaphore_mem>>) src(%dma_wait3A_320 : memref<512x10xf32, #tpu.memory_space<vmem>>) dst(%dma_wait3A_316 : memref<512x10xf32, #tpu.memory_space<hbm>>)
      } else {
      }
      %get3A = arith.index_cast %rem3A_221 : i32 to index
      %get3A_277 = arith.constant 0 : index
      %get3A_278 = arith.constant 0 : index
      %get3A_279 = vector.load %arg2[%get3A, %get3A_277, %get3A_278] : memref<4x512x640xf32, #tpu.memory_space<vmem>>, vector<1x512x640xf32>
      %get3A_280 = vector.shape_cast %get3A_279 : vector<1x512x640xf32> to vector<512x640xf32>
      %slice3A = vector.extract_strided_slice %get3A_280 {offsets = [0, 0], sizes = [512, 1], strides = [1, 1]} : vector<512x640xf32> to vector<512x1xf32>
      %slice3A_281 = vector.extract_strided_slice %get3A_280 {offsets = [0, 217], sizes = [512, 1], strides = [1, 1]} : vector<512x640xf32> to vector<512x1xf32>
      %slice3A_282 = vector.extract_strided_slice %get3A_280 {offsets = [0, 354], sizes = [512, 1], strides = [1, 1]} : vector<512x640xf32> to vector<512x1xf32>
      %slice3A_283 = vector.extract_strided_slice %get3A_280 {offsets = [0, 363], sizes = [512, 1], strides = [1, 1]} : vector<512x640xf32> to vector<512x1xf32>
      %slice3A_284 = vector.extract_strided_slice %get3A_280 {offsets = [0, 369], sizes = [512, 1], strides = [1, 1]} : vector<512x640xf32> to vector<512x1xf32>
      %slice3A_285 = vector.extract_strided_slice %get3A_280 {offsets = [0, 438], sizes = [512, 1], strides = [1, 1]} : vector<512x640xf32> to vector<512x1xf32>
      %slice3A_286 = vector.extract_strided_slice %get3A_280 {offsets = [0, 441], sizes = [512, 1], strides = [1, 1]} : vector<512x640xf32> to vector<512x1xf32>
      %slice3A_287 = vector.extract_strided_slice %get3A_280 {offsets = [0, 443], sizes = [512, 1], strides = [1, 1]} : vector<512x640xf32> to vector<512x1xf32>
      %slice3A_288 = vector.extract_strided_slice %get3A_280 {offsets = [0, 446], sizes = [512, 1], strides = [1, 1]} : vector<512x640xf32> to vector<512x1xf32>
      %slice3A_289 = vector.extract_strided_slice %get3A_280 {offsets = [0, 573], sizes = [512, 1], strides = [1, 1]} : vector<512x640xf32> to vector<512x1xf32>
      %concatenate3A = tpu.concatenate %slice3A, %slice3A_281, %slice3A_282, %slice3A_283, %slice3A_284, %slice3A_285, %slice3A_286, %slice3A_287, %slice3A_288, %slice3A_289 in 1 : vector<512x1xf32>, vector<512x1xf32>, vector<512x1xf32>, vector<512x1xf32>, vector<512x1xf32>, vector<512x1xf32>, vector<512x1xf32>, vector<512x1xf32>, vector<512x1xf32>, vector<512x1xf32> -> vector<512x10xf32>
      %swap3A = arith.index_cast %rem3A_221 : i32 to index
      %swap3A_290 = arith.constant 0 : index
      %swap3A_291 = arith.constant 0 : index
      %swap3A_292 = vector.load %arg3[%swap3A, %swap3A_290, %swap3A_291] : memref<4x512x10xf32, #tpu.memory_space<vmem>>, vector<1x512x10xf32>
      %swap3A_293 = vector.shape_cast %swap3A_292 : vector<1x512x10xf32> to vector<512x10xf32>
      %swap3A_294 = vector.shape_cast %concatenate3A : vector<512x10xf32> to vector<1x512x10xf32>
      tpu.vector_store %arg3[%swap3A, %swap3A_290, %swap3A_291], %swap3A_294 {strides = array<i32>} : memref<4x512x10xf32, #tpu.memory_space<vmem>>, vector<1x512x10xf32>,
      %mul3A_295 = arith.constant 512 : i32
      %mul3A_296 = arith.muli %scan3A_219, %mul3A_295 : i32
      %dma_start3A_297 = tpu.memref_slice %arg5[%rem3A_221] : memref<4x!tpu.dma_semaphore, #tpu.memory_space<semaphore_mem>> -> memref<1x!tpu.dma_semaphore, #tpu.memory_space<semaphore_mem>>
      %dma_start3A_298 = tpu.memref_squeeze %dma_start3A_297 : memref<1x!tpu.dma_semaphore, #tpu.memory_space<semaphore_mem>> -> memref<!tpu.dma_semaphore, #tpu.memory_space<semaphore_mem>>
      %dma_start3A_299 = arith.constant 0 : i32
      %dma_start3A_300 = tpu.memref_slice %arg1[%mul3A_296, %dma_start3A_299] : memref<10240x10xf32, #tpu.memory_space<hbm>> -> memref<512x10xf32, #tpu.memory_space<hbm>>
      %dma_start3A_301 = arith.constant 0 : i32
      %dma_start3A_302 = arith.constant 0 : i32
      %dma_start3A_303 = tpu.memref_slice %arg3[%rem3A_221, %dma_start3A_301, %dma_start3A_302] : memref<4x512x10xf32, #tpu.memory_space<vmem>> -> memref<1x512x10xf32, #tpu.memory_space<vmem>>
      %dma_start3A_304 = tpu.memref_squeeze %dma_start3A_303 : memref<1x512x10xf32, #tpu.memory_space<vmem>> -> memref<512x10xf32, #tpu.memory_space<vmem>>
      tpu.enqueue_dma source(%dma_start3A_304 : memref<512x10xf32, #tpu.memory_space<vmem>>) target(%dma_start3A_300 : memref<512x10xf32, #tpu.memory_space<hbm>>) target_semaphore(%dma_start3A_298 : memref<!tpu.dma_semaphore, #tpu.memory_space<semaphore_mem>>)
      %add3A = arith.constant 4 : i32
      %add3A_305 = arith.addi %scan3A_219, %add3A : i32
      %lt3A = arith.constant 20 : i32
      %lt3A_306 = arith.cmpi slt, %add3A_305, %lt3A : i32
      %convert_element_type3A_307 = arith.extui %lt3A_306 : i1 to i32
      %cond3A_308 = arith.constant 0 : i32
      %cond3A_309 = arith.cmpi ne, %convert_element_type3A_307, %cond3A_308 : i32
      scf.if %cond3A_309 {
        %add3A_310 = arith.constant 4 : i32
        %add3A_311 = arith.addi %scan3A_219, %add3A_310 : i32
        %rem3A_312 = arith.constant 4 : i32
        %rem3A_313 = arith.remsi %add3A_311, %rem3A_312 : i32
        %mul3A_314 = arith.constant 512 : i32
        %mul3A_315 = arith.muli %add3A_311, %mul3A_314 : i32
        %dma_start3A_316 = arith.constant 0 : i32
        %dma_start3A_317 = tpu.memref_slice %arg4[%rem3A_313, %dma_start3A_316] : memref<4x5x!tpu.dma_semaphore, #tpu.memory_space<semaphore_mem>> -> memref<1x1x!tpu.dma_semaphore, #tpu.memory_space<semaphore_mem>>
        %dma_start3A_318 = tpu.memref_squeeze %dma_start3A_317 : memref<1x1x!tpu.dma_semaphore, #tpu.memory_space<semaphore_mem>> -> memref<!tpu.dma_semaphore, #tpu.memory_space<semaphore_mem>>
        %dma_start3A_319 = arith.constant 0 : i32
        %dma_start3A_320 = arith.constant 0 : i32
        %dma_start3A_321 = tpu.memref_slice %arg2[%rem3A_313, %dma_start3A_319, %dma_start3A_320] : memref<4x512x640xf32, #tpu.memory_space<vmem>> -> memref<1x512x128xf32, #tpu.memory_space<vmem>>
        %dma_start3A_322 = tpu.memref_squeeze %dma_start3A_321 : memref<1x512x128xf32, #tpu.memory_space<vmem>> -> memref<512x128xf32, #tpu.memory_space<vmem>>
        %dma_start3A_323 = arith.constant 0 : i32
        %dma_start3A_324 = tpu.memref_slice %arg0[%mul3A_315, %dma_start3A_323] : memref<16384x1000xf32, #tpu.memory_space<hbm>> -> memref<512x128xf32, #tpu.memory_space<hbm>>
        tpu.enqueue_dma source(%dma_start3A_324 : memref<512x128xf32, #tpu.memory_space<hbm>>) target(%dma_start3A_322 : memref<512x128xf32, #tpu.memory_space<vmem>>) target_semaphore(%dma_start3A_318 : memref<!tpu.dma_semaphore, #tpu.memory_space<semaphore_mem>>)
        %mul3A_325 = arith.constant 512 : i32
        %mul3A_326 = arith.muli %add3A_311, %mul3A_325 : i32
        %dma_start3A_327 = arith.constant 1 : i32
        %dma_start3A_328 = tpu.memref_slice %arg4[%rem3A_313, %dma_start3A_327] : memref<4x5x!tpu.dma_semaphore, #tpu.memory_space<semaphore_mem>> -> memref<1x1x!tpu.dma_semaphore, #tpu.memory_space<semaphore_mem>>
        %dma_start3A_329 = tpu.memref_squeeze %dma_start3A_328 : memref<1x1x!tpu.dma_semaphore, #tpu.memory_space<semaphore_mem>> -> memref<!tpu.dma_semaphore, #tpu.memory_space<semaphore_mem>>
        %dma_start3A_330 = arith.constant 0 : i32
        %dma_start3A_331 = arith.constant 128 : i32
        %dma_start3A_332 = tpu.memref_slice %arg2[%rem3A_313, %dma_start3A_330, %dma_start3A_331] : memref<4x512x640xf32, #tpu.memory_space<vmem>> -> memref<1x512x128xf32, #tpu.memory_space<vmem>>
        %dma_start3A_333 = tpu.memref_squeeze %dma_start3A_332 : memref<1x512x128xf32, #tpu.memory_space<vmem>> -> memref<512x128xf32, #tpu.memory_space<vmem>>
        %dma_start3A_334 = arith.constant 128 : i32
        %dma_start3A_335 = tpu.memref_slice %arg0[%mul3A_326, %dma_start3A_334] : memref<16384x1000xf32, #tpu.memory_space<hbm>> -> memref<512x128xf32, #tpu.memory_space<hbm>>
        tpu.enqueue_dma source(%dma_start3A_335 : memref<512x128xf32, #tpu.memory_space<hbm>>) target(%dma_start3A_333 : memref<512x128xf32, #tpu.memory_space<vmem>>) target_semaphore(%dma_start3A_329 : memref<!tpu.dma_semaphore, #tpu.memory_space<semaphore_mem>>)
        %mul3A_336 = arith.constant 512 : i32
        %mul3A_337 = arith.muli %add3A_311, %mul3A_336 : i32
        %dma_start3A_338 = arith.constant 2 : i32
        %dma_start3A_339 = tpu.memref_slice %arg4[%rem3A_313, %dma_start3A_338] : memref<4x5x!tpu.dma_semaphore, #tpu.memory_space<semaphore_mem>> -> memref<1x1x!tpu.dma_semaphore, #tpu.memory_space<semaphore_mem>>
        %dma_start3A_340 = tpu.memref_squeeze %dma_start3A_339 : memref<1x1x!tpu.dma_semaphore, #tpu.memory_space<semaphore_mem>> -> memref<!tpu.dma_semaphore, #tpu.memory_space<semaphore_mem>>
        %dma_start3A_341 = arith.constant 0 : i32
        %dma_start3A_342 = arith.constant 256 : i32
        %dma_start3A_343 = tpu.memref_slice %arg2[%rem3A_313, %dma_start3A_341, %dma_start3A_342] : memref<4x512x640xf32, #tpu.memory_space<vmem>> -> memref<1x512x128xf32, #tpu.memory_space<vmem>>
        %dma_start3A_344 = tpu.memref_squeeze %dma_start3A_343 : memref<1x512x128xf32, #tpu.memory_space<vmem>> -> memref<512x128xf32, #tpu.memory_space<vmem>>
        %dma_start3A_345 = arith.constant 384 : i32
        %dma_start3A_346 = tpu.memref_slice %arg0[%mul3A_337, %dma_start3A_345] : memref<16384x1000xf32, #tpu.memory_space<hbm>> -> memref<512x128xf32, #tpu.memory_space<hbm>>
        tpu.enqueue_dma source(%dma_start3A_346 : memref<512x128xf32, #tpu.memory_space<hbm>>) target(%dma_start3A_344 : memref<512x128xf32, #tpu.memory_space<vmem>>) target_semaphore(%dma_start3A_340 : memref<!tpu.dma_semaphore, #tpu.memory_space<semaphore_mem>>)
        %mul3A_347 = arith.constant 512 : i32
        %mul3A_348 = arith.muli %add3A_311, %mul3A_347 : i32
        %dma_start3A_349 = arith.constant 3 : i32
        %dma_start3A_350 = tpu.memref_slice %arg4[%rem3A_313, %dma_start3A_349] : memref<4x5x!tpu.dma_semaphore, #tpu.memory_space<semaphore_mem>> -> memref<1x1x!tpu.dma_semaphore, #tpu.memory_space<semaphore_mem>>
        %dma_start3A_351 = tpu.memref_squeeze %dma_start3A_350 : memref<1x1x!tpu.dma_semaphore, #tpu.memory_space<semaphore_mem>> -> memref<!tpu.dma_semaphore, #tpu.memory_space<semaphore_mem>>
        %dma_start3A_352 = arith.constant 0 : i32
        %dma_start3A_353 = arith.constant 384 : i32
        %dma_start3A_354 = tpu.memref_slice %arg2[%rem3A_313, %dma_start3A_352, %dma_start3A_353] : memref<4x512x640xf32, #tpu.memory_space<vmem>> -> memref<1x512x128xf32, #tpu.memory_space<vmem>>
        %dma_start3A_355 = tpu.memref_squeeze %dma_start3A_354 : memref<1x512x128xf32, #tpu.memory_space<vmem>> -> memref<512x128xf32, #tpu.memory_space<vmem>>
        %dma_start3A_356 = arith.constant 512 : i32
        %dma_start3A_357 = tpu.memref_slice %arg0[%mul3A_348, %dma_start3A_356] : memref<16384x1000xf32, #tpu.memory_space<hbm>> -> memref<512x128xf32, #tpu.memory_space<hbm>>
        tpu.enqueue_dma source(%dma_start3A_357 : memref<512x128xf32, #tpu.memory_space<hbm>>) target(%dma_start3A_355 : memref<512x128xf32, #tpu.memory_space<vmem>>) target_semaphore(%dma_start3A_351 : memref<!tpu.dma_semaphore, #tpu.memory_space<semaphore_mem>>)
        %mul3A_358 = arith.constant 512 : i32
        %mul3A_359 = arith.muli %add3A_311, %mul3A_358 : i32
        %dma_start3A_360 = arith.constant 4 : i32
        %dma_start3A_361 = tpu.memref_slice %arg4[%rem3A_313, %dma_start3A_360] : memref<4x5x!tpu.dma_semaphore, #tpu.memory_space<semaphore_mem>> -> memref<1x1x!tpu.dma_semaphore, #tpu.memory_space<semaphore_mem>>
        %dma_start3A_362 = tpu.memref_squeeze %dma_start3A_361 : memref<1x1x!tpu.dma_semaphore, #tpu.memory_space<semaphore_mem>> -> memref<!tpu.dma_semaphore, #tpu.memory_space<semaphore_mem>>
        %dma_start3A_363 = arith.constant 0 : i32
        %dma_start3A_364 = arith.constant 512 : i32
        %dma_start3A_365 = tpu.memref_slice %arg2[%rem3A_313, %dma_start3A_363, %dma_start3A_364] : memref<4x512x640xf32, #tpu.memory_space<vmem>> -> memref<1x512x128xf32, #tpu.memory_space<vmem>>
        %dma_start3A_366 = tpu.memref_squeeze %dma_start3A_365 : memref<1x512x128xf32, #tpu.memory_space<vmem>> -> memref<512x128xf32, #tpu.memory_space<vmem>>
        %dma_start3A_367 = arith.constant 640 : i32
        %dma_start3A_368 = tpu.memref_slice %arg0[%mul3A_359, %dma_start3A_367] : memref<16384x1000xf32, #tpu.memory_space<hbm>> -> memref<512x128xf32, #tpu.memory_space<hbm>>
        tpu.enqueue_dma source(%dma_start3A_368 : memref<512x128xf32, #tpu.memory_space<hbm>>) target(%dma_start3A_366 : memref<512x128xf32, #tpu.memory_space<vmem>>) target_semaphore(%dma_start3A_362 : memref<!tpu.dma_semaphore, #tpu.memory_space<semaphore_mem>>)
      } else {
      }
    }
    %scan3A_213 = arith.constant 20 : i32
    %scan3A_214 = arith.constant 0 : i32
    %scan3A_215 = arith.constant 4 : i32
    %scan3A_216 = arith.addi %scan3A_214, %scan3A_215 : i32
    %scan3A_217 = arith.constant 1 : i32
    scf.for %scan3A_219 = %scan3A_214 to %scan3A_216 step %scan3A_217  : i32 {
      %add3A = arith.constant 16 : i32
      %add3A_220 = arith.addi %add3A, %scan3A_219 : i32
      %rem3A_221 = arith.constant 4 : i32
      %rem3A_222 = arith.remsi %add3A_220, %rem3A_221 : i32
      %mul3A = arith.constant 512 : i32
      %mul3A_223 = arith.muli %add3A_220, %mul3A : i32
      %dma_wait3A = tpu.memref_slice %arg5[%rem3A_222] : memref<4x!tpu.dma_semaphore, #tpu.memory_space<semaphore_mem>> -> memref<1x!tpu.dma_semaphore, #tpu.memory_space<semaphore_mem>>
      %dma_wait3A_224 = tpu.memref_squeeze %dma_wait3A : memref<1x!tpu.dma_semaphore, #tpu.memory_space<semaphore_mem>> -> memref<!tpu.dma_semaphore, #tpu.memory_space<semaphore_mem>>
      %dma_wait3A_225 = arith.constant 0 : i32
      %dma_wait3A_226 = tpu.memref_slice %arg1[%mul3A_223, %dma_wait3A_225] : memref<10240x10xf32, #tpu.memory_space<hbm>> -> memref<512x10xf32, #tpu.memory_space<hbm>>
      %dma_wait3A_227 = arith.constant 0 : i32
      %dma_wait3A_228 = arith.constant 0 : i32
      %dma_wait3A_229 = tpu.memref_slice %arg3[%rem3A_222, %dma_wait3A_227, %dma_wait3A_228] : memref<4x512x10xf32, #tpu.memory_space<vmem>> -> memref<1x512x10xf32, #tpu.memory_space<vmem>>
      %dma_wait3A_230 = tpu.memref_squeeze %dma_wait3A_229 : memref<1x512x10xf32, #tpu.memory_space<vmem>> -> memref<512x10xf32, #tpu.memory_space<vmem>>
      tpu.wait_dma2 semaphore(%dma_wait3A_224 : memref<!tpu.dma_semaphore, #tpu.memory_space<semaphore_mem>>) src(%dma_wait3A_230 : memref<512x10xf32, #tpu.memory_space<vmem>>) dst(%dma_wait3A_226 : memref<512x10xf32, #tpu.memory_space<hbm>>)
    }
    %scan3A_218 = arith.constant 4 : i32
    return
  }
}

</mosaic_0001>

<sc_bundles>
// kernel: kernel.4.cloned.1.call-start
scs
__scs_entry_jumppad:
0x0: {  	(pc) =	sbr.rel $0x88, $3  }
0x1: {  	(tag) =	ssettag $0x0;
	lr =	simm.s32 $0x1  }
0x2: {  	[smem:$0x3FA0] =	sst lr;
	_ =	strace $0xD0000000  }
0x3: {  	_ = 	snop  }
0x4: {  	_ = 	snop  }
0x5: {  	_ = 	snop  }
0x6: {  	_ = 	snop  }
0x7: {  	_ = 	snop  }
__scs_overlays_trampoline_lowered:
0x8: {  	[smem:$0x3FAF] =	sst s0  }
0x9: {  	[smem:$0x3FB0] =	sst s1  }
0xa: {  	[smem:$0x3FB1] =	sst s2  }
0xb: {  	[smem:$0x3FB2] =	sst s3  }
0xc: {  	[smem:$0x3FB3] =	sst s4  }
0xd: {  	[smem:$0x3FB4] =	sst s5  }
0xe: {  	[smem:$0x3FB5] =	sst s6  }
0xf: {  	[smem:$0x3FB6] =	sst s7  }
0x10: {  	[smem:$0x3FB7] =	sst s8  }
0x11: {  	[smem:$0x3FB8] =	sst s9;
	s0 =	simm.s32 @!p0 $0x0  }
0x12: {  	s1 =	sld [smem:$0x3F9E];
	s0 =	simm.s32 @p0 $0x1  }
0x13: {  	[smem:$0x3FB9] =	sst s0;
	s0 =	simm.s32 @!p1 $0x0  }
0x14: {  	s2 =	sld [smem:$0x3F9D];
	s0 =	simm.s32 @p1 $0x1  }
0x15: {  	[smem:$0x3FBA] =	sst s0;
	s0 =	simm.s32 @!p2 $0x0  }
0x16: {  	s3 =	sld [smem:$0x3FDB];
	s0 =	simm.s32 @p2 $0x1  }
0x17: {  	s4 =	simm.s32 $0x1BF5;
	[smem:$0x3FBC] =	sst s0  }
0x18: {  	s0 =	sld [smem:$0x3F9F];
	_ =	swait.ge [sflag:s4], $0x0  }
0x19: {  	s7 =	sld [smem:$0x3FA0]  }
0x1a: {  	s8 =	sadd.s32 $0xFFFFE003, lr  }
0x1b: {  	s9 =	sadd.s32 $0xFFFFFEF7, lr;
	s5 =	simm.s32 $0xFFFFFFFF;
	p2 =	slt.u32 s8, $0xFFFFF086  }
0x1c: {  	p1 =	slt.u32 s9, $0xF7A;
	s5 =	simm.s32 @!p2 $0x0  }
0x1d: {  	s5 =	simm.s32 @p1 $0x1;
	p0 =	seq.s32 s7, s2  }
0x1e: {  	s7 =	smul.u32 @!p0 $0xF7A, s2;
	p2 =	seq.s32 @!p0 s5, $0x0  }
0x1f: {  	s9 =	smul.u32 $0xF7A, s1;
	s8 =	simm.s32 @!p0 $0x1BF5;
	p2 =	por !p2, p0  }
0x20: {  	[sflag:s8] =	ssyncset.s32 @!p0 $0xFFFFF086;
	s6 =	sadd.s32 @!p0 s3, s7;
	s7 =	simm.s32 @!p0 $0x108  }
0x21: {  	s3 =	sadd.s32 s3, s9;
	s6 =	sadd.s32 @!p0 $0x88, s6;
	s7 =	simm.s32 @p2 $0x1082  }
0x22: {  	[simem:s7], [sflag:s8] =	dma.local @!p0 [hbm:s6], $0xF7A  }
0x23: {  	s9 =	sor.u32 $0xD0000000, s2;
	s6 =	simm.s32 $0x108;
	_ =	swait.ge @!p0 [sflag:s8], $0x0  }
0x24: {  	s3 =	sadd.s32 $0x88, s3;
	s6 =	simm.s32 @!p1 $0x1082;
	[sflag:s4] =	ssyncset.s32 $0xFFFFF086  }
0x25: {  	[simem:s6], [sflag:s4] =	dma.local [hbm:s3], $0xF7A  }
0x26: {  	[smem:$0x3FA0] =	sst s1;
	(tag) =	ssettag s2;
	_ =	strace s9  }
0x27: {  	s1 =	sld [smem:$0x3FB0]  }
0x28: {  	s2 =	sld [smem:$0x3FB1]  }
0x29: {  	s4 =	sld [smem:$0x3FB3]  }
0x2a: {  	p0 =	seq.s32 s5, $0x0;
	s5 =	sld [smem:$0x3FB4]  }
0x2b: {  	s6 =	sld [smem:$0x3FB5]  }
0x2c: {  	s7 =	sld [smem:$0x3FB6]  }
0x2d: {  	s3 =	simm.s32 $0x108;
	s8 =	sld [smem:$0x3FB7]  }
0x2e: {  	s3 =	simm.s32 @!p0 $0x1082;
	s9 =	sld [smem:$0x3FB8]  }
0x2f: {  	lr =	sadd.s32 s0, s3;
	s0 =	sld [smem:$0x3FAF]  }
0x30: {  	s3 =	sld [smem:$0x3FB2]  }
0x31: {  	[smem:$0x3FBB] =	sst s10  }
0x32: {  	s10 =	sld [smem:$0x3FB9];
	_ =	sdelay $0x3  }
0x33: {  	p0 =	seq.s32 s10, $0x1;
	s10 =	sld [smem:$0x3FBB];
	_ =	sdelay $0x3  }
0x34: {  	[smem:$0x3FBB] =	sst s10  }
0x35: {  	s10 =	sld [smem:$0x3FBA];
	_ =	sdelay $0x3  }
0x36: {  	p1 =	seq.s32 s10, $0x1;
	s10 =	sld [smem:$0x3FBB];
	_ =	sdelay $0x3  }
0x37: {  	[smem:$0x3FBB] =	sst s10  }
0x38: {  	s10 =	sld [smem:$0x3FBC]  }
0x39: {  	_ = 	snop;
	(pc) =	sbr.ind lr, $3  }
0x3a: {  	_ = 	snop  }
0x3b: {  	_ = 	snop  }
0x3c: {  	p2 =	seq.s32 s10, $0x1;
	s10 =	sld [smem:$0x3FBB]  }
0x3d: {  	_ =	shalt  }
0x3e: {  	_ =	shalt  }
0x3f: {  	_ =	shalt  }
0x40: {  	_ =	shalt  }
0x41: {  	_ =	shalt  }
0x42: {  	_ =	shalt  }
0x43: {  	_ =	shalt  }
0x44: {  	_ =	shalt  }
0x45: {  	_ =	shalt  }
0x46: {  	_ =	shalt  }
0x47: {  	_ =	shalt  }
0x48: {  	_ =	shalt  }
0x49: {  	_ =	shalt  }
0x4a: {  	_ =	shalt  }
0x4b: {  	_ =	shalt  }
0x4c: {  	_ =	shalt  }
0x4d: {  	_ =	shalt  }
0x4e: {  	_ =	shalt  }
0x4f: {  	_ =	shalt  }
0x50: {  	_ =	shalt  }
0x51: {  	_ =	shalt  }
0x52: {  	_ =	shalt  }
0x53: {  	_ =	shalt  }
0x54: {  	_ =	shalt  }
0x55: {  	_ =	shalt  }
0x56: {  	_ =	shalt  }
0x57: {  	_ =	shalt  }
0x58: {  	_ =	shalt  }
0x59: {  	_ =	shalt  }
0x5a: {  	_ =	shalt  }
0x5b: {  	_ =	shalt  }
0x5c: {  	_ =	shalt  }
0x5d: {  	_ =	shalt  }
0x5e: {  	_ =	shalt  }
0x5f: {  	_ =	shalt  }
0x60: {  	_ =	shalt  }
0x61: {  	_ =	shalt  }
0x62: {  	_ =	shalt  }
0x63: {  	_ =	shalt  }
0x64: {  	_ =	shalt  }
0x65: {  	_ =	shalt  }
0x66: {  	_ =	shalt  }
0x67: {  	_ =	shalt  }
0x68: {  	_ =	shalt  }
0x69: {  	_ =	shalt  }
0x6a: {  	_ =	shalt  }
0x6b: {  	_ =	shalt  }
0x6c: {  	_ =	shalt  }
0x6d: {  	_ =	shalt  }
0x6e: {  	_ =	shalt  }
0x6f: {  	_ =	shalt  }
0x70: {  	_ =	shalt  }
0x71: {  	_ =	shalt  }
0x72: {  	_ =	shalt  }
0x73: {  	_ =	shalt  }
0x74: {  	_ =	shalt  }
0x75: {  	_ =	shalt  }
0x76: {  	_ =	shalt  }
0x77: {  	_ =	shalt  }
0x78: {  	_ =	shalt  }
0x79: {  	_ =	shalt  }
0x7a: {  	_ =	shalt  }
0x7b: {  	_ =	shalt  }
0x7c: {  	_ =	shalt  }
0x7d: {  	_ =	shalt  }
0x7e: {  	_ =	shalt  }
0x7f: {  	_ =	shalt  }
0x80: {  	_ =	shalt  }
0x81: {  	_ =	shalt  }
0x82: {  	_ =	shalt  }
0x83: {  	_ =	shalt  }
0x84: {  	_ =	shalt  }
0x85: {  	_ =	shalt  }
0x86: {  	_ =	shalt  }
0x87: {  	_ =	shalt  }
.Lfunc_end0:
.L_simem_size_0:
called_computation_lowered:
.L_overlay_start_0:
0x88: {  	s2 =	sld [smem:$0x3FD9]  }
0x89: {  	s3 =	sld [smem:$0x3FFE];
	_ =	sdelay $0x1  }
0x8a: {  	s1 =	srdreg.scid  }
0x8b: {  	s0 =	sand.u32 $0x1, s1  }
0x8c: {  	s16 =	sshll.u32 s0, $0xA;
	s2 =	sadd.s32 s3, s2  }
0x8d: {  	s2 =	sadd.s32 s2, s16  }
0x8e: {  	[smem:$0x3FC7] =	sst s2  }
0x8f: {  	_ = 	snop  }
0x90: {  	(tm) =	ssettm $0x1  }
0x91: {  	s17 =	sld [smem:$0x3FFB];
	_ =	sdelay $0x3  }
0x92: {  	_ =	strace s17  }
0x93: {  	s2 =	sld [smem:$0x3FFC];
	_ =	sdelay $0x3  }
0x94: {  	_ =	strace s2  }
0x95: {  	s2 =	sld [smem:$0x3FFD];
	_ =	sdelay $0x3  }
0x96: {  	_ =	strace s2  }
0x97: {  	_ =	strace $0x8FFFFFFF  }
0x98: {  	s18 =	sld [smem:$0x3FDB];
	_ =	sdelay $0x1  }
0x99: {  	s19 =	simm.s32 $_scs_section_size  }
0x9a: {  	s4 =	simm.s32 $_size__tile_overlayer_lowered;
	s5 =	simm.s32 $_tile_overlayer_lowered  }
0x9b: {  	s22 =	simm.s32 $0x1BFF;
	s21 =	sshll.u32 s5, $0x1;
	s2 =	sadd.s32 s19, s18  }
0x9c: {  	s6 =	simm.s32 $0x0;
	s20 =	sshll.u32 s4, $0x1;
	s4 =	sadd.s32 s21, s2  }
0x9d: {  	[timem:s6], [sflag:s22] =	dma.local [hbm:s4], s20  }
0x9e: {  	_ =	swait.ge [sflag:s22], s20  }
0x9f: {  	s3 =	ssub.s32 $0x0, s20;
	[sflag:s22] =	ssyncset.done $0x0  }
0xa0: {  	[sflag:s22] =	ssyncadd.s32 s3;
	_ =	sdelay $0x1  }
0xa1: {  	s23 =	simm.s32 $0x1B8B  }
0xa2: {  	_ =	swait.ge [sflag:s23], $0x1  }
0xa3: {  	[sflag:s23] =	ssyncset.done $0x0  }
0xa4: {  	s25 =	simm.s32 $0x1B8E;
	s24 =	sld [smem:$0x3FFE];
	[sflag:s23] =	ssyncadd.s32 $0xFFFFFFFF  }
0xa5: {  	s26 =	simm.s32 $execute0_lowered;
	[smem:$0x3FD2] =	sst s25  }
0xa6: {  	s4 =	sshll.u32 s26, $0x1;
	_ =	strace $0x80000046;
	[dreg:$0x1] =	wrdreg $0xFFFFFFFF  }
0xa7: {  	s28 =	simm.s32 $_size_execute0_lowered;
	s2 =	sadd.s32 s2, s4;
	[dreg:$0x0] =	wrdreg $0x0  }
0xa8: {  	s4 =	sshll.u32 s28, $0x1;
	[dreg:$0x2] =	wrdreg s2  }
0xa9: {  	[dreg:$0x3] =	wrdreg s4  }
0xaa: {  	[dreg:$0x4] =	wrdreg $0xC0  }
0xab: {  	_ =	task [dreg:s6], $0x5FFFF  }
0xac: {  	[dreg:$0x1] =	wrdreg $0xFFFFFFFF  }
0xad: {  	[dreg:$0x0] =	wrdreg $0x60  }
0xae: {  	[dreg:$0x2] =	wrdreg s24  }
0xaf: {  	[dreg:$0x3] =	wrdreg $0x9  }
0xb0: {  	_ =	task.clear_ibuf [dreg:s6], $0x4FFFF;
	_ =	strace $0x90000046  }
0xb1: {  	s29 =	simm.s32 $0x9;
	_ =	strace $0x80000048  }
0xb2: {  	_ =	swait.ge [sflag:s29], $0x1  }
0xb3: {  	[sflag:s29] =	ssyncadd.s32 $0xFFFFFFFF  }
0xb4: {  	_ =	strace $0x90000048  }
0xb5: {  	_ =	sfence  }
0xb6: {  	s30 =	sld [smem:$0x0];
	_ =	sdelay $0x2  }
0xb7: {  	s31 =	sshll.u32 s1, $0xD;
	s1 =	sshrl.u32 s1, $0x2  }
0xb8: {  	s3 =	sand.u32 $0x4000, s31;
	s1 =	sadd.s32 s1, s30  }
0xb9: {  	s0 =	sor.u32 s3, s0;
	s1 =	sshll.u32 s1, $0x11  }
0xba: {  	s0 =	sor.u32 s1, s0  }
0xbb: {  	s0 =	sadd.s32 $0x8F2B, s0  }
0xbc: {  	[sflag:s0] =	ssyncadd.remote.s32 $0x1  }
0xbd: {  	_ =	sfence.sel $0xFFFF  }
0xbe: {  	[dreg:$0x0] =	wrdreg $0xFFFFFFFF;
	(pc) =	sbr.abs _section_cstart, $3  }
0xbf: {  	[dreg:$0x1] =	wrdreg $0xFFFFFFFF  }
0xc0: {  	_ =	task.clear_ibuf [dreg:s6], $0x2FFFF;
	_ =	strace $0x9FFFFFFF  }
0xc1: {  	(tm) =	ssettm $0x7FFFFFFF  }
tec
execute0_lowered:
.L_overlay_start_1:
0x0: {  	(tag) =	ssettag $0x1  }
0x1: {  	s0 =	srdreg.scid;
	s2 =	stileid.u32  }
0x2: {  	s1 =	sand.u32 $0x1, s0;
	s10 =	sshll.u32 s2, $0x1  }
0x3: {  	s4 =	sor.u32 s1, s10  }
0x4: {  	s0 =	smul.u32 $0x30000, s4;
	_ =	sdelay $0x1  }
0x5: {  	s3 =	rddreg [dreg:$0x0];
	s0 =	sshrl.u32 s0, $0x3  }
0x6: {  	s2 =	simm.s32 $0x0;
	s0 =	sadd.s32 s0, s3  }
0x7: {  	[smem:$0x7FF] =	sst s2;
	s5 =	sadd.s32 $0x140400, s0  }
0x8: {  	_ =	strace $0x80000047;
	s11 =	sadd.s32 $0x140480, s0;
	[dreg:$0x2] =	wrdreg s5  }
0x9: {  	s12 =	sadd.s32 $0x140580, s0;
	[dreg:$0x3] =	wrdreg s11  }
0xa: {  	s13 =	sadd.s32 $0x140600, s0;
	[dreg:$0x4] =	wrdreg s12  }
0xb: {  	s14 =	sadd.s32 $0x140680, s0;
	[dreg:$0x5] =	wrdreg s13  }
0xc: {  	s15 =	sadd.s32 $0x142400, s0;
	[dreg:$0x6] =	wrdreg s14  }
0xd: {  	s16 =	sadd.s32 $0x142480, s0;
	[dreg:$0x7] =	wrdreg s15  }
0xe: {  	s17 =	sadd.s32 $0x142580, s0;
	[dreg:$0x8] =	wrdreg s16  }
0xf: {  	s6 =	sadd.s32 $0x142600, s0;
	[dreg:$0x9] =	wrdreg s17  }
0x10: {  	s19 =	sadd.s32 $0x142680, s0;
	[dreg:$0xa] =	wrdreg s6  }
0x11: {  	s21 =	sadd.s32 $0x140800, s0;
	[dreg:$0xb] =	wrdreg s19  }
0x12: {  	s22 =	sadd.s32 $0x140C00, s0;
	[dreg:$0xe] =	wrdreg s21  }
0x13: {  	s23 =	sadd.s32 $0x141400, s0;
	[dreg:$0xf] =	wrdreg s22  }
0x14: {  	s24 =	sadd.s32 $0x141800, s0;
	[dreg:$0x10] =	wrdreg s23  }
0x15: {  	s25 =	sadd.s32 $0x141000, s0;
	[dreg:$0x11] =	wrdreg s24  }
0x16: {  	s26 =	sadd.s32 $0x141C00, s0;
	[dreg:$0x12] =	wrdreg s25  }
0x17: {  	s7 =	sadd.s32 $0x140880, s0;
	[dreg:$0x13] =	wrdreg s26  }
0x18: {  	s8 =	sadd.s32 $0x140C80, s0;
	[dreg:$0x15] =	wrdreg s7  }
0x19: {  	s9 =	sadd.s32 $0x141080, s0;
	[dreg:$0x16] =	wrdreg s8  }
0x1a: {  	s10 =	sadd.s32 $0x141480, s0;
	[dreg:$0x17] =	wrdreg s9  }
0x1b: {  	s6 =	sadd.s32 $0x142000, s0;
	[dreg:$0x18] =	wrdreg s10  }
0x1c: {  	s18 =	smul.u32 $0x6000, s4;
	s11 =	sadd.s32 $0x141880, s0;
	[dreg:$0x14] =	wrdreg s6  }
0x1d: {  	s12 =	sadd.s32 $0x141C80, s0;
	[dreg:$0x19] =	wrdreg s11  }
0x1e: {  	s5 =	sshrl.u32 s18, $0x3;
	s18 =	sadd.s32 $0x142080, s0;
	[dreg:$0x1a] =	wrdreg s12  }
0x1f: {  	s19 =	sadd.s32 $0x140980, s0;
	[dreg:$0x1b] =	wrdreg s18  }
0x20: {  	s3 =	sadd.s32 $0x200400, s3;
	s21 =	sadd.s32 $0x141180, s0;
	[dreg:$0x1c] =	wrdreg s19  }
0x21: {  	s13 =	sadd.s32 $0x144400, s0;
	s22 =	sadd.s32 $0x141580, s0;
	[dreg:$0x1e] =	wrdreg s21  }
0x22: {  	s14 =	sadd.s32 $0x144480, s0;
	s23 =	sadd.s32 $0x141980, s0;
	[dreg:$0x1f] =	wrdreg s22  }
0x23: {  	s24 =	sadd.s32 $0x141D80, s0;
	[smem:$0x7C8] =	sst s23  }
0x24: {  	s25 =	sadd.s32 $0x142180, s0;
	[smem:$0x7C9] =	sst s24  }
0x25: {  	s26 =	sadd.s32 $0x140A00, s0;
	[smem:$0x7CA] =	sst s25  }
0x26: {  	s7 =	sadd.s32 $0x141200, s0;
	[smem:$0x7CB] =	sst s26  }
0x27: {  	s8 =	sadd.s32 $0x141600, s0;
	[smem:$0x7CD] =	sst s7  }
0x28: {  	s9 =	sadd.s32 $0x141A00, s0;
	[smem:$0x7CE] =	sst s8  }
0x29: {  	s10 =	sadd.s32 $0x141E00, s0;
	[smem:$0x7CF] =	sst s9  }
0x2a: {  	s6 =	sadd.s32 $0x140E00, s0;
	[smem:$0x7D0] =	sst s10  }
0x2b: {  	s11 =	sadd.s32 $0x142200, s0;
	[smem:$0x7CC] =	sst s6  }
0x2c: {  	s12 =	sadd.s32 $0x140A80, s0;
	[smem:$0x7D1] =	sst s11  }
0x2d: {  	s18 =	sadd.s32 $0x140E80, s0;
	[smem:$0x7D2] =	sst s12  }
0x2e: {  	s19 =	sadd.s32 $0x141280, s0;
	[smem:$0x7D3] =	sst s18  }
0x2f: {  	s21 =	sadd.s32 $0x141A80, s0;
	[smem:$0x7D4] =	sst s19  }
0x30: {  	s22 =	sadd.s32 $0x141E80, s0;
	[smem:$0x7D6] =	sst s21  }
0x31: {  	s23 =	sadd.s32 $0x142280, s0;
	[smem:$0x7D7] =	sst s22  }
0x32: {  	s24 =	sadd.s32 $0x142800, s0;
	[smem:$0x7D8] =	sst s23  }
0x33: {  	s25 =	sadd.s32 $0x142C00, s0;
	[smem:$0x7D9] =	sst s24  }
0x34: {  	s26 =	sadd.s32 $0x143400, s0;
	[smem:$0x7DA] =	sst s25  }
0x35: {  	s15 =	sadd.s32 $0x144580, s0;
	s7 =	sadd.s32 $0x143000, s0;
	[smem:$0x7DB] =	sst s26  }
0x36: {  	s4 =	smul.u32 $0xC00, s4;
	s8 =	sadd.s32 $0x143C00, s0;
	[smem:$0x7DD] =	sst s7  }
0x37: {  	s16 =	sadd.s32 $0x144600, s0;
	s9 =	sadd.s32 $0x144000, s0;
	[smem:$0x7DE] =	sst s8  }
0x38: {  	s10 =	sadd.s32 $0x142880, s0;
	[smem:$0x7DF] =	sst s9  }
0x39: {  	s5 =	sadd.s32 s3, s5;
	s3 =	sadd.s32 s3, s4;
	[smem:$0x7E0] =	sst s10  }
0x3a: {  	s17 =	sadd.s32 $0x144680, s0;
	s20 =	sadd.s32 $0x400, s5;
	[smem:$0x7F8] =	sst s3  }
0x3b: {  	s5 =	sadd.s32 $0x800, s5;
	s6 =	sadd.s32 $0x143800, s0;
	[dreg:$0xc] =	wrdreg s20  }
0x3c: {  	s11 =	sadd.s32 $0x142C80, s0;
	s12 =	sadd.s32 $0x143080, s0;
	[dreg:$0xd] =	wrdreg s5  }
0x3d: {  	s18 =	sadd.s32 $0x143480, s0;
	[smem:$0x7DC] =	sst s6  }
0x3e: {  	s19 =	sadd.s32 $0x143880, s0;
	[smem:$0x7E1] =	sst s11  }
0x3f: {  	s21 =	sadd.s32 $0x144080, s0;
	[smem:$0x7E2] =	sst s12  }
0x40: {  	s22 =	sadd.s32 $0x142980, s0;
	[smem:$0x7E3] =	sst s18  }
0x41: {  	s23 =	sadd.s32 $0x142D80, s0;
	[smem:$0x7E4] =	sst s19  }
0x42: {  	s24 =	sadd.s32 $0x143180, s0;
	[smem:$0x7E6] =	sst s21  }
0x43: {  	s25 =	sadd.s32 $0x143580, s0;
	[smem:$0x7E7] =	sst s22  }
0x44: {  	s26 =	sadd.s32 $0x143980, s0;
	[smem:$0x7E8] =	sst s23  }
0x45: {  	s7 =	sadd.s32 $0x144180, s0;
	[smem:$0x7E9] =	sst s24  }
0x46: {  	s8 =	sadd.s32 $0x142A00, s0;
	[smem:$0x7EA] =	sst s25  }
0x47: {  	s9 =	sadd.s32 $0x142E00, s0;
	[smem:$0x7EB] =	sst s26  }
0x48: {  	s10 =	sadd.s32 $0x143200, s0;
	[smem:$0x7ED] =	sst s7  }
0x49: {  	s20 =	sadd.s32 $0x140D80, s0;
	[smem:$0x7EE] =	sst s8  }
0x4a: {  	s6 =	sadd.s32 $0x143D80, s0;
	[smem:$0x7EF] =	sst s9  }
0x4b: {  	[smem:$0x7F0] =	sst s10;
	s11 =	sadd.s32 $0x143600, s0  }
0x4c: {  	s12 =	sadd.s32 $0x143A00, s0;
	s18 =	sadd.s32 $0x143E00, s0;
	[dreg:$0x1d] =	wrdreg s20  }
0x4d: {  	s28 =	simm.s32 $0x1000;
	s21 =	sadd.s32 $0x142A80, s0;
	[smem:$0x7EC] =	sst s6  }
0x4e: {  	s29 =	simm.s32 $0x3800;
	s22 =	sadd.s32 $0x142E80, s0;
	[smem:$0x7F1] =	sst s11  }
0x4f: {  	s30 =	simm.s32 $0x6000;
	s23 =	sadd.s32 $0x143280, s0;
	[smem:$0x7F2] =	sst s12  }
0x50: {  	s31 =	simm.s32 $0xA000;
	s24 =	sadd.s32 $0x143680, s0;
	[smem:$0x7F3] =	sst s18  }
0x51: {  	s1 =	ssub.s32 $0x2, s1;
	s25 =	sadd.s32 $0x143A80, s0;
	[smem:$0x7F5] =	sst s21  }
0x52: {  	s19 =	sshrl.u32 s1, $0x1;
	s26 =	sadd.s32 $0x143E80, s0;
	[smem:$0x7F6] =	sst s22  }
0x53: {  	s5 =	simm.s32 $0x4800;
	s7 =	simm.s32 $0x9800;
	[smem:$0x7F7] =	sst s23  }
0x54: {  	s8 =	simm.s32 $0x2400;
	s9 =	simm.s32 $0x4C00;
	[smem:$0x7F9] =	sst s24  }
0x55: {  	s10 =	simm.s32 $0x7400;
	s20 =	sadd.s32 $0x141680, s0;
	[smem:$0x7FA] =	sst s25  }
0x56: {  	v0 =	vlaneseq.u32;
	s1 =	ssub.s32 s1, s19;
	[smem:$0x7FC] =	sst s26;
	s22 =	simm.s32 $0x2800  }
0x57: {  	v1 =	vand.u32 $0x7, v0;
	s23 =	simm.s32 $0x5000;
	s24 =	simm.s32 $0x3400;
	s25 =	simm.s32 $0x5C00  }
0x58: {  	v1 =	vmul.u32 $0x80, v1;
	s6 =	simm.s32 $0x7000;
	s26 =	simm.s32 $0x8400;
	s12 =	simm.s32 $0x8800  }
0x59: {  	s11 =	simm.s32 $0x9C00;
	[smem:$0x7D5] =	sst s20;
	s20 =	sadd.s32 $0x143C80, s0  }
0x5a: {  	v2 =	vor.u32 $0x459, v1;
	v3 =	vor.u32 $0x862, v1;
	s18 =	simm.s32 $0x1;
	s1 =	smax.u32 s1, $0x1;
	[smem:$0x7E5] =	sst s20  }
0x5b: {  	v4 =	vor.u32 $0x86B, v1;
	v5 =	vor.u32 $0x871, v1;
	s19 =	simm.s32 $0x16000;
	s20 =	sadd.s32 $0x144200, s0;
	[smem:$0x7FB] =	sst s1  }
0x5c: {  	v6 =	vor.u32 $0xC36, v1;
	v7 =	vor.u32 $0xC39, v1;
	s0 =	sadd.s32 $0x144280, s0;
	s1 =	simm.s32 $0x14000;
	[smem:$0x7F4] =	sst s20  }
0x5d: {  	v8 =	vor.u32 $0xC3B, v1;
	v9 =	vor.u32 $0xC3E, v1;
	v10 =	vor.u32 $0x103D, v1;
	[smem:$0x7FD] =	sst s0;
	s20 =	simm.s32 $0x2;
	s0 =	simm.s32 $0x0  }
.LBB2_1:
0x5e: {  	s3 =	rddreg [dreg:$0x2]  }
0x5f: {  	[tilespmem:s2], [sflag:$0x1] =	stream.linear.gather [hbm4b:s3+s2], $0x400, $0x38;
	[tilespmem:$0x18000] =	vst v63  }
0x60: {  	s4 =	rddreg [dreg:$0xe];
	s21 =	simm.s32 $0x1400  }
0x61: {  	[tilespmem:s21], [sflag:$0x1] =	stream.linear.gather [hbm4b:s4+s2], $0x400, $0x38;
	[tilespmem:$0x18000] =	vst v63  }
0x62: {  	s21 =	rddreg [dreg:$0xf]  }
0x63: {  	[tilespmem:s22], [sflag:$0x1] =	stream.linear.gather [hbm4b:s21+s2], $0x400, $0x38;
	[tilespmem:$0x18000] =	vst v63  }
0x64: {  	s4 =	simm.s32 $0x3C00;
	s22 =	rddreg [dreg:$0x12]  }
0x65: {  	[tilespmem:s4], [sflag:$0x1] =	stream.linear.gather [hbm4b:s22+s2], $0x400, $0x38;
	[tilespmem:$0x18000] =	vst v63  }
0x66: {  	s22 =	rddreg [dreg:$0x10]  }
0x67: {  	[tilespmem:s23], [sflag:$0x1] =	stream.linear.gather [hbm4b:s22+s2], $0x400, $0x38;
	[tilespmem:$0x18000] =	vst v63  }
0x68: {  	s23 =	rddreg [dreg:$0x11]  }
0x69: {  	s4 =	simm.s32 $0x6400;
	s22 =	rddreg [dreg:$0x14]  }
0x6a: {  	[tilespmem:s4], [sflag:$0x1] =	stream.linear.gather [hbm4b:s23+s2], $0x400, $0x38;
	[tilespmem:$0x18000] =	vst v63  }
0x6b: {  	s21 =	simm.s32 $0x7800;
	s4 =	rddreg [dreg:$0x13]  }
0x6c: {  	[tilespmem:s21], [sflag:$0x1] =	stream.linear.gather [hbm4b:s4+s2], $0x400, $0x38;
	[tilespmem:$0x18000] =	vst v63  }
0x6d: {  	s23 =	simm.s32 $0x8C00;
	s4 =	rddreg [dreg:$0x3]  }
0x6e: {  	[tilespmem:s23], [sflag:$0x1] =	stream.linear.gather [hbm4b:s22+s2], $0x400, $0x38;
	[tilespmem:$0x18000] =	vst v63  }
0x6f: {  	s21 =	simm.s32 $0x400;
	s22 =	rddreg [dreg:$0x15]  }
0x70: {  	[tilespmem:s21], [sflag:$0x1] =	stream.linear.gather [hbm4b:s4+s2], $0x400, $0x38;
	[tilespmem:$0x18000] =	vst v63  }
0x71: {  	s23 =	simm.s32 $0x1800;
	s4 =	rddreg [dreg:$0x16]  }
0x72: {  	[tilespmem:s23], [sflag:$0x1] =	stream.linear.gather [hbm4b:s22+s2], $0x400, $0x38;
	[tilespmem:$0x18000] =	vst v63  }
0x73: {  	s21 =	simm.s32 $0x2C00;
	s22 =	rddreg [dreg:$0x17]  }
0x74: {  	[tilespmem:s21], [sflag:$0x1] =	stream.linear.gather [hbm4b:s4+s2], $0x400, $0x38;
	[tilespmem:$0x18000] =	vst v63  }
0x75: {  	s23 =	simm.s32 $0x4000;
	s4 =	rddreg [dreg:$0x18]  }
0x76: {  	[tilespmem:s23], [sflag:$0x1] =	stream.linear.gather [hbm4b:s22+s2], $0x400, $0x38;
	[tilespmem:$0x18000] =	vst v63  }
0x77: {  	s21 =	simm.s32 $0x5400;
	s22 =	rddreg [dreg:$0x19]  }
0x78: {  	[tilespmem:s21], [sflag:$0x1] =	stream.linear.gather [hbm4b:s4+s2], $0x400, $0x38;
	[tilespmem:$0x18000] =	vst v63  }
0x79: {  	s23 =	simm.s32 $0x6800;
	s4 =	rddreg [dreg:$0x1a]  }
0x7a: {  	[tilespmem:s23], [sflag:$0x1] =	stream.linear.gather [hbm4b:s22+s2], $0x400, $0x38;
	[tilespmem:$0x18000] =	vst v63  }
0x7b: {  	s21 =	simm.s32 $0x7C00;
	s22 =	rddreg [dreg:$0x1b]  }
0x7c: {  	[tilespmem:s21], [sflag:$0x1] =	stream.linear.gather [hbm4b:s4+s2], $0x400, $0x38;
	[tilespmem:$0x18000] =	vst v63  }
0x7d: {  	s23 =	simm.s32 $0x9000;
	s4 =	rddreg [dreg:$0x4]  }
0x7e: {  	[tilespmem:s23], [sflag:$0x1] =	stream.linear.gather [hbm4b:s22+s2], $0x400, $0x38;
	[tilespmem:$0x18000] =	vst v63  }
0x7f: {  	s21 =	simm.s32 $0x800;
	s22 =	rddreg [dreg:$0x1c]  }
0x80: {  	[tilespmem:s21], [sflag:$0x1] =	stream.linear.gather [hbm4b:s4+s2], $0x400, $0x38;
	[tilespmem:$0x18000] =	vst v63  }
0x81: {  	s23 =	simm.s32 $0x1C00;
	s4 =	rddreg [dreg:$0x1d]  }
0x82: {  	[tilespmem:s23], [sflag:$0x1] =	stream.linear.gather [hbm4b:s22+s2], $0x400, $0x38;
	[tilespmem:$0x18000] =	vst v63  }
0x83: {  	s21 =	simm.s32 $0x3000;
	s22 =	rddreg [dreg:$0x1e]  }
0x84: {  	[tilespmem:s21], [sflag:$0x1] =	stream.linear.gather [hbm4b:s4+s2], $0x400, $0x38;
	[tilespmem:$0x18000] =	vst v63  }
0x85: {  	s23 =	simm.s32 $0x4400;
	s4 =	rddreg [dreg:$0x1f]  }
0x86: {  	[tilespmem:s23], [sflag:$0x1] =	stream.linear.gather [hbm4b:s22+s2], $0x400, $0x38;
	[tilespmem:$0x18000] =	vst v63  }
0x87: {  	s21 =	simm.s32 $0x5800;
	s22 =	sld [smem:$0x7C8]  }
0x88: {  	[tilespmem:s21], [sflag:$0x1] =	stream.linear.gather [hbm4b:s4+s2], $0x400, $0x38;
	[tilespmem:$0x18000] =	vst v63  }
0x89: {  	s23 =	simm.s32 $0x6C00;
	s4 =	sld [smem:$0x7C9]  }
0x8a: {  	[tilespmem:s23], [sflag:$0x1] =	stream.linear.gather [hbm4b:s22+s2], $0x400, $0x38;
	[tilespmem:$0x18000] =	vst v63  }
0x8b: {  	s21 =	simm.s32 $0x8000;
	s22 =	sld [smem:$0x7CA]  }
0x8c: {  	[tilespmem:s21], [sflag:$0x1] =	stream.linear.gather [hbm4b:s4+s2], $0x400, $0x38;
	[tilespmem:$0x18000] =	vst v63  }
0x8d: {  	s23 =	simm.s32 $0x9400;
	s4 =	rddreg [dreg:$0x5]  }
0x8e: {  	[tilespmem:s23], [sflag:$0x1] =	stream.linear.gather [hbm4b:s22+s2], $0x400, $0x38;
	[tilespmem:$0x18000] =	vst v63  }
0x8f: {  	s21 =	simm.s32 $0xC00;
	s22 =	sld [smem:$0x7CB]  }
0x90: {  	[tilespmem:s21], [sflag:$0x1] =	stream.linear.gather [hbm4b:s4+s2], $0x400, $0x38;
	[tilespmem:$0x18000] =	vst v63  }
0x91: {  	s23 =	simm.s32 $0x2000;
	s21 =	sld [smem:$0x7CC]  }
0x92: {  	[tilespmem:s23], [sflag:$0x1] =	stream.linear.gather [hbm4b:s22+s2], $0x400, $0x38;
	[tilespmem:$0x18000] =	vst v63  }
0x93: {  	s22 =	sld [smem:$0x7CD]  }
0x94: {  	[tilespmem:s24], [sflag:$0x1] =	stream.linear.gather [hbm4b:s21+s2], $0x400, $0x38;
	[tilespmem:$0x18000] =	vst v63  }
0x95: {  	s23 =	sld [smem:$0x7CE]  }
0x96: {  	[tilespmem:s5], [sflag:$0x1] =	stream.linear.gather [hbm4b:s22+s2], $0x400, $0x38;
	[tilespmem:$0x18000] =	vst v63  }
0x97: {  	s4 =	sld [smem:$0x7CF]  }
0x98: {  	[tilespmem:s25], [sflag:$0x1] =	stream.linear.gather [hbm4b:s23+s2], $0x400, $0x38;
	[tilespmem:$0x18000] =	vst v63  }
0x99: {  	s21 =	sld [smem:$0x7D0]  }
0x9a: {  	[tilespmem:s6], [sflag:$0x1] =	stream.linear.gather [hbm4b:s4+s2], $0x400, $0x38;
	[tilespmem:$0x18000] =	vst v63  }
0x9b: {  	s22 =	sld [smem:$0x7D1]  }
0x9c: {  	[tilespmem:s26], [sflag:$0x1] =	stream.linear.gather [hbm4b:s21+s2], $0x400, $0x38;
	[tilespmem:$0x18000] =	vst v63  }
0x9d: {  	s23 =	rddreg [dreg:$0x6]  }
0x9e: {  	[tilespmem:s7], [sflag:$0x1] =	stream.linear.gather [hbm4b:s22+s2], $0x400, $0x38;
	[tilespmem:$0x18000] =	vst v63  }
0x9f: {  	s4 =	sld [smem:$0x7D2]  }
0xa0: {  	[tilespmem:s28], [sflag:$0x1] =	stream.linear.gather [hbm4b:s23+s2], $0x400, $0x38;
	[tilespmem:$0x18000] =	vst v63  }
0xa1: {  	s21 =	sld [smem:$0x7D3]  }
0xa2: {  	[tilespmem:s8], [sflag:$0x1] =	stream.linear.gather [hbm4b:s4+s2], $0x400, $0x38;
	[tilespmem:$0x18000] =	vst v63  }
0xa3: {  	s22 =	sld [smem:$0x7D4]  }
0xa4: {  	[tilespmem:s29], [sflag:$0x1] =	stream.linear.gather [hbm4b:s21+s2], $0x400, $0x38;
	[tilespmem:$0x18000] =	vst v63  }
0xa5: {  	s23 =	sld [smem:$0x7D5]  }
0xa6: {  	[tilespmem:s9], [sflag:$0x1] =	stream.linear.gather [hbm4b:s22+s2], $0x400, $0x38;
	[tilespmem:$0x18000] =	vst v63  }
0xa7: {  	s4 =	sld [smem:$0x7D6]  }
0xa8: {  	[tilespmem:s30], [sflag:$0x1] =	stream.linear.gather [hbm4b:s23+s2], $0x400, $0x38;
	[tilespmem:$0x18000] =	vst v63  }
0xa9: {  	s21 =	sld [smem:$0x7D7]  }
0xaa: {  	[tilespmem:s10], [sflag:$0x1] =	stream.linear.gather [hbm4b:s4+s2], $0x400, $0x38;
	[tilespmem:$0x18000] =	vst v63  }
0xab: {  	s22 =	sld [smem:$0x7D8]  }
0xac: {  	[tilespmem:s12], [sflag:$0x1] =	stream.linear.gather [hbm4b:s21+s2], $0x400, $0x38;
	[tilespmem:$0x18000] =	vst v63  }
0xad: {  	s23 =	rddreg [dreg:$0x7]  }
0xae: {  	[tilespmem:s11], [sflag:$0x1] =	stream.linear.gather [hbm4b:s22+s2], $0x400, $0x38;
	[tilespmem:$0x18000] =	vst v63  }
0xaf: {  	s4 =	sld [smem:$0x7D9]  }
0xb0: {  	[tilespmem:s31], [sflag:$0x1] =	stream.linear.gather [hbm4b:s23+s2], $0x400, $0x38;
	[tilespmem:$0x18000] =	vst v63  }
0xb1: {  	s21 =	simm.s32 $0xB400;
	s22 =	sld [smem:$0x7DA]  }
0xb2: {  	[tilespmem:s21], [sflag:$0x1] =	stream.linear.gather [hbm4b:s4+s2], $0x400, $0x38;
	[tilespmem:$0x18000] =	vst v63  }
0xb3: {  	s23 =	simm.s32 $0xC800;
	s4 =	sld [smem:$0x7DD]  }
0xb4: {  	[tilespmem:s23], [sflag:$0x1] =	stream.linear.gather [hbm4b:s22+s2], $0x400, $0x38;
	[tilespmem:$0x18000] =	vst v63  }
0xb5: {  	s21 =	simm.s32 $0xDC00;
	s22 =	sld [smem:$0x7DB]  }
0xb6: {  	[tilespmem:s21], [sflag:$0x1] =	stream.linear.gather [hbm4b:s4+s2], $0x400, $0x38;
	[tilespmem:$0x18000] =	vst v63  }
0xb7: {  	s23 =	simm.s32 $0xF000;
	s4 =	sld [smem:$0x7DC]  }
0xb8: {  	[tilespmem:s23], [sflag:$0x1] =	stream.linear.gather [hbm4b:s22+s2], $0x400, $0x38;
	[tilespmem:$0x18000] =	vst v63  }
0xb9: {  	s21 =	simm.s32 $0x10400;
	s22 =	sld [smem:$0x7DE]  }
0xba: {  	[tilespmem:s21], [sflag:$0x1] =	stream.linear.gather [hbm4b:s4+s2], $0x400, $0x38;
	[tilespmem:$0x18000] =	vst v63  }
0xbb: {  	s23 =	simm.s32 $0x11800;
	s4 =	sld [smem:$0x7DF]  }
0xbc: {  	[tilespmem:s23], [sflag:$0x1] =	stream.linear.gather [hbm4b:s22+s2], $0x400, $0x38;
	[tilespmem:$0x18000] =	vst v63  }
0xbd: {  	s21 =	simm.s32 $0x12C00;
	s22 =	rddreg [dreg:$0x8]  }
0xbe: {  	[tilespmem:s21], [sflag:$0x1] =	stream.linear.gather [hbm4b:s4+s2], $0x400, $0x38;
	[tilespmem:$0x18000] =	vst v63  }
0xbf: {  	s23 =	simm.s32 $0xA400;
	s4 =	sld [smem:$0x7E0]  }
0xc0: {  	[tilespmem:s23], [sflag:$0x1] =	stream.linear.gather [hbm4b:s22+s2], $0x400, $0x38;
	[tilespmem:$0x18000] =	vst v63  }
0xc1: {  	s21 =	simm.s32 $0xB800;
	s22 =	sld [smem:$0x7E1]  }
0xc2: {  	[tilespmem:s21], [sflag:$0x1] =	stream.linear.gather [hbm4b:s4+s2], $0x400, $0x38;
	[tilespmem:$0x18000] =	vst v63  }
0xc3: {  	s23 =	simm.s32 $0xCC00;
	s4 =	sld [smem:$0x7E2]  }
0xc4: {  	[tilespmem:s23], [sflag:$0x1] =	stream.linear.gather [hbm4b:s22+s2], $0x400, $0x38;
	[tilespmem:$0x18000] =	vst v63  }
0xc5: {  	s21 =	simm.s32 $0xE000;
	s22 =	sld [smem:$0x7E3]  }
0xc6: {  	[tilespmem:s21], [sflag:$0x1] =	stream.linear.gather [hbm4b:s4+s2], $0x400, $0x38;
	[tilespmem:$0x18000] =	vst v63  }
0xc7: {  	s23 =	simm.s32 $0xF400;
	s4 =	sld [smem:$0x7E4]  }
0xc8: {  	[tilespmem:s23], [sflag:$0x1] =	stream.linear.gather [hbm4b:s22+s2], $0x400, $0x38;
	[tilespmem:$0x18000] =	vst v63  }
0xc9: {  	s21 =	simm.s32 $0x10800;
	s22 =	sld [smem:$0x7E5]  }
0xca: {  	[tilespmem:s21], [sflag:$0x1] =	stream.linear.gather [hbm4b:s4+s2], $0x400, $0x38;
	[tilespmem:$0x18000] =	vst v63  }
0xcb: {  	s23 =	simm.s32 $0x11C00;
	s4 =	sld [smem:$0x7E6]  }
0xcc: {  	[tilespmem:s23], [sflag:$0x1] =	stream.linear.gather [hbm4b:s22+s2], $0x400, $0x38;
	[tilespmem:$0x18000] =	vst v63  }
0xcd: {  	s21 =	simm.s32 $0x13000;
	s22 =	rddreg [dreg:$0x9]  }
0xce: {  	[tilespmem:s21], [sflag:$0x1] =	stream.linear.gather [hbm4b:s4+s2], $0x400, $0x38;
	[tilespmem:$0x18000] =	vst v63  }
0xcf: {  	s23 =	simm.s32 $0xA800;
	s4 =	sld [smem:$0x7E7]  }
0xd0: {  	[tilespmem:s23], [sflag:$0x1] =	stream.linear.gather [hbm4b:s22+s2], $0x400, $0x38;
	[tilespmem:$0x18000] =	vst v63  }
0xd1: {  	s21 =	simm.s32 $0xBC00;
	s22 =	sld [smem:$0x7E8]  }
0xd2: {  	[tilespmem:s21], [sflag:$0x1] =	stream.linear.gather [hbm4b:s4+s2], $0x400, $0x38;
	[tilespmem:$0x18000] =	vst v63  }
0xd3: {  	s23 =	simm.s32 $0xD000;
	s4 =	sld [smem:$0x7E9]  }
0xd4: {  	[tilespmem:s23], [sflag:$0x1] =	stream.linear.gather [hbm4b:s22+s2], $0x400, $0x38;
	[tilespmem:$0x18000] =	vst v63  }
0xd5: {  	s21 =	simm.s32 $0xE400;
	s22 =	sld [smem:$0x7EA]  }
0xd6: {  	[tilespmem:s21], [sflag:$0x1] =	stream.linear.gather [hbm4b:s4+s2], $0x400, $0x38;
	[tilespmem:$0x18000] =	vst v63  }
0xd7: {  	s23 =	simm.s32 $0xF800;
	s4 =	sld [smem:$0x7EB]  }
0xd8: {  	[tilespmem:s23], [sflag:$0x1] =	stream.linear.gather [hbm4b:s22+s2], $0x400, $0x38;
	[tilespmem:$0x18000] =	vst v63  }
0xd9: {  	s21 =	simm.s32 $0x10C00;
	s22 =	sld [smem:$0x7EC]  }
0xda: {  	[tilespmem:s21], [sflag:$0x1] =	stream.linear.gather [hbm4b:s4+s2], $0x400, $0x38;
	[tilespmem:$0x18000] =	vst v63  }
0xdb: {  	s23 =	simm.s32 $0x12000;
	s4 =	sld [smem:$0x7ED]  }
0xdc: {  	[tilespmem:s23], [sflag:$0x1] =	stream.linear.gather [hbm4b:s22+s2], $0x400, $0x38;
	[tilespmem:$0x18000] =	vst v63  }
0xdd: {  	s21 =	simm.s32 $0x13400;
	s22 =	rddreg [dreg:$0xa]  }
0xde: {  	[tilespmem:s21], [sflag:$0x1] =	stream.linear.gather [hbm4b:s4+s2], $0x400, $0x38;
	[tilespmem:$0x18000] =	vst v63  }
0xdf: {  	s23 =	simm.s32 $0xAC00;
	s4 =	sld [smem:$0x7EE]  }
0xe0: {  	[tilespmem:s23], [sflag:$0x1] =	stream.linear.gather [hbm4b:s22+s2], $0x400, $0x38;
	[tilespmem:$0x18000] =	vst v63  }
0xe1: {  	s21 =	simm.s32 $0xC000;
	s22 =	sld [smem:$0x7EF]  }
0xe2: {  	[tilespmem:s21], [sflag:$0x1] =	stream.linear.gather [hbm4b:s4+s2], $0x400, $0x38;
	[tilespmem:$0x18000] =	vst v63  }
0xe3: {  	s23 =	simm.s32 $0xD400;
	s4 =	sld [smem:$0x7F0]  }
0xe4: {  	[tilespmem:s23], [sflag:$0x1] =	stream.linear.gather [hbm4b:s22+s2], $0x400, $0x38;
	[tilespmem:$0x18000] =	vst v63  }
0xe5: {  	s21 =	simm.s32 $0xE800;
	s22 =	sld [smem:$0x7F1]  }
0xe6: {  	[tilespmem:s21], [sflag:$0x1] =	stream.linear.gather [hbm4b:s4+s2], $0x400, $0x38;
	[tilespmem:$0x18000] =	vst v63  }
0xe7: {  	s23 =	simm.s32 $0xFC00;
	s4 =	sld [smem:$0x7F2]  }
0xe8: {  	[tilespmem:s23], [sflag:$0x1] =	stream.linear.gather [hbm4b:s22+s2], $0x400, $0x38;
	[tilespmem:$0x18000] =	vst v63  }
0xe9: {  	s21 =	simm.s32 $0x11000;
	s22 =	sld [smem:$0x7F3]  }
0xea: {  	[tilespmem:s21], [sflag:$0x1] =	stream.linear.gather [hbm4b:s4+s2], $0x400, $0x38;
	[tilespmem:$0x18000] =	vst v63  }
0xeb: {  	s23 =	simm.s32 $0x12400;
	s4 =	sld [smem:$0x7F4]  }
0xec: {  	[tilespmem:s23], [sflag:$0x1] =	stream.linear.gather [hbm4b:s22+s2], $0x400, $0x38;
	[tilespmem:$0x18000] =	vst v63  }
0xed: {  	s21 =	simm.s32 $0x13800;
	s22 =	rddreg [dreg:$0xb]  }
0xee: {  	[tilespmem:s21], [sflag:$0x1] =	stream.linear.gather [hbm4b:s4+s2], $0x400, $0x38;
	[tilespmem:$0x18000] =	vst v63  }
0xef: {  	s23 =	simm.s32 $0xB000;
	s4 =	sld [smem:$0x7F5]  }
0xf0: {  	[tilespmem:s23], [sflag:$0x1] =	stream.linear.gather [hbm4b:s22+s2], $0x400, $0x38;
	[tilespmem:$0x18000] =	vst v63  }
0xf1: {  	s21 =	simm.s32 $0xC400;
	s22 =	sld [smem:$0x7F6]  }
0xf2: {  	[tilespmem:s21], [sflag:$0x1] =	stream.linear.gather [hbm4b:s4+s2], $0x400, $0x38;
	[tilespmem:$0x18000] =	vst v63  }
0xf3: {  	s23 =	simm.s32 $0xD800;
	s4 =	sld [smem:$0x7F7]  }
0xf4: {  	[tilespmem:s23], [sflag:$0x1] =	stream.linear.gather [hbm4b:s22+s2], $0x400, $0x38;
	[tilespmem:$0x18000] =	vst v63  }
0xf5: {  	s21 =	simm.s32 $0xEC00;
	s22 =	sld [smem:$0x7F9]  }
0xf6: {  	[tilespmem:s21], [sflag:$0x1] =	stream.linear.gather [hbm4b:s4+s2], $0x400, $0x38;
	[tilespmem:$0x18000] =	vst v63  }
0xf7: {  	s23 =	simm.s32 $0x10000;
	s4 =	sld [smem:$0x7FA]  }
0xf8: {  	[tilespmem:s23], [sflag:$0x1] =	stream.linear.gather [hbm4b:s22+s2], $0x400, $0x38;
	[tilespmem:$0x18000] =	vst v63  }
0xf9: {  	s21 =	simm.s32 $0x11400;
	s22 =	sld [smem:$0x7FC]  }
0xfa: {  	[tilespmem:s21], [sflag:$0x1] =	stream.linear.gather [hbm4b:s4+s2], $0x400, $0x38;
	[tilespmem:$0x18000] =	vst v63  }
0xfb: {  	s23 =	simm.s32 $0x12800;
	s21 =	sld [smem:$0x7FD]  }
0xfc: {  	[tilespmem:s23], [sflag:$0x1] =	stream.linear.gather [hbm4b:s22+s2], $0x400, $0x38;
	[tilespmem:$0x18000] =	vst v63  }
0xfd: {  	s22 =	simm.s32 $0x13C00  }
0xfe: {  	[tilespmem:s22], [sflag:$0x1] =	stream.linear.gather [hbm4b:s21+s2], $0x400, $0x38;
	[tilespmem:$0x18000] =	vst v63  }
0xff: {  	_ =	swait.ge [sflag:s18], $0x2000  }
0x100: {  	[sflag:s18] =	ssyncset.done $0x0  }
0x101: {  	[sflag:s18] =	ssyncadd.s32 $0xFFFFE000  }
0x102: {  	_ =	swait.ge [sflag:s18], $0x2000  }
0x103: {  	[sflag:s18] =	ssyncset.done $0x0  }
0x104: {  	[sflag:s18] =	ssyncadd.s32 $0xFFFFE000  }
0x105: {  	v11 =	vor.u32 s2, v0;
	_ =	swait.ge [sflag:s18], $0x2000  }
0x106: {  	v12 =	vshrl.u32 v11, $0x3;
	[sflag:s18] =	ssyncset.done $0x0  }
0x107: {  	v12 =	vmul.u32 $0x1400, v12;
	[sflag:s18] =	ssyncadd.s32 $0xFFFFE000  }
0x108: {  	_ =	swait.ge [sflag:s18], $0x2000  }
0x109: {  	v13 =	vor.u32 v1, v12;
	[sflag:s18] =	ssyncset.done $0x0  }
0x10a: {  	[sflag:s18] =	ssyncadd.s32 $0xFFFFE000  }
0x10b: {  	_ =	swait.ge [sflag:s18], $0x2000  }
0x10c: {  	[sflag:s18] =	ssyncset.done $0x0  }
0x10d: {  	[sflag:s18] =	ssyncadd.s32 $0xFFFFE000  }
0x10e: {  	v11 =	vshll.u32 v11, $0x7;
	v13 =	vld.idx.msk [tilespmem:v13+s2+$0x0], $0xffff  }
0x10f: {  	v14 =	vadd.s32 v2, v12;
	_ =	sdelay $0x3  }
0x110: {  	[tilespmem:v11+s1+$0x0] =	vst.idx.msk $0xffff, v13  }
0x111: {  	v13 =	vld.idx.msk [tilespmem:v14+s2+$0x0], $0xffff;
	v14 =	vor.u32 $0x1, v11  }
0x112: {  	v15 =	vadd.s32 v3, v12;
	_ =	sdelay $0x3  }
0x113: {  	[tilespmem:v14+s1+$0x0] =	vst.idx.msk $0xffff, v13  }
0x114: {  	v14 =	vor.u32 $0x2, v11;
	v13 =	vld.idx.msk [tilespmem:v15+s2+$0x0], $0xffff  }
0x115: {  	v15 =	vadd.s32 v4, v12;
	_ =	sdelay $0x3  }
0x116: {  	[tilespmem:v14+s1+$0x0] =	vst.idx.msk $0xffff, v13  }
0x117: {  	v14 =	vor.u32 $0x3, v11;
	v13 =	vld.idx.msk [tilespmem:v15+s2+$0x0], $0xffff  }
0x118: {  	v15 =	vadd.s32 v5, v12;
	_ =	sdelay $0x3  }
0x119: {  	[tilespmem:v14+s1+$0x0] =	vst.idx.msk $0xffff, v13  }
0x11a: {  	v14 =	vor.u32 $0x4, v11;
	v13 =	vld.idx.msk [tilespmem:v15+s2+$0x0], $0xffff  }
0x11b: {  	v15 =	vadd.s32 v6, v12;
	_ =	sdelay $0x3  }
0x11c: {  	[tilespmem:v14+s1+$0x0] =	vst.idx.msk $0xffff, v13  }
0x11d: {  	v14 =	vor.u32 $0x5, v11;
	v13 =	vld.idx.msk [tilespmem:v15+s2+$0x0], $0xffff  }
0x11e: {  	v15 =	vadd.s32 v7, v12;
	_ =	sdelay $0x3  }
0x11f: {  	[tilespmem:v14+s1+$0x0] =	vst.idx.msk $0xffff, v13  }
0x120: {  	v14 =	vor.u32 $0x6, v11;
	v13 =	vld.idx.msk [tilespmem:v15+s2+$0x0], $0xffff  }
0x121: {  	v15 =	vadd.s32 v8, v12;
	_ =	sdelay $0x3  }
0x122: {  	[tilespmem:v14+s1+$0x0] =	vst.idx.msk $0xffff, v13  }
0x123: {  	v14 =	vor.u32 $0x7, v11;
	v13 =	vld.idx.msk [tilespmem:v15+s2+$0x0], $0xffff  }
0x124: {  	v15 =	vadd.s32 v9, v12;
	_ =	sdelay $0x3  }
0x125: {  	[tilespmem:v14+s1+$0x0] =	vst.idx.msk $0xffff, v13  }
0x126: {  	v13 =	vld.idx.msk [tilespmem:v15+s2+$0x0], $0xffff;
	v15 =	vor.u32 $0x8, v11  }
0x127: {  	v14 =	vadd.s32 v10, v12;
	_ =	sdelay $0x1  }
0x128: {  	s23 =	simm.s32 $0x10  }
0x129: {  	s21 =	simm.s32 $0x20;
	v12 =	vor.u32 s23, v0  }
.LBB2_2:
0x12a: {  	p0 =	sne.s32 s21, $0x30;
	v16 =	vshrl.u32 v12, $0x3;
	[tilespmem:v15+s1+$0x0] =	vst.idx.msk $0xffff, v13  }
0x12b: {  	v16 =	vmul.u32 $0x1400, v16;
	v13 =	vld.idx.msk [tilespmem:v14+s2+$0x0], $0xffff  }
0x12c: {  	v11 =	vor.u32 $0x9, v11  }
0x12d: {  	v14 =	vor.u32 v1, v16;
	_ =	sdelay $0x3  }
0x12e: {  	[tilespmem:v11+s1+$0x0] =	vst.idx.msk $0xffff, v13  }
0x12f: {  	v13 =	vld.idx.msk [tilespmem:v14+s2+$0x0], $0xffff  }
0x130: {  	v11 =	vshll.u32 v12, $0x7  }
0x131: {  	v12 =	vadd.s32 v2, v16;
	_ =	sdelay $0x3  }
0x132: {  	[tilespmem:v11+s1+$0x0] =	vst.idx.msk $0xffff, v13  }
0x133: {  	v12 =	vld.idx.msk [tilespmem:v12+s2+$0x0], $0xffff  }
0x134: {  	v13 =	vor.u32 $0x1, v11  }
0x135: {  	v14 =	vadd.s32 v3, v16;
	_ =	sdelay $0x3  }
0x136: {  	[tilespmem:v13+s1+$0x0] =	vst.idx.msk $0xffff, v12  }
0x137: {  	v12 =	vld.idx.msk [tilespmem:v14+s2+$0x0], $0xffff  }
0x138: {  	v13 =	vor.u32 $0x2, v11  }
0x139: {  	v14 =	vadd.s32 v4, v16;
	_ =	sdelay $0x3  }
0x13a: {  	[tilespmem:v13+s1+$0x0] =	vst.idx.msk $0xffff, v12  }
0x13b: {  	v12 =	vld.idx.msk [tilespmem:v14+s2+$0x0], $0xffff  }
0x13c: {  	v13 =	vor.u32 $0x3, v11  }
0x13d: {  	v14 =	vadd.s32 v5, v16;
	_ =	sdelay $0x3  }
0x13e: {  	[tilespmem:v13+s1+$0x0] =	vst.idx.msk $0xffff, v12  }
0x13f: {  	v12 =	vld.idx.msk [tilespmem:v14+s2+$0x0], $0xffff  }
0x140: {  	v13 =	vor.u32 $0x4, v11  }
0x141: {  	v14 =	vadd.s32 v6, v16;
	_ =	sdelay $0x3  }
0x142: {  	[tilespmem:v13+s1+$0x0] =	vst.idx.msk $0xffff, v12  }
0x143: {  	v12 =	vld.idx.msk [tilespmem:v14+s2+$0x0], $0xffff  }
0x144: {  	v13 =	vor.u32 $0x5, v11  }
0x145: {  	v14 =	vadd.s32 v7, v16;
	_ =	sdelay $0x3  }
0x146: {  	[tilespmem:v13+s1+$0x0] =	vst.idx.msk $0xffff, v12  }
0x147: {  	v12 =	vld.idx.msk [tilespmem:v14+s2+$0x0], $0xffff  }
0x148: {  	v13 =	vor.u32 $0x6, v11  }
0x149: {  	v14 =	vadd.s32 v8, v16;
	_ =	sdelay $0x3  }
0x14a: {  	[tilespmem:v13+s1+$0x0] =	vst.idx.msk $0xffff, v12  }
0x14b: {  	v12 =	vld.idx.msk [tilespmem:v14+s2+$0x0], $0xffff  }
0x14c: {  	v13 =	vor.u32 $0x7, v11  }
0x14d: {  	v14 =	vadd.s32 v9, v16;
	_ =	sdelay $0x3  }
0x14e: {  	[tilespmem:v13+s1+$0x0] =	vst.idx.msk $0xffff, v12  }
0x14f: {  	v13 =	vld.idx.msk [tilespmem:v14+s2+$0x0], $0xffff  }
.Ltmp0:
0x150: {  	v15 =	vor.u32 $0x8, v11;
	(pc) =	sbr.rel @p0 .LBB2_2-.Ltmp0, $2  }
0x151: {  	v14 =	vadd.s32 v10, v16;
	_ =	sdelay $0x2  }
0x152: {  	v12 =	vor.u32 s21, v0;
	s21 =	sadd.s32 $0x10, s21  }
0x153: {  	_ =	sdelay $0x2  }
0x154: {  	v16 =	vshrl.u32 v12, $0x3  }
0x155: {  	[tilespmem:v15+s1+$0x0] =	vst.idx.msk $0xffff, v13;
	v13 =	vmul.u32 $0x1400, v16  }
0x156: {  	v11 =	vor.u32 $0x9, v11;
	v14 =	vld.idx.msk [tilespmem:v14+s2+$0x0], $0xffff  }
0x157: {  	v15 =	vor.u32 v1, v13;
	_ =	sdelay $0x3  }
0x158: {  	[tilespmem:v11+s1+$0x0] =	vst.idx.msk $0xffff, v14  }
0x159: {  	v12 =	vshll.u32 v12, $0x7;
	v11 =	vld.idx.msk [tilespmem:v15+s2+$0x0], $0xffff  }
0x15a: {  	v14 =	vadd.s32 v2, v13;
	_ =	sdelay $0x3  }
0x15b: {  	[tilespmem:v12+s1+$0x0] =	vst.idx.msk $0xffff, v11  }
0x15c: {  	v11 =	vld.idx.msk [tilespmem:v14+s2+$0x0], $0xffff;
	v14 =	vor.u32 $0x1, v12  }
0x15d: {  	v15 =	vadd.s32 v3, v13;
	_ =	sdelay $0x3  }
0x15e: {  	[tilespmem:v14+s1+$0x0] =	vst.idx.msk $0xffff, v11  }
0x15f: {  	v14 =	vor.u32 $0x2, v12;
	v11 =	vld.idx.msk [tilespmem:v15+s2+$0x0], $0xffff  }
0x160: {  	v15 =	vadd.s32 v4, v13;
	_ =	sdelay $0x3  }
0x161: {  	[tilespmem:v14+s1+$0x0] =	vst.idx.msk $0xffff, v11  }
0x162: {  	v14 =	vor.u32 $0x3, v12;
	v11 =	vld.idx.msk [tilespmem:v15+s2+$0x0], $0xffff  }
0x163: {  	v15 =	vadd.s32 v5, v13;
	_ =	sdelay $0x3  }
0x164: {  	[tilespmem:v14+s1+$0x0] =	vst.idx.msk $0xffff, v11  }
0x165: {  	v14 =	vor.u32 $0x4, v12;
	v11 =	vld.idx.msk [tilespmem:v15+s2+$0x0], $0xffff  }
0x166: {  	v15 =	vadd.s32 v6, v13;
	_ =	sdelay $0x3  }
0x167: {  	[tilespmem:v14+s1+$0x0] =	vst.idx.msk $0xffff, v11  }
0x168: {  	v14 =	vor.u32 $0x5, v12;
	v11 =	vld.idx.msk [tilespmem:v15+s2+$0x0], $0xffff  }
0x169: {  	v15 =	vadd.s32 v7, v13;
	_ =	sdelay $0x3  }
0x16a: {  	[tilespmem:v14+s1+$0x0] =	vst.idx.msk $0xffff, v11  }
0x16b: {  	v14 =	vor.u32 $0x6, v12;
	v11 =	vld.idx.msk [tilespmem:v15+s2+$0x0], $0xffff  }
0x16c: {  	v15 =	vadd.s32 v8, v13;
	_ =	sdelay $0x3  }
0x16d: {  	[tilespmem:v14+s1+$0x0] =	vst.idx.msk $0xffff, v11  }
0x16e: {  	v14 =	vor.u32 $0x7, v12;
	v11 =	vld.idx.msk [tilespmem:v15+s2+$0x0], $0xffff  }
0x16f: {  	v15 =	vadd.s32 v9, v13;
	_ =	sdelay $0x3  }
0x170: {  	[tilespmem:v14+s1+$0x0] =	vst.idx.msk $0xffff, v11  }
0x171: {  	v14 =	vor.u32 $0x8, v12;
	v11 =	vld.idx.msk [tilespmem:v15+s2+$0x0], $0xffff  }
0x172: {  	v13 =	vadd.s32 v10, v13;
	_ =	sdelay $0x3  }
0x173: {  	[tilespmem:v14+s1+$0x0] =	vst.idx.msk $0xffff, v11  }
0x174: {  	v12 =	vor.u32 $0x9, v12;
	v11 =	vld.idx.msk [tilespmem:v13+s2+$0x0], $0xffff;
	_ =	sdelay $0x2  }
0x175: {  	s3 =	sld [smem:$0x7F8];
	_ =	sdelay $0x1  }
0x176: {  	s21 =	simm.s32 $0x0;
	[tilespmem:v12+s1+$0x0] =	vst.idx.msk $0xffff, v11  }
0x177: {  	[hbm4b:s3+s21] =	stream.linear.scatter [tilespmem:s1], [sflag:$0x2], $0x2000, $0x38;
	[tilespmem:$0x18000] =	vst v63  }
0x178: {  	_ = 	snop  }
0x179: {  	[tilespmem:s21], [sflag:$0x1] =	stream.linear.gather [hbm4b:s13+s21], $0x400, $0x38;
	[tilespmem:$0x18000] =	vst v63  }
0x17a: {  	s4 =	sadd.s32 $0x400, s13;
	s22 =	simm.s32 $0x1400  }
0x17b: {  	[tilespmem:s22], [sflag:$0x1] =	stream.linear.gather [hbm4b:s4+s21], $0x400, $0x38;
	[tilespmem:$0x18000] =	vst v63  }
0x17c: {  	s23 =	sadd.s32 $0x800, s13;
	s22 =	simm.s32 $0x2800  }
0x17d: {  	[tilespmem:s22], [sflag:$0x1] =	stream.linear.gather [hbm4b:s23+s21], $0x400, $0x38;
	[tilespmem:$0x18000] =	vst v63  }
0x17e: {  	s4 =	sadd.s32 $0xC00, s13;
	s23 =	simm.s32 $0x3C00  }
0x17f: {  	[tilespmem:s23], [sflag:$0x1] =	stream.linear.gather [hbm4b:s4+s21], $0x400, $0x38;
	[tilespmem:$0x18000] =	vst v63  }
0x180: {  	s4 =	sadd.s32 $0x1000, s13;
	s23 =	simm.s32 $0x5000  }
0x181: {  	[tilespmem:s23], [sflag:$0x1] =	stream.linear.gather [hbm4b:s4+s21], $0x400, $0x38;
	[tilespmem:$0x18000] =	vst v63  }
0x182: {  	s3 =	sadd.s32 $0x1400, s13;
	s4 =	simm.s32 $0x6400  }
0x183: {  	[tilespmem:s4], [sflag:$0x1] =	stream.linear.gather [hbm4b:s3+s21], $0x400, $0x38;
	[tilespmem:$0x18000] =	vst v63  }
0x184: {  	s3 =	sadd.s32 $0x1800, s13;
	s4 =	simm.s32 $0x7800  }
0x185: {  	[tilespmem:s4], [sflag:$0x1] =	stream.linear.gather [hbm4b:s3+s21], $0x400, $0x38;
	[tilespmem:$0x18000] =	vst v63  }
0x186: {  	s3 =	sadd.s32 $0x1C00, s13;
	s4 =	simm.s32 $0x8C00  }
0x187: {  	[tilespmem:s4], [sflag:$0x1] =	stream.linear.gather [hbm4b:s3+s21], $0x400, $0x38;
	[tilespmem:$0x18000] =	vst v63  }
0x188: {  	s4 =	simm.s32 $0x400  }
0x189: {  	[tilespmem:s4], [sflag:$0x1] =	stream.linear.gather [hbm4b:s14+s21], $0x400, $0x38;
	[tilespmem:$0x18000] =	vst v63  }
0x18a: {  	s3 =	sadd.s32 $0x400, s14;
	s4 =	simm.s32 $0x1800  }
0x18b: {  	[tilespmem:s4], [sflag:$0x1] =	stream.linear.gather [hbm4b:s3+s21], $0x400, $0x38;
	[tilespmem:$0x18000] =	vst v63  }
0x18c: {  	s3 =	sadd.s32 $0x800, s14;
	s4 =	simm.s32 $0x2C00  }
0x18d: {  	[tilespmem:s4], [sflag:$0x1] =	stream.linear.gather [hbm4b:s3+s21], $0x400, $0x38;
	[tilespmem:$0x18000] =	vst v63  }
0x18e: {  	s3 =	sadd.s32 $0xC00, s14;
	s4 =	simm.s32 $0x4000  }
0x18f: {  	[tilespmem:s4], [sflag:$0x1] =	stream.linear.gather [hbm4b:s3+s21], $0x400, $0x38;
	[tilespmem:$0x18000] =	vst v63  }
0x190: {  	s3 =	sadd.s32 $0x1000, s14;
	s4 =	simm.s32 $0x5400  }
0x191: {  	[tilespmem:s4], [sflag:$0x1] =	stream.linear.gather [hbm4b:s3+s21], $0x400, $0x38;
	[tilespmem:$0x18000] =	vst v63  }
0x192: {  	s3 =	sadd.s32 $0x1400, s14;
	s4 =	simm.s32 $0x6800  }
0x193: {  	[tilespmem:s4], [sflag:$0x1] =	stream.linear.gather [hbm4b:s3+s21], $0x400, $0x38;
	[tilespmem:$0x18000] =	vst v63  }
0x194: {  	s3 =	sadd.s32 $0x1800, s14;
	s4 =	simm.s32 $0x7C00  }
0x195: {  	[tilespmem:s4], [sflag:$0x1] =	stream.linear.gather [hbm4b:s3+s21], $0x400, $0x38;
	[tilespmem:$0x18000] =	vst v63  }
0x196: {  	s3 =	sadd.s32 $0x1C00, s14;
	s4 =	simm.s32 $0x9000  }
0x197: {  	[tilespmem:s4], [sflag:$0x1] =	stream.linear.gather [hbm4b:s3+s21], $0x400, $0x38;
	[tilespmem:$0x18000] =	vst v63  }
0x198: {  	s4 =	simm.s32 $0x800  }
0x199: {  	[tilespmem:s4], [sflag:$0x1] =	stream.linear.gather [hbm4b:s15+s21], $0x400, $0x38;
	[tilespmem:$0x18000] =	vst v63  }
0x19a: {  	s3 =	sadd.s32 $0x400, s15;
	s4 =	simm.s32 $0x1C00  }
0x19b: {  	[tilespmem:s4], [sflag:$0x1] =	stream.linear.gather [hbm4b:s3+s21], $0x400, $0x38;
	[tilespmem:$0x18000] =	vst v63  }
0x19c: {  	s3 =	sadd.s32 $0x800, s15;
	s4 =	simm.s32 $0x3000  }
0x19d: {  	[tilespmem:s4], [sflag:$0x1] =	stream.linear.gather [hbm4b:s3+s21], $0x400, $0x38;
	[tilespmem:$0x18000] =	vst v63  }
0x19e: {  	s3 =	sadd.s32 $0xC00, s15;
	s4 =	simm.s32 $0x4400  }
0x19f: {  	[tilespmem:s4], [sflag:$0x1] =	stream.linear.gather [hbm4b:s3+s21], $0x400, $0x38;
	[tilespmem:$0x18000] =	vst v63  }
0x1a0: {  	s3 =	sadd.s32 $0x1000, s15;
	s4 =	simm.s32 $0x5800  }
0x1a1: {  	[tilespmem:s4], [sflag:$0x1] =	stream.linear.gather [hbm4b:s3+s21], $0x400, $0x38;
	[tilespmem:$0x18000] =	vst v63  }
0x1a2: {  	s3 =	sadd.s32 $0x1400, s15;
	s4 =	simm.s32 $0x6C00  }
0x1a3: {  	[tilespmem:s4], [sflag:$0x1] =	stream.linear.gather [hbm4b:s3+s21], $0x400, $0x38;
	[tilespmem:$0x18000] =	vst v63  }
0x1a4: {  	s3 =	sadd.s32 $0x1800, s15;
	s4 =	simm.s32 $0x8000  }
0x1a5: {  	[tilespmem:s4], [sflag:$0x1] =	stream.linear.gather [hbm4b:s3+s21], $0x400, $0x38;
	[tilespmem:$0x18000] =	vst v63  }
0x1a6: {  	s3 =	sadd.s32 $0x1C00, s15;
	s4 =	simm.s32 $0x9400  }
0x1a7: {  	[tilespmem:s4], [sflag:$0x1] =	stream.linear.gather [hbm4b:s3+s21], $0x400, $0x38;
	[tilespmem:$0x18000] =	vst v63  }
0x1a8: {  	s4 =	simm.s32 $0xC00  }
0x1a9: {  	[tilespmem:s4], [sflag:$0x1] =	stream.linear.gather [hbm4b:s16+s21], $0x400, $0x38;
	[tilespmem:$0x18000] =	vst v63  }
0x1aa: {  	s3 =	sadd.s32 $0x400, s16;
	s4 =	simm.s32 $0x2000  }
0x1ab: {  	[tilespmem:s4], [sflag:$0x1] =	stream.linear.gather [hbm4b:s3+s21], $0x400, $0x38;
	[tilespmem:$0x18000] =	vst v63  }
0x1ac: {  	s4 =	sadd.s32 $0x800, s16  }
0x1ad: {  	[tilespmem:s24], [sflag:$0x1] =	stream.linear.gather [hbm4b:s4+s21], $0x400, $0x38;
	[tilespmem:$0x18000] =	vst v63  }
0x1ae: {  	s4 =	sadd.s32 $0xC00, s16  }
0x1af: {  	[tilespmem:s5], [sflag:$0x1] =	stream.linear.gather [hbm4b:s4+s21], $0x400, $0x38;
	[tilespmem:$0x18000] =	vst v63  }
0x1b0: {  	s4 =	sadd.s32 $0x1000, s16  }
0x1b1: {  	[tilespmem:s25], [sflag:$0x1] =	stream.linear.gather [hbm4b:s4+s21], $0x400, $0x38;
	[tilespmem:$0x18000] =	vst v63  }
0x1b2: {  	s4 =	sadd.s32 $0x1400, s16  }
0x1b3: {  	[tilespmem:s6], [sflag:$0x1] =	stream.linear.gather [hbm4b:s4+s21], $0x400, $0x38;
	[tilespmem:$0x18000] =	vst v63  }
0x1b4: {  	s4 =	sadd.s32 $0x1800, s16  }
0x1b5: {  	[tilespmem:s26], [sflag:$0x1] =	stream.linear.gather [hbm4b:s4+s21], $0x400, $0x38;
	[tilespmem:$0x18000] =	vst v63  }
0x1b6: {  	s4 =	sadd.s32 $0x1C00, s16  }
0x1b7: {  	[tilespmem:s7], [sflag:$0x1] =	stream.linear.gather [hbm4b:s4+s21], $0x400, $0x38;
	[tilespmem:$0x18000] =	vst v63  }
0x1b8: {  	_ = 	snop  }
0x1b9: {  	[tilespmem:s28], [sflag:$0x1] =	stream.linear.gather [hbm4b:s17+s21], $0x400, $0x38;
	[tilespmem:$0x18000] =	vst v63  }
0x1ba: {  	s4 =	sadd.s32 $0x400, s17  }
0x1bb: {  	[tilespmem:s8], [sflag:$0x1] =	stream.linear.gather [hbm4b:s4+s21], $0x400, $0x38;
	[tilespmem:$0x18000] =	vst v63  }
0x1bc: {  	s4 =	sadd.s32 $0x800, s17  }
0x1bd: {  	[tilespmem:s29], [sflag:$0x1] =	stream.linear.gather [hbm4b:s4+s21], $0x400, $0x38;
	[tilespmem:$0x18000] =	vst v63  }
0x1be: {  	s4 =	sadd.s32 $0xC00, s17  }
0x1bf: {  	[tilespmem:s9], [sflag:$0x1] =	stream.linear.gather [hbm4b:s4+s21], $0x400, $0x38;
	[tilespmem:$0x18000] =	vst v63  }
0x1c0: {  	s4 =	sadd.s32 $0x1000, s17  }
0x1c1: {  	[tilespmem:s30], [sflag:$0x1] =	stream.linear.gather [hbm4b:s4+s21], $0x400, $0x38;
	[tilespmem:$0x18000] =	vst v63  }
0x1c2: {  	s4 =	sadd.s32 $0x1400, s17  }
0x1c3: {  	[tilespmem:s10], [sflag:$0x1] =	stream.linear.gather [hbm4b:s4+s21], $0x400, $0x38;
	[tilespmem:$0x18000] =	vst v63  }
0x1c4: {  	s4 =	sadd.s32 $0x1800, s17  }
0x1c5: {  	[tilespmem:s12], [sflag:$0x1] =	stream.linear.gather [hbm4b:s4+s21], $0x400, $0x38;
	[tilespmem:$0x18000] =	vst v63  }
0x1c6: {  	s4 =	sadd.s32 $0x1C00, s17  }
0x1c7: {  	[tilespmem:s11], [sflag:$0x1] =	stream.linear.gather [hbm4b:s4+s21], $0x400, $0x38;
	[tilespmem:$0x18000] =	vst v63  }
0x1c8: {  	_ =	swait.ge [sflag:s18], $0x2000  }
0x1c9: {  	[sflag:s18] =	ssyncset.done $0x0  }
0x1ca: {  	[sflag:s18] =	ssyncadd.s32 $0xFFFFE000  }
0x1cb: {  	_ =	swait.ge [sflag:s18], $0x2000  }
0x1cc: {  	[sflag:s18] =	ssyncset.done $0x0  }
0x1cd: {  	[sflag:s18] =	ssyncadd.s32 $0xFFFFE000  }
0x1ce: {  	v11 =	vor.u32 s21, v0;
	_ =	swait.ge [sflag:s18], $0x2000  }
0x1cf: {  	v12 =	vshrl.u32 v11, $0x3;
	[sflag:s18] =	ssyncset.done $0x0  }
0x1d0: {  	v12 =	vmul.u32 $0x1400, v12;
	[sflag:s18] =	ssyncadd.s32 $0xFFFFE000  }
0x1d1: {  	_ =	swait.ge [sflag:s18], $0x2000  }
0x1d2: {  	v13 =	vor.u32 v1, v12;
	[sflag:s18] =	ssyncset.done $0x0  }
0x1d3: {  	[sflag:s18] =	ssyncadd.s32 $0xFFFFE000  }
0x1d4: {  	_ =	swait.ge [sflag:s18], $0x2000  }
0x1d5: {  	[sflag:s18] =	ssyncset.done $0x0  }
0x1d6: {  	[sflag:s18] =	ssyncadd.s32 $0xFFFFE000  }
0x1d7: {  	v11 =	vshll.u32 v11, $0x7;
	v13 =	vld.idx.msk [tilespmem:v13+s31+$0x0], $0xffff  }
0x1d8: {  	v14 =	vadd.s32 v2, v12;
	_ =	sdelay $0x3  }
0x1d9: {  	[tilespmem:v11+s19+$0x0] =	vst.idx.msk $0xffff, v13  }
0x1da: {  	v13 =	vld.idx.msk [tilespmem:v14+s31+$0x0], $0xffff;
	v14 =	vor.u32 $0x1, v11  }
0x1db: {  	v15 =	vadd.s32 v3, v12;
	_ =	sdelay $0x3  }
0x1dc: {  	[tilespmem:v14+s19+$0x0] =	vst.idx.msk $0xffff, v13  }
0x1dd: {  	v14 =	vor.u32 $0x2, v11;
	v13 =	vld.idx.msk [tilespmem:v15+s31+$0x0], $0xffff  }
0x1de: {  	v15 =	vadd.s32 v4, v12;
	_ =	sdelay $0x3  }
0x1df: {  	[tilespmem:v14+s19+$0x0] =	vst.idx.msk $0xffff, v13  }
0x1e0: {  	v14 =	vor.u32 $0x3, v11;
	v13 =	vld.idx.msk [tilespmem:v15+s31+$0x0], $0xffff  }
0x1e1: {  	v15 =	vadd.s32 v5, v12;
	_ =	sdelay $0x3  }
0x1e2: {  	[tilespmem:v14+s19+$0x0] =	vst.idx.msk $0xffff, v13  }
0x1e3: {  	v14 =	vor.u32 $0x4, v11;
	v13 =	vld.idx.msk [tilespmem:v15+s31+$0x0], $0xffff  }
0x1e4: {  	v15 =	vadd.s32 v6, v12;
	_ =	sdelay $0x3  }
0x1e5: {  	[tilespmem:v14+s19+$0x0] =	vst.idx.msk $0xffff, v13  }
0x1e6: {  	v14 =	vor.u32 $0x5, v11;
	v13 =	vld.idx.msk [tilespmem:v15+s31+$0x0], $0xffff  }
0x1e7: {  	v15 =	vadd.s32 v7, v12;
	_ =	sdelay $0x3  }
0x1e8: {  	[tilespmem:v14+s19+$0x0] =	vst.idx.msk $0xffff, v13  }
0x1e9: {  	v14 =	vor.u32 $0x6, v11;
	v13 =	vld.idx.msk [tilespmem:v15+s31+$0x0], $0xffff  }
0x1ea: {  	v15 =	vadd.s32 v8, v12;
	_ =	sdelay $0x3  }
0x1eb: {  	[tilespmem:v14+s19+$0x0] =	vst.idx.msk $0xffff, v13  }
0x1ec: {  	v14 =	vor.u32 $0x7, v11;
	v13 =	vld.idx.msk [tilespmem:v15+s31+$0x0], $0xffff  }
0x1ed: {  	v15 =	vadd.s32 v9, v12;
	_ =	sdelay $0x3  }
0x1ee: {  	[tilespmem:v14+s19+$0x0] =	vst.idx.msk $0xffff, v13  }
0x1ef: {  	v13 =	vld.idx.msk [tilespmem:v15+s31+$0x0], $0xffff;
	v15 =	vor.u32 $0x8, v11  }
0x1f0: {  	v14 =	vadd.s32 v10, v12;
	_ =	sdelay $0x1  }
0x1f1: {  	s21 =	simm.s32 $0x10  }
0x1f2: {  	v12 =	vor.u32 s21, v0;
	s21 =	simm.s32 $0x20  }
.LBB2_4:
0x1f3: {  	p0 =	sne.s32 s21, $0x30;
	v16 =	vshrl.u32 v12, $0x3;
	[tilespmem:v15+s19+$0x0] =	vst.idx.msk $0xffff, v13  }
0x1f4: {  	v16 =	vmul.u32 $0x1400, v16;
	v13 =	vld.idx.msk [tilespmem:v14+s31+$0x0], $0xffff  }
0x1f5: {  	v11 =	vor.u32 $0x9, v11  }
0x1f6: {  	v14 =	vor.u32 v1, v16;
	_ =	sdelay $0x3  }
0x1f7: {  	[tilespmem:v11+s19+$0x0] =	vst.idx.msk $0xffff, v13  }
0x1f8: {  	v13 =	vld.idx.msk [tilespmem:v14+s31+$0x0], $0xffff  }
0x1f9: {  	v11 =	vshll.u32 v12, $0x7  }
0x1fa: {  	v12 =	vadd.s32 v2, v16;
	_ =	sdelay $0x3  }
0x1fb: {  	[tilespmem:v11+s19+$0x0] =	vst.idx.msk $0xffff, v13  }
0x1fc: {  	v12 =	vld.idx.msk [tilespmem:v12+s31+$0x0], $0xffff  }
0x1fd: {  	v13 =	vor.u32 $0x1, v11  }
0x1fe: {  	v14 =	vadd.s32 v3, v16;
	_ =	sdelay $0x3  }
0x1ff: {  	[tilespmem:v13+s19+$0x0] =	vst.idx.msk $0xffff, v12  }
0x200: {  	v12 =	vld.idx.msk [tilespmem:v14+s31+$0x0], $0xffff  }
0x201: {  	v13 =	vor.u32 $0x2, v11  }
0x202: {  	v14 =	vadd.s32 v4, v16;
	_ =	sdelay $0x3  }
0x203: {  	[tilespmem:v13+s19+$0x0] =	vst.idx.msk $0xffff, v12  }
0x204: {  	v12 =	vld.idx.msk [tilespmem:v14+s31+$0x0], $0xffff  }
0x205: {  	v13 =	vor.u32 $0x3, v11  }
0x206: {  	v14 =	vadd.s32 v5, v16;
	_ =	sdelay $0x3  }
0x207: {  	[tilespmem:v13+s19+$0x0] =	vst.idx.msk $0xffff, v12  }
0x208: {  	v12 =	vld.idx.msk [tilespmem:v14+s31+$0x0], $0xffff  }
0x209: {  	v13 =	vor.u32 $0x4, v11  }
0x20a: {  	v14 =	vadd.s32 v6, v16;
	_ =	sdelay $0x3  }
0x20b: {  	[tilespmem:v13+s19+$0x0] =	vst.idx.msk $0xffff, v12  }
0x20c: {  	v12 =	vld.idx.msk [tilespmem:v14+s31+$0x0], $0xffff  }
0x20d: {  	v13 =	vor.u32 $0x5, v11  }
0x20e: {  	v14 =	vadd.s32 v7, v16;
	_ =	sdelay $0x3  }
0x20f: {  	[tilespmem:v13+s19+$0x0] =	vst.idx.msk $0xffff, v12  }
0x210: {  	v12 =	vld.idx.msk [tilespmem:v14+s31+$0x0], $0xffff  }
0x211: {  	v13 =	vor.u32 $0x6, v11  }
0x212: {  	v14 =	vadd.s32 v8, v16;
	_ =	sdelay $0x3  }
0x213: {  	[tilespmem:v13+s19+$0x0] =	vst.idx.msk $0xffff, v12  }
0x214: {  	v12 =	vld.idx.msk [tilespmem:v14+s31+$0x0], $0xffff  }
0x215: {  	v13 =	vor.u32 $0x7, v11  }
0x216: {  	v14 =	vadd.s32 v9, v16;
	_ =	sdelay $0x3  }
0x217: {  	[tilespmem:v13+s19+$0x0] =	vst.idx.msk $0xffff, v12  }
0x218: {  	v13 =	vld.idx.msk [tilespmem:v14+s31+$0x0], $0xffff  }
.Ltmp1:
0x219: {  	v15 =	vor.u32 $0x8, v11;
	(pc) =	sbr.rel @p0 .LBB2_4-.Ltmp1, $2  }
0x21a: {  	v14 =	vadd.s32 v10, v16;
	_ =	sdelay $0x2  }
0x21b: {  	v12 =	vor.u32 s21, v0;
	s21 =	sadd.s32 $0x10, s21  }
0x21c: {  	_ =	sdelay $0x2  }
0x21d: {  	v16 =	vshrl.u32 v12, $0x3  }
0x21e: {  	[tilespmem:v15+s19+$0x0] =	vst.idx.msk $0xffff, v13;
	v13 =	vmul.u32 $0x1400, v16  }
0x21f: {  	v11 =	vor.u32 $0x9, v11;
	v14 =	vld.idx.msk [tilespmem:v14+s31+$0x0], $0xffff  }
0x220: {  	v15 =	vor.u32 v1, v13;
	_ =	sdelay $0x3  }
0x221: {  	[tilespmem:v11+s19+$0x0] =	vst.idx.msk $0xffff, v14  }
0x222: {  	v12 =	vshll.u32 v12, $0x7;
	v11 =	vld.idx.msk [tilespmem:v15+s31+$0x0], $0xffff  }
0x223: {  	v14 =	vadd.s32 v2, v13;
	_ =	sdelay $0x3  }
0x224: {  	[tilespmem:v12+s19+$0x0] =	vst.idx.msk $0xffff, v11  }
0x225: {  	v11 =	vld.idx.msk [tilespmem:v14+s31+$0x0], $0xffff;
	v14 =	vor.u32 $0x1, v12  }
0x226: {  	v15 =	vadd.s32 v3, v13;
	_ =	sdelay $0x3  }
0x227: {  	[tilespmem:v14+s19+$0x0] =	vst.idx.msk $0xffff, v11  }
0x228: {  	v14 =	vor.u32 $0x2, v12;
	v11 =	vld.idx.msk [tilespmem:v15+s31+$0x0], $0xffff  }
0x229: {  	v15 =	vadd.s32 v4, v13;
	_ =	sdelay $0x3  }
0x22a: {  	[tilespmem:v14+s19+$0x0] =	vst.idx.msk $0xffff, v11  }
0x22b: {  	v14 =	vor.u32 $0x3, v12;
	v11 =	vld.idx.msk [tilespmem:v15+s31+$0x0], $0xffff  }
0x22c: {  	v15 =	vadd.s32 v5, v13;
	_ =	sdelay $0x3  }
0x22d: {  	[tilespmem:v14+s19+$0x0] =	vst.idx.msk $0xffff, v11  }
0x22e: {  	v14 =	vor.u32 $0x4, v12;
	v11 =	vld.idx.msk [tilespmem:v15+s31+$0x0], $0xffff  }
0x22f: {  	v15 =	vadd.s32 v6, v13;
	_ =	sdelay $0x3  }
0x230: {  	[tilespmem:v14+s19+$0x0] =	vst.idx.msk $0xffff, v11  }
0x231: {  	v14 =	vor.u32 $0x5, v12;
	v11 =	vld.idx.msk [tilespmem:v15+s31+$0x0], $0xffff  }
0x232: {  	v15 =	vadd.s32 v7, v13;
	_ =	sdelay $0x3  }
0x233: {  	[tilespmem:v14+s19+$0x0] =	vst.idx.msk $0xffff, v11  }
0x234: {  	v14 =	vor.u32 $0x6, v12;
	v11 =	vld.idx.msk [tilespmem:v15+s31+$0x0], $0xffff  }
0x235: {  	v15 =	vadd.s32 v8, v13;
	_ =	sdelay $0x3  }
0x236: {  	[tilespmem:v14+s19+$0x0] =	vst.idx.msk $0xffff, v11  }
0x237: {  	v14 =	vor.u32 $0x7, v12;
	v11 =	vld.idx.msk [tilespmem:v15+s31+$0x0], $0xffff  }
0x238: {  	v15 =	vadd.s32 v9, v13;
	_ =	sdelay $0x3  }
0x239: {  	[tilespmem:v14+s19+$0x0] =	vst.idx.msk $0xffff, v11  }
0x23a: {  	v14 =	vor.u32 $0x8, v12;
	v11 =	vld.idx.msk [tilespmem:v15+s31+$0x0], $0xffff  }
0x23b: {  	v13 =	vadd.s32 v10, v13;
	_ =	sdelay $0x3  }
0x23c: {  	[tilespmem:v14+s19+$0x0] =	vst.idx.msk $0xffff, v11  }
0x23d: {  	v12 =	vor.u32 $0x9, v12;
	v11 =	vld.idx.msk [tilespmem:v13+s31+$0x0], $0xffff;
	_ =	sdelay $0x4  }
0x23e: {  	s3 =	simm.s32 $0x0;
	s21 =	rddreg [dreg:$0xc];
	[tilespmem:v12+s19+$0x0] =	vst.idx.msk $0xffff, v11  }
0x23f: {  	[hbm4b:s21+s3] =	stream.linear.scatter [tilespmem:s19], [sflag:$0x2], $0x2000, $0x38;
	[tilespmem:$0x18000] =	vst v63  }
0x240: {  	_ =	swait.ge [sflag:s18], $0x2000  }
0x241: {  	[sflag:s18] =	ssyncset.done $0x0  }
0x242: {  	[sflag:s18] =	ssyncadd.s32 $0xFFFFE000  }
0x243: {  	_ =	swait.ge [sflag:s18], $0x2000  }
0x244: {  	[sflag:s18] =	ssyncset.done $0x0  }
0x245: {  	[sflag:s18] =	ssyncadd.s32 $0xFFFFE000  }
0x246: {  	_ =	swait.ge [sflag:s18], $0x2000  }
0x247: {  	[sflag:s18] =	ssyncset.done $0x0  }
0x248: {  	[sflag:s18] =	ssyncadd.s32 $0xFFFFE000  }
0x249: {  	v11 =	vor.u32 s3, v0;
	_ =	swait.ge [sflag:s18], $0x2000  }
0x24a: {  	v12 =	vshrl.u32 v11, $0x3;
	[sflag:s18] =	ssyncset.done $0x0  }
0x24b: {  	v12 =	vmul.u32 $0x1400, v12;
	[sflag:s18] =	ssyncadd.s32 $0xFFFFE000  }
0x24c: {  	_ =	swait.ge [sflag:s18], $0x2000  }
0x24d: {  	v13 =	vor.u32 v1, v12;
	[sflag:s18] =	ssyncset.done $0x0  }
0x24e: {  	[sflag:s18] =	ssyncadd.s32 $0xFFFFE000  }
0x24f: {  	_ =	swait.ge [sflag:s20], $0x2000  }
0x250: {  	[sflag:s20] =	ssyncset.done $0x0  }
0x251: {  	[sflag:s20] =	ssyncadd.s32 $0xFFFFE000  }
0x252: {  	v11 =	vshll.u32 v11, $0x7;
	v13 =	vld.idx.msk [tilespmem:v13+s2+$0x0], $0xffff  }
0x253: {  	v14 =	vadd.s32 v2, v12;
	_ =	sdelay $0x3  }
0x254: {  	[tilespmem:v11+s1+$0x0] =	vst.idx.msk $0xffff, v13  }
0x255: {  	v13 =	vld.idx.msk [tilespmem:v14+s2+$0x0], $0xffff;
	v14 =	vor.u32 $0x1, v11  }
0x256: {  	v15 =	vadd.s32 v3, v12;
	_ =	sdelay $0x3  }
0x257: {  	[tilespmem:v14+s1+$0x0] =	vst.idx.msk $0xffff, v13  }
0x258: {  	v14 =	vor.u32 $0x2, v11;
	v13 =	vld.idx.msk [tilespmem:v15+s2+$0x0], $0xffff  }
0x259: {  	v15 =	vadd.s32 v4, v12;
	_ =	sdelay $0x3  }
0x25a: {  	[tilespmem:v14+s1+$0x0] =	vst.idx.msk $0xffff, v13  }
0x25b: {  	v14 =	vor.u32 $0x3, v11;
	v13 =	vld.idx.msk [tilespmem:v15+s2+$0x0], $0xffff  }
0x25c: {  	v15 =	vadd.s32 v5, v12;
	_ =	sdelay $0x3  }
0x25d: {  	[tilespmem:v14+s1+$0x0] =	vst.idx.msk $0xffff, v13  }
0x25e: {  	v14 =	vor.u32 $0x4, v11;
	v13 =	vld.idx.msk [tilespmem:v15+s2+$0x0], $0xffff  }
0x25f: {  	v15 =	vadd.s32 v6, v12;
	_ =	sdelay $0x3  }
0x260: {  	[tilespmem:v14+s1+$0x0] =	vst.idx.msk $0xffff, v13  }
0x261: {  	v14 =	vor.u32 $0x5, v11;
	v13 =	vld.idx.msk [tilespmem:v15+s2+$0x0], $0xffff  }
0x262: {  	v15 =	vadd.s32 v7, v12;
	_ =	sdelay $0x3  }
0x263: {  	[tilespmem:v14+s1+$0x0] =	vst.idx.msk $0xffff, v13  }
0x264: {  	v14 =	vor.u32 $0x6, v11;
	v13 =	vld.idx.msk [tilespmem:v15+s2+$0x0], $0xffff  }
0x265: {  	v15 =	vadd.s32 v8, v12;
	_ =	sdelay $0x3  }
0x266: {  	[tilespmem:v14+s1+$0x0] =	vst.idx.msk $0xffff, v13  }
0x267: {  	v14 =	vor.u32 $0x7, v11;
	v13 =	vld.idx.msk [tilespmem:v15+s2+$0x0], $0xffff  }
0x268: {  	v15 =	vadd.s32 v9, v12;
	_ =	sdelay $0x3  }
0x269: {  	[tilespmem:v14+s1+$0x0] =	vst.idx.msk $0xffff, v13  }
0x26a: {  	v13 =	vld.idx.msk [tilespmem:v15+s2+$0x0], $0xffff;
	v15 =	vor.u32 $0x8, v11  }
0x26b: {  	v14 =	vadd.s32 v10, v12;
	_ =	sdelay $0x1  }
0x26c: {  	s21 =	simm.s32 $0x10  }
0x26d: {  	v12 =	vor.u32 s21, v0;
	s21 =	simm.s32 $0x20  }
.LBB2_6:
0x26e: {  	p0 =	sne.s32 s21, $0x30;
	v16 =	vshrl.u32 v12, $0x3;
	[tilespmem:v15+s1+$0x0] =	vst.idx.msk $0xffff, v13  }
0x26f: {  	v16 =	vmul.u32 $0x1400, v16;
	v13 =	vld.idx.msk [tilespmem:v14+s2+$0x0], $0xffff  }
0x270: {  	v11 =	vor.u32 $0x9, v11  }
0x271: {  	v14 =	vor.u32 v1, v16;
	_ =	sdelay $0x3  }
0x272: {  	[tilespmem:v11+s1+$0x0] =	vst.idx.msk $0xffff, v13  }
0x273: {  	v13 =	vld.idx.msk [tilespmem:v14+s2+$0x0], $0xffff  }
0x274: {  	v11 =	vshll.u32 v12, $0x7  }
0x275: {  	v12 =	vadd.s32 v2, v16;
	_ =	sdelay $0x3  }
0x276: {  	[tilespmem:v11+s1+$0x0] =	vst.idx.msk $0xffff, v13  }
0x277: {  	v12 =	vld.idx.msk [tilespmem:v12+s2+$0x0], $0xffff  }
0x278: {  	v13 =	vor.u32 $0x1, v11  }
0x279: {  	v14 =	vadd.s32 v3, v16;
	_ =	sdelay $0x3  }
0x27a: {  	[tilespmem:v13+s1+$0x0] =	vst.idx.msk $0xffff, v12  }
0x27b: {  	v12 =	vld.idx.msk [tilespmem:v14+s2+$0x0], $0xffff  }
0x27c: {  	v13 =	vor.u32 $0x2, v11  }
0x27d: {  	v14 =	vadd.s32 v4, v16;
	_ =	sdelay $0x3  }
0x27e: {  	[tilespmem:v13+s1+$0x0] =	vst.idx.msk $0xffff, v12  }
0x27f: {  	v12 =	vld.idx.msk [tilespmem:v14+s2+$0x0], $0xffff  }
0x280: {  	v13 =	vor.u32 $0x3, v11  }
0x281: {  	v14 =	vadd.s32 v5, v16;
	_ =	sdelay $0x3  }
0x282: {  	[tilespmem:v13+s1+$0x0] =	vst.idx.msk $0xffff, v12  }
0x283: {  	v12 =	vld.idx.msk [tilespmem:v14+s2+$0x0], $0xffff  }
0x284: {  	v13 =	vor.u32 $0x4, v11  }
0x285: {  	v14 =	vadd.s32 v6, v16;
	_ =	sdelay $0x3  }
0x286: {  	[tilespmem:v13+s1+$0x0] =	vst.idx.msk $0xffff, v12  }
0x287: {  	v12 =	vld.idx.msk [tilespmem:v14+s2+$0x0], $0xffff  }
0x288: {  	v13 =	vor.u32 $0x5, v11  }
0x289: {  	v14 =	vadd.s32 v7, v16;
	_ =	sdelay $0x3  }
0x28a: {  	[tilespmem:v13+s1+$0x0] =	vst.idx.msk $0xffff, v12  }
0x28b: {  	v12 =	vld.idx.msk [tilespmem:v14+s2+$0x0], $0xffff  }
0x28c: {  	v13 =	vor.u32 $0x6, v11  }
0x28d: {  	v14 =	vadd.s32 v8, v16;
	_ =	sdelay $0x3  }
0x28e: {  	[tilespmem:v13+s1+$0x0] =	vst.idx.msk $0xffff, v12  }
0x28f: {  	v12 =	vld.idx.msk [tilespmem:v14+s2+$0x0], $0xffff  }
0x290: {  	v13 =	vor.u32 $0x7, v11  }
0x291: {  	v14 =	vadd.s32 v9, v16;
	_ =	sdelay $0x3  }
0x292: {  	[tilespmem:v13+s1+$0x0] =	vst.idx.msk $0xffff, v12  }
0x293: {  	v13 =	vld.idx.msk [tilespmem:v14+s2+$0x0], $0xffff  }
.Ltmp2:
0x294: {  	v15 =	vor.u32 $0x8, v11;
	(pc) =	sbr.rel @p0 .LBB2_6-.Ltmp2, $2  }
0x295: {  	v14 =	vadd.s32 v10, v16;
	_ =	sdelay $0x2  }
0x296: {  	v12 =	vor.u32 s21, v0;
	s21 =	sadd.s32 $0x10, s21  }
0x297: {  	_ =	sdelay $0x2  }
0x298: {  	v16 =	vshrl.u32 v12, $0x3  }
0x299: {  	[tilespmem:v15+s1+$0x0] =	vst.idx.msk $0xffff, v13;
	v45 =	vmul.u32 $0x1400, v16  }
0x29a: {  	v11 =	vor.u32 $0x9, v11;
	v14 =	vld.idx.msk [tilespmem:v14+s2+$0x0], $0xffff  }
0x29b: {  	v46 =	vor.u32 v1, v45;
	_ =	sdelay $0x3  }
0x29c: {  	[tilespmem:v11+s1+$0x0] =	vst.idx.msk $0xffff, v14  }
0x29d: {  	v47 =	vshll.u32 v12, $0x7;
	v11 =	vld.idx.msk [tilespmem:v46+s2+$0x0], $0xffff  }
0x29e: {  	v48 =	vadd.s32 v2, v45;
	_ =	sdelay $0x3  }
0x29f: {  	[tilespmem:v47+s1+$0x0] =	vst.idx.msk $0xffff, v11  }
0x2a0: {  	v49 =	vor.u32 $0x1, v47;
	v11 =	vld.idx.msk [tilespmem:v48+s2+$0x0], $0xffff  }
0x2a1: {  	v50 =	vadd.s32 v3, v45;
	_ =	sdelay $0x3  }
0x2a2: {  	[tilespmem:v49+s1+$0x0] =	vst.idx.msk $0xffff, v11  }
0x2a3: {  	v51 =	vor.u32 $0x2, v47;
	v11 =	vld.idx.msk [tilespmem:v50+s2+$0x0], $0xffff  }
0x2a4: {  	v52 =	vadd.s32 v4, v45;
	_ =	sdelay $0x3  }
0x2a5: {  	[tilespmem:v51+s1+$0x0] =	vst.idx.msk $0xffff, v11  }
0x2a6: {  	v53 =	vor.u32 $0x3, v47;
	v11 =	vld.idx.msk [tilespmem:v52+s2+$0x0], $0xffff  }
0x2a7: {  	v54 =	vadd.s32 v5, v45;
	_ =	sdelay $0x3  }
0x2a8: {  	[tilespmem:v53+s1+$0x0] =	vst.idx.msk $0xffff, v11  }
0x2a9: {  	v55 =	vor.u32 $0x4, v47;
	v11 =	vld.idx.msk [tilespmem:v54+s2+$0x0], $0xffff  }
0x2aa: {  	v56 =	vadd.s32 v6, v45;
	_ =	sdelay $0x3  }
0x2ab: {  	[tilespmem:v55+s1+$0x0] =	vst.idx.msk $0xffff, v11  }
0x2ac: {  	v57 =	vor.u32 $0x5, v47;
	v11 =	vld.idx.msk [tilespmem:v56+s2+$0x0], $0xffff  }
0x2ad: {  	v58 =	vadd.s32 v7, v45;
	_ =	sdelay $0x3  }
0x2ae: {  	[tilespmem:v57+s1+$0x0] =	vst.idx.msk $0xffff, v11  }
0x2af: {  	v59 =	vor.u32 $0x6, v47;
	v11 =	vld.idx.msk [tilespmem:v58+s2+$0x0], $0xffff  }
0x2b0: {  	v60 =	vadd.s32 v8, v45;
	_ =	sdelay $0x3  }
0x2b1: {  	[tilespmem:v59+s1+$0x0] =	vst.idx.msk $0xffff, v11  }
0x2b2: {  	v61 =	vor.u32 $0x7, v47;
	v11 =	vld.idx.msk [tilespmem:v60+s2+$0x0], $0xffff  }
0x2b3: {  	v62 =	vadd.s32 v9, v45;
	_ =	sdelay $0x3  }
0x2b4: {  	[tilespmem:v61+s1+$0x0] =	vst.idx.msk $0xffff, v11  }
0x2b5: {  	v63 =	vor.u32 $0x8, v47;
	v11 =	vld.idx.msk [tilespmem:v62+s2+$0x0], $0xffff  }
0x2b6: {  	v13 =	vadd.s32 v10, v45;
	_ =	sdelay $0x3  }
0x2b7: {  	[tilespmem:v63+s1+$0x0] =	vst.idx.msk $0xffff, v11  }
0x2b8: {  	v12 =	vor.u32 $0x9, v47;
	v11 =	vld.idx.msk [tilespmem:v13+s2+$0x0], $0xffff;
	_ =	sdelay $0x4  }
0x2b9: {  	s3 =	rddreg [dreg:$0xd];
	[tilespmem:v12+s1+$0x0] =	vst.idx.msk $0xffff, v11  }
0x2ba: {  	[hbm4b:s3+s2] =	stream.linear.scatter [tilespmem:s1], [sflag:$0x2], $0x2000, $0x38;
	[tilespmem:$0x18000] =	vst v63  }
0x2bb: {  	_ =	swait.ge [sflag:s20], $0x2000  }
0x2bc: {  	[sflag:s20] =	ssyncset.done $0x0  }
0x2bd: {  	[sflag:s20] =	ssyncadd.s32 $0xFFFFE000  }
0x2be: {  	_ =	swait.ge [sflag:s20], $0x2000  }
0x2bf: {  	s21 =	sld [smem:$0x7FB];
	_ =	sdelay $0x1  }
0x2c0: {  	s0 =	sadd.s32 $0x1, s0  }
0x2c1: {  	p0 =	sne.s32 s0, s21  }
.Ltmp3:
0x2c2: {  	_ = 	snop;
	(pc) =	sbr.rel @p0 .LBB2_1-.Ltmp3, $3  }
0x2c3: {  	_ =	sdelay $0x1  }
0x2c4: {  	[sflag:s20] =	ssyncset.done $0x0  }
0x2c5: {  	[sflag:s20] =	ssyncadd.s32 $0xFFFFE000  }
0x2c6: {  	_ =	sfence.sel $0x180000  }
0x2c7: {  	[bflag:$0x0] =	sbarrier.arrive $0xFFFF  }
0x2c8: {  	_ =	strace $0x90000047  }
0x2c9: {  	s0 =	stileid.u32;
	[bflag:$0x2] =	sbarrier.arrive $0xFFFF  }
0x2ca: {  	p0 =	sne.s32 s0, $0x0;
	s0 =	rddreg [dreg:$0x1]  }
0x2cb: {  	s0 =	sadd.s32 @!p0 $0x100000, s0  }
0x2cc: {  	[sflag:s0] =	ssyncadd.tile.s32 @!p0 $0x1;
	_ =	shalt  }
.Lfunc_end2:
_tile_overlayer_lowered:
.L_overlay_start_2:
0x2cd: {  	(tag) =	ssettag $0x2  }
0x2ce: {  	s0 =	rddreg [dreg:$0x0];
	s2 =	stileid.u32  }
0x2cf: {  	s1 =	rddreg [dreg:$0x1];
	p0 =	sne.s32 s2, $0x0  }
0x2d0: {  	s3 =	rddreg [dreg:$0x2];
	[bflag:$0x3] =	sbarrier.arrive $0xFFFF;
	s2 =	simm.s32 @!p0 $0x1C03  }
0x2d1: {  	[timem:s3], [sflag:s2] =	dma.local @!p0 [hbm:s0], s1  }
0x2d2: {  	s0 =	simm.s32 @!p0 $0x3  }
0x2d3: {  	_ =	swait.ge @!p0 [sflag:s0], s1  }
0x2d4: {  	s1 =	ssub.s32 @!p0 $0x0, s1;
	[sflag:s0] =	ssyncset.done @!p0 $0x0  }
0x2d5: {  	[sflag:s0] =	ssyncadd.s32 @!p0 s1  }
0x2d6: {  	[bflag:$0x3] =	sbarrier.arrive $0xFFFF  }
0x2d7: {  	_ =	shalt  }

</sc_bundles>
